<compile_context>
chip_gen: v7x
topology: tpu7x:2x2x1
jax: 0.10.2.dev20260603
libtpu: 0.0.44.dev20260713+nightly
codegen_flags: <defaults>
</compile_context>

<pallas_src>
import jax
import jax.numpy as jnp
from jax import lax
from jax.experimental import pallas as pl
from jax.experimental.pallas import tpu as pltpu
from jax.experimental.pallas import tpu_sc as plsc

N = 10000
E = 160000
D = 256
HD = 128
NL = 5000
NLP = 5120
NP = 10240
NC = 2
NS = 16

_SC_MESH = dict(core_axis_name="c", subcore_axis_name="s",
                num_cores=NC, num_subcores=NS)


_DCH = 125
_NDCH = E // NC // NS // _DCH


def _sc_deg_body(dst4_hbm, degp_hbm, didx_d, onesv, bounce, deg_sh):
    s = lax.axis_index("s")
    c = lax.axis_index("c")

    def _zero16(i, carry):
        bounce[pl.ds(i * 16, 16)] = jnp.zeros((16,), jnp.float32)
        return carry

    lax.fori_loop(0, 640 // 16, _zero16, 0)
    pltpu.sync_copy(bounce, deg_sh.at[pl.ds(s * 640, 640)])
    pltpu.sync_copy(dst4_hbm.at[c, s], didx_d)

    def _ones16(i, carry):
        onesv[pl.ds(i * 16, 16)] = jnp.ones((16,), jnp.float32)
        return carry

    lax.fori_loop(0, _DCH // 16, _ones16, 0)
    onesv[pl.ds(_DCH - 16, 16)] = jnp.ones((16,), jnp.float32)
    plsc.subcore_barrier()

    def _step(j, carry):
        pltpu.sync_copy(onesv, deg_sh.at[didx_d.at[j]], add=True)
        return carry

    lax.fori_loop(0, _NDCH, _step, 0)
    plsc.subcore_barrier()

    pltpu.sync_copy(deg_sh.at[pl.ds(s * 640, 640)], bounce)
    pltpu.sync_copy(bounce, degp_hbm.at[c, pl.ds(s * 640, 640)])


_deg_call = pl.kernel(
    _sc_deg_body,
    out_type=jax.ShapeDtypeStruct((NC, NP), jnp.float32),
    mesh=plsc.VectorSubcoreMesh(**_SC_MESH),
    scratch_types=[
        pltpu.VMEM((_NDCH, _DCH), jnp.int32),
        pltpu.VMEM((_DCH,), jnp.float32),
        pltpu.VMEM((640,), jnp.float32),
        pltpu.VMEM_SHARED((NP,), jnp.float32),
    ],
)


EKA = 100
_NCH = (E // NS) // EKA
_NSUP = 4
_SUP = _NCH // _NSUP


def _agg_edges(hd_hbm, src4_hbm, dst4_hbm, S_hbm,
               sidx_m, didx_m, rows, zb, sems, acc_sh, s, c):

    def _zero16(i, carry):
        zb[i // 8, pl.ds((i % 8) * 16, 16)] = jnp.zeros((16,), jnp.float32)
        return carry

    lax.fori_loop(0, 16 * 8, _zero16, 0)

    def _zshared(j, carry):
        pltpu.sync_copy(zb, acc_sh.at[pl.ds(s * 640 + j * 16, 16)])
        return carry

    lax.fori_loop(0, 640 // 16, _zshared, 0)
    plsc.subcore_barrier()

    gsems, ssems = sems

    def _gwait(k, b):
        pltpu.make_async_copy(hd_hbm.at[c].at[sidx_m.at[k]], rows[b],
                              gsems[b]).wait()

    def _swait(k, b):
        pltpu.make_async_copy(rows[b], acc_sh.at[didx_m.at[k]],
                              ssems[b]).wait()

    def _super(g, carry):
        pltpu.sync_copy(src4_hbm.at[s, g], sidx_m)
        pltpu.sync_copy(dst4_hbm.at[s, g], didx_m)
        pltpu.async_copy(hd_hbm.at[c].at[sidx_m.at[0]], rows[0], gsems[0])
        pltpu.async_copy(hd_hbm.at[c].at[sidx_m.at[1]], rows[1], gsems[1])
        _gwait(0, 0)
        pltpu.async_copy(rows[0], acc_sh.at[didx_m.at[0]], ssems[0], add=True)

        def _pair(i, carry2):
            for b in range(2):
                k = i * 2 + 1 + b
                bb = 1 - b
                nxt = 1 - bb
                _swait(k - 1, nxt)
                pltpu.async_copy(hd_hbm.at[c].at[sidx_m.at[k + 1]],
                                 rows[nxt], gsems[nxt])
                _gwait(k, bb)
                pltpu.async_copy(rows[bb], acc_sh.at[didx_m.at[k]],
                                 ssems[bb], add=True)
            return carry2

        lax.fori_loop(0, (_SUP - 3) // 2, _pair, 0)
        _swait(_SUP - 3, 0)
        pltpu.async_copy(hd_hbm.at[c].at[sidx_m.at[_SUP - 1]], rows[0],
                         gsems[0])
        _gwait(_SUP - 2, 1)
        pltpu.async_copy(rows[1], acc_sh.at[didx_m.at[_SUP - 2]], ssems[1],
                         add=True)
        _gwait(_SUP - 1, 0)
        pltpu.async_copy(rows[0], acc_sh.at[didx_m.at[_SUP - 1]], ssems[0],
                         add=True)
        _swait(_SUP - 2, 1)
        _swait(_SUP - 1, 0)
        return carry

    lax.fori_loop(0, _NSUP, _super, 0)
    plsc.subcore_barrier()

    pltpu.sync_copy(acc_sh.at[pl.ds(s * 640, 640)],
                    S_hbm.at[c].at[pl.ds(s * 640, 640)])


def _sc_agg_body(hd_hbm, src4_hbm, dst4_hbm, S_hbm,
                 sidx_m, didx_m, rows0, rows1, zb,
                 gsem0, gsem1, ssem0, ssem1, acc_sh):
    s = lax.axis_index("s")
    c = lax.axis_index("c")
    _agg_edges(hd_hbm, src4_hbm, dst4_hbm, S_hbm,
               sidx_m, didx_m, (rows0, rows1), zb,
               ((gsem0, gsem1), (ssem0, ssem1)), acc_sh, s, c)


_agg_call = pl.kernel(
    _sc_agg_body,
    out_type=jax.ShapeDtypeStruct((NC, NP, HD), jnp.float32),
    mesh=plsc.VectorSubcoreMesh(**_SC_MESH),
    scratch_types=[
        pltpu.VMEM((_SUP, EKA), jnp.int32),
        pltpu.VMEM((_SUP, EKA), jnp.int32),
        pltpu.VMEM((EKA, HD), jnp.float32),
        pltpu.VMEM((EKA, HD), jnp.float32),
        pltpu.VMEM((16, HD), jnp.float32),
        pltpu.SemaphoreType.DMA,
        pltpu.SemaphoreType.DMA,
        pltpu.SemaphoreType.DMA,
        pltpu.SemaphoreType.DMA,
        pltpu.VMEM_SHARED((NP, HD), jnp.float32),
    ],
)


_LCH = 80
_NLCH = NLP // NS // _LCH


def _sc_agg_leaf_body(hd_hbm, src4_hbm, dst4_hbm, li3_hbm, dinv_hbm,
                      S_hbm, gS_hbm, gH_hbm, gd_hbm,
                      sidx_m, didx_m, rows0, rows1, zb, lidx, ldv,
                      sem0, sem1, ssem0, ssem1, acc_sh):
    s = lax.axis_index("s")
    c = lax.axis_index("c")
    _agg_edges(hd_hbm, src4_hbm, dst4_hbm, S_hbm,
               sidx_m, didx_m, (rows0, rows1), zb,
               ((sem0, sem1), (ssem0, ssem1)), acc_sh, s, c)
    plsc.subcore_barrier()

    lrows = rows0.at[pl.ds(0, _LCH)]

    def _leaf(q, carry):
        base = s * (_NLCH * _LCH) + q * _LCH
        pltpu.sync_copy(li3_hbm.at[s, q], lidx)
        pltpu.async_copy(S_hbm.at[c].at[lidx], lrows, sem0).wait()
        pltpu.sync_copy(lrows, gS_hbm.at[c].at[pl.ds(base, _LCH)])
        pltpu.async_copy(hd_hbm.at[c].at[lidx], lrows, sem0).wait()
        pltpu.sync_copy(lrows, gH_hbm.at[c].at[pl.ds(base, _LCH)])

        @pl.when(c == lax.rem(q, 2))
        def _():
            pltpu.async_copy(dinv_hbm.at[lidx], ldv, sem1).wait()
            pltpu.sync_copy(ldv, gd_hbm.at[pl.ds(base, _LCH)])

        return carry

    lax.fori_loop(0, _NLCH, _leaf, 0)


_agg_leaf_call = pl.kernel(
    _sc_agg_leaf_body,
    out_type=[
        jax.ShapeDtypeStruct((NC, NP, HD), jnp.float32),
        jax.ShapeDtypeStruct((NC, NLP, HD), jnp.float32),
        jax.ShapeDtypeStruct((NC, NLP, HD), jnp.float32),
        jax.ShapeDtypeStruct((NLP,), jnp.float32),
    ],
    mesh=plsc.VectorSubcoreMesh(**_SC_MESH),
    scratch_types=[
        pltpu.VMEM((_SUP, EKA), jnp.int32),
        pltpu.VMEM((_SUP, EKA), jnp.int32),
        pltpu.VMEM((EKA, HD), jnp.float32),
        pltpu.VMEM((EKA, HD), jnp.float32),
        pltpu.VMEM((16, HD), jnp.float32),
        pltpu.VMEM((_LCH,), jnp.int32),
        pltpu.VMEM((_LCH,), jnp.float32),
        pltpu.SemaphoreType.DMA,
        pltpu.SemaphoreType.DMA,
        pltpu.SemaphoreType.DMA,
        pltpu.SemaphoreType.DMA,
        pltpu.VMEM_SHARED((NP, HD), jnp.float32),
    ],
)


_RB = 2000


def _tc_a_body(degp_ref, x_ref, w1_ref, hd_ref, dinv_ref):
    deg = degp_ref[0] + degp_ref[1] + 1.0
    dinv = lax.rsqrt(deg)
    hw = jnp.dot(x_ref[...], w1_ref[...], preferred_element_type=jnp.float32)
    hd_ref[0] = hw[:, :HD] * dinv
    hd_ref[1] = hw[:, HD:] * dinv
    dinv_ref[...] = dinv


def _stage_a(degp, x, W1):
    return pl.pallas_call(
        _tc_a_body,
        grid=(N // _RB,),
        in_specs=[
            pl.BlockSpec((NC, _RB, 1), lambda i: (0, i, 0)),
            pl.BlockSpec((_RB, D), lambda i: (i, 0)),
            pl.BlockSpec((D, D), lambda i: (0, 0)),
        ],
        out_specs=[
            pl.BlockSpec((NC, _RB, HD), lambda i: (0, i, 0)),
            pl.BlockSpec((_RB, 1), lambda i: (i, 0)),
        ],
        out_shape=[
            jax.ShapeDtypeStruct((NC, N, HD), jnp.float32),
            jax.ShapeDtypeStruct((N, 1), jnp.float32),
        ],
    )(degp, x, W1)


def _tc_b_body(S_ref, hd_ref, dinv_ref, b_ref, w2_ref, hd2_ref):
    dinv = dinv_ref[...]
    t = jnp.concatenate([S_ref[0] + hd_ref[0], S_ref[1] + hd_ref[1]], axis=1)
    h1 = jnp.maximum(t * dinv + b_ref[...], 0.0)
    hw2 = jnp.dot(h1, w2_ref[...], preferred_element_type=jnp.float32)
    hd2_ref[0] = hw2[:, :HD] * dinv
    hd2_ref[1] = hw2[:, HD:] * dinv


def _stage_b(S1, hd1, dinv, b1, W2):
    return pl.pallas_call(
        _tc_b_body,
        grid=(N // _RB,),
        in_specs=[
            pl.BlockSpec((NC, _RB, HD), lambda i: (0, i, 0)),
            pl.BlockSpec((NC, _RB, HD), lambda i: (0, i, 0)),
            pl.BlockSpec((_RB, 1), lambda i: (i, 0)),
            pl.BlockSpec((1, D), lambda i: (0, 0)),
            pl.BlockSpec((D, D), lambda i: (0, 0)),
        ],
        out_specs=[
            pl.BlockSpec((NC, _RB, HD), lambda i: (0, i, 0)),
        ],
        out_shape=[
            jax.ShapeDtypeStruct((NC, N, HD), jnp.float32),
        ],
    )(S1, hd1, dinv, b1, W2)[0]


_NBLK = N // _RB


def _tc_d_body(S_ref, hd_ref, dinv_ref, b2_ref, gS_ref, gH_ref, gd_ref,
               cw_ref, wa_ref, wh_ref, wc_ref, bs1_ref, ws2_ref, bs2_ref,
               out_ref, cs_ref):
    i = pl.program_id(0)

    @pl.when(i == 0)
    def _():
        cs_ref[...] = jnp.zeros_like(cs_ref)

    @pl.when(i < _NBLK)
    def _():
        t = jnp.concatenate([S_ref[0] + hd_ref[0], S_ref[1] + hd_ref[1]],
                            axis=1) * dinv_ref[...]
        cs_ref[...] += jnp.sum(t, axis=0, keepdims=True)

    @pl.when(i == _NBLK)
    def _():
        b2 = b2_ref[...]
        gh = cs_ref[...] * (1.0 / N) + b2
        h2l = (jnp.concatenate([gS_ref[0] + gH_ref[0], gS_ref[1] + gH_ref[1]],
                               axis=1) * gd_ref[...] + b2)
        c0 = (jnp.dot(cw_ref[...], wa_ref[...],
                      preferred_element_type=jnp.float32)
              + jnp.dot(gh, wc_ref[...], preferred_element_type=jnp.float32)
              + bs1_ref[...])
        sact = jnp.dot(h2l, wh_ref[...], preferred_element_type=jnp.float32)
        sact = jnp.maximum(sact + c0, 0.0)
        logits = (jnp.dot(sact, ws2_ref[...],
                          preferred_element_type=jnp.float32) + bs2_ref[...])
        rows = lax.broadcasted_iota(jnp.int32, (NLP, 1), 0)
        logits = jnp.where(rows < NL, logits, -1e30)
        m = jnp.max(logits)
        p = jnp.exp(logits - m)
        out_ref[...] = p / jnp.sum(p)


def _stage_d(S2, hd2, dinv, b2, gS, gH, gd, cw, Wa, Wh, Wc, bs1, Ws2, bs2):
    blk = lambda i: (0, jnp.minimum(i, _NBLK - 1), 0)
    rowblk = lambda i: (jnp.minimum(i, _NBLK - 1), 0)
    full3 = lambda i: (0, 0, 0)
    full2 = lambda i: (0, 0)
    return pl.pallas_call(
        _tc_d_body,
        grid=(_NBLK + 1,),
        in_specs=[
            pl.BlockSpec((NC, _RB, HD), blk),
            pl.BlockSpec((NC, _RB, HD), blk),
            pl.BlockSpec((_RB, 1), rowblk),
            pl.BlockSpec((1, D), full2),
            pl.BlockSpec((NC, NLP, HD), full3),
            pl.BlockSpec((NC, NLP, HD), full3),
            pl.BlockSpec((NLP, 1), full2),
            pl.BlockSpec((1, D), full2),
            pl.BlockSpec((D, D), full2),
            pl.BlockSpec((D, D), full2),
            pl.BlockSpec((D, D), full2),
            pl.BlockSpec((1, D), full2),
            pl.BlockSpec((D, 1), full2),
            pl.BlockSpec((1, 1), full2),
        ],
        out_specs=pl.BlockSpec((NLP, 1), full2),
        out_shape=jax.ShapeDtypeStruct((NLP, 1), jnp.float32),
        scratch_shapes=[pltpu.VMEM((1, D), jnp.float32)],
    )(S2, hd2, dinv, b2, gS, gH, gd, cw, Wa, Wh, Wc, bs1, Ws2, bs2)


def kernel(x, edge_index, chosen_wordemb, leave_inds, W1, b1, W2, b2,
           Ws1, bs1, Ws2, bs2):
    src = edge_index[0].astype(jnp.int32)
    dst = edge_index[1].astype(jnp.int32)
    li = jnp.pad(leave_inds.astype(jnp.int32), (0, NLP - NL))
    li3 = li.reshape(NS, _NLCH, _LCH)

    dst4 = dst.reshape(NC, NS, _NDCH, _DCH)
    degp = _deg_call(dst4)
    degp3 = degp[:, :N, None]

    src3 = src.reshape(NS, _NSUP, _SUP, EKA)
    dst3 = dst.reshape(NS, _NSUP, _SUP, EKA)
    hd1, dinv = _stage_a(degp3, x, W1)
    S1 = _agg_call(hd1, src3, dst3)
    hd2 = _stage_b(S1, hd1, dinv, b1.reshape(1, D), W2)
    S2, gS, gH, gd = _agg_leaf_call(hd2, src3, dst3, li3, dinv.reshape(-1))

    cw = chosen_wordemb.reshape(1, D)
    Wa, Wh, Wc = Ws1[:D], Ws1[D:2 * D], Ws1[2 * D:]
    scores = _stage_d(S2, hd2, dinv, b2.reshape(1, D), gS, gH,
                      gd.reshape(NLP, 1), cw, Wa, Wh, Wc,
                      bs1.reshape(1, D), Ws2, bs2.reshape(1, 1))
    return scores.reshape(-1)[:NL]

# --- scband reference (transcript-rebuilt; emitter-appended) ---
"""Pipeline reference for scband-pos-choser-67207648248114 (READ-ONLY COPY).

The authoritative reference and input builder live on the scoring server;
editing this copy changes nothing except your own understanding.
"""

import jax, jax.numpy as jnp
import numpy as np

N_NODES = 10000
N_EDGES = 160000
NODE_DIM = 256
EMB_DIM = 256
N_LEAVES = 5000


def setup_inputs(seed: int = 0) -> dict:
    key = jax.random.key(seed)
    ks = jax.random.split(key, 12)
    x = jax.random.normal(ks[0], (N_NODES, NODE_DIM), dtype=jnp.float32)
    edge_index = jax.random.randint(ks[1], (2, N_EDGES), 0, N_NODES, dtype=jnp.int64)
    chosen_wordemb = jax.random.normal(ks[2], (EMB_DIM,), dtype=jnp.float32)
    leave_inds = jax.random.randint(ks[3], (N_LEAVES,), 0, N_NODES, dtype=jnp.int64)
    # GCN parameters (2-layer GCN: node_dim -> node_dim -> node_dim)
    s1 = 1.0 / np.sqrt(NODE_DIM)
    W1 = jax.random.uniform(ks[4], (NODE_DIM, NODE_DIM), dtype=jnp.float32, minval=-s1, maxval=s1)
    b1 = jnp.zeros((NODE_DIM,), dtype=jnp.float32)
    W2 = jax.random.uniform(ks[5], (NODE_DIM, NODE_DIM), dtype=jnp.float32, minval=-s1, maxval=s1)
    b2 = jnp.zeros((NODE_DIM,), dtype=jnp.float32)
    # score_cal MLP: Linear(inp_dim, node_dim) -> ReLU -> Linear(node_dim, 1)
    inp_dim = NODE_DIM * 2 + EMB_DIM
    s2 = 1.0 / np.sqrt(inp_dim)
    Ws1 = jax.random.uniform(ks[6], (inp_dim, NODE_DIM), dtype=jnp.float32, minval=-s2, maxval=s2)
    bs1 = jnp.zeros((NODE_DIM,), dtype=jnp.float32)
    Ws2 = jax.random.uniform(ks[7], (NODE_DIM, 1), dtype=jnp.float32, minval=-s1, maxval=s1)
    bs2 = jnp.zeros((1,), dtype=jnp.float32)
    return {
        "x": x, "edge_index": edge_index, "chosen_wordemb": chosen_wordemb,
        "leave_inds": leave_inds, "W1": W1, "b1": b1, "W2": W2, "b2": b2,
        "Ws1": Ws1, "bs1": bs1, "Ws2": Ws2, "bs2": bs2,
    }


def reference(x, edge_index, chosen_wordemb, leave_inds, W1, b1, W2, b2, Ws1, bs1, Ws2, bs2):
    N = x.shape[0]
    src = edge_index[0]
    dst = edge_index[1]
    # GCN normalization with self-loops: D^{-1/2} (A + I) D^{-1/2}
    deg = jnp.zeros((N,), dtype=x.dtype).at[dst].add(1.0) + 1.0
    dinv = jax.lax.rsqrt(deg)
    norm = dinv[src] * dinv[dst]

    def gcn_layer(h, W, b):
        h = h @ W
        msg = h[src] * norm[:, None]
        agg = jnp.zeros_like(h).at[dst].add(msg)
        agg = agg + h * (1.0 / deg)[:, None]  # self-loop contribution
        return agg + b

    h = jax.nn.relu(gcn_layer(x, W1, b1))
    h = gcn_layer(h, W2, b2)  # node_embs after GCN

    # graph aggregation (mean over nodes), repeated per node
    graph_hidden = jnp.mean(h, axis=0)
    graph_hidden = jnp.broadcast_to(graph_hidden[None, :], (N, NODE_DIM))
    word_embs = jnp.broadcast_to(chosen_wordemb[None, :], (N, EMB_DIM))

    node_hidden = jnp.concatenate([h, graph_hidden], axis=1)
    node_hidden = jnp.concatenate([word_embs, node_hidden], axis=1)

    # gather leaf states and score them
    leave_states = node_hidden[leave_inds]
    hidden = jax.nn.relu(leave_states @ Ws1 + bs1)
    scores = (hidden @ Ws2 + bs2).reshape(-1)
    scores = jax.nn.softmax(scores)
    return scores

if __name__ == "__main__":
    import jax
    _d = setup_inputs()
    print(jax.jit(kernel)(*tuple(_d.values())))

</pallas_src>

<mosaic_0001>
#map = affine_map<(d0, d1) -> (0, 0, 0)>
#map1 = affine_map<(d0, d1) -> (0, 0, 0, 0)>
#map2 = affine_map<(d0, d1) -> (0)>
module attributes {stable_mosaic.version = 14 : i64} {
  func.func @_sc_agg_leaf_body(%arg0: i32, %arg1: i32, %arg2: memref<2x10000x128xf32, #tpu.memory_space<hbm>>, %arg3: memref<16x4x25x100xi32, #tpu.memory_space<hbm>>, %arg4: memref<16x4x25x100xi32, #tpu.memory_space<hbm>>, %arg5: memref<16x4x80xi32, #tpu.memory_space<hbm>>, %arg6: memref<10000xf32, #tpu.memory_space<hbm>>, %arg7: memref<2x10240x128xf32, #tpu.memory_space<hbm>>, %arg8: memref<2x5120x128xf32, #tpu.memory_space<hbm>>, %arg9: memref<2x5120x128xf32, #tpu.memory_space<hbm>>, %arg10: memref<5120xf32, #tpu.memory_space<hbm>>, %arg11: memref<25x100xi32, #tpu.memory_space<vmem>>, %arg12: memref<25x100xi32, #tpu.memory_space<vmem>>, %arg13: memref<100x128xf32, #tpu.memory_space<vmem>>, %arg14: memref<100x128xf32, #tpu.memory_space<vmem>>, %arg15: memref<16x128xf32, #tpu.memory_space<vmem>>, %arg16: memref<80xi32, #tpu.memory_space<vmem>>, %arg17: memref<80xf32, #tpu.memory_space<vmem>>, %arg18: memref<!tpu.dma_semaphore, #tpu.memory_space<semaphore_mem>>, %arg19: memref<!tpu.dma_semaphore, #tpu.memory_space<semaphore_mem>>, %arg20: memref<!tpu.dma_semaphore, #tpu.memory_space<semaphore_mem>>, %arg21: memref<!tpu.dma_semaphore, #tpu.memory_space<semaphore_mem>>, %arg22: memref<10240x128xf32, #tpu.memory_space<vmem_shared>>) attributes {dimension_semantics = [#tpu.dimension_semantics<core_parallel>, #tpu.dimension_semantics<subcore_parallel>], iteration_bounds = array<i64: 2, 16>, scalar_prefetch = 0 : i64, scratch_operands = 12 : i64, tpu.core_type = #tpu.core_type<sc_vector_subcore>, window_params = [{transform_indices = #map}, {transform_indices = #map1}, {transform_indices = #map1}, {transform_indices = #map}, {transform_indices = #map2}, {transform_indices = #map}, {transform_indices = #map}, {transform_indices = #map}, {transform_indices = #map2}]} {
    %scan3A = arith.constant 0 : i32
    %scan3A_0 = arith.constant 0 : i32
    %scan3A_1 = arith.constant 128 : i32
    %scan3A_2 = arith.addi %scan3A_0, %scan3A_1 : i32
    %scan3A_3 = arith.constant 1 : i32
    scf.for %scan3A_28 = %scan3A_0 to %scan3A_2 step %scan3A_3  : i32 {
      %broadcast_in_dim3A = arith.constant 0.000000e+00 : f32
      %broadcast_in_dim3A_29 = vector.broadcast %broadcast_in_dim3A : f32 to vector<16xf32>
      %jit3A = arith.constant 8 : i32
      %div3A = arith.divsi %scan3A_28, %jit3A : i32
      %sign3A = arith.constant 0 : i32
      %sign3A_30 = arith.cmpi sgt, %scan3A_28, %sign3A : i32
      %sign3A_31 = arith.extui %sign3A_30 : i1 to i32
      %sign3A_32 = arith.constant 0 : i32
      %sign3A_33 = arith.cmpi slt, %scan3A_28, %sign3A_32 : i32
      %sign3A_34 = arith.extui %sign3A_33 : i1 to i32
      %sign3A_35 = arith.subi %sign3A_31, %sign3A_34 : i32
      %sign3A_36 = arith.constant 0 : i32
      %sign3A_37 = arith.cmpi sgt, %jit3A, %sign3A_36 : i32
      %sign3A_38 = arith.extui %sign3A_37 : i1 to i32
      %sign3A_39 = arith.constant 0 : i32
      %sign3A_40 = arith.cmpi slt, %jit3A, %sign3A_39 : i32
      %sign3A_41 = arith.extui %sign3A_40 : i1 to i32
      %sign3A_42 = arith.subi %sign3A_38, %sign3A_41 : i32
      %ne3A = arith.cmpi ne, %sign3A_35, %sign3A_42 : i32
      %rem3A = arith.remsi %scan3A_28, %jit3A : i32
      %ne3A_43 = arith.constant 0 : i32
      %ne3A_44 = arith.cmpi ne, %rem3A, %ne3A_43 : i32
      %and3A = arith.andi %ne3A, %ne3A_44 : i1
      %sub3A = arith.constant 1 : i32
      %sub3A_45 = arith.subi %div3A, %sub3A : i32
      %select_n3A = arith.select %and3A, %sub3A_45, %div3A : i32
      %jit3A_46 = arith.constant 8 : i32
      %eq3A = arith.constant 0 : i32
      %eq3A_47 = arith.cmpi eq, %jit3A_46, %eq3A : i32
      %jit3A_48 = arith.constant 1 : i32
      %select_n3A_49 = arith.select %eq3A_47, %jit3A_48, %jit3A_46 : i32
      %rem3A_50 = arith.remsi %scan3A_28, %select_n3A_49 : i32
      %ne3A_51 = arith.constant 0 : i32
      %ne3A_52 = arith.cmpi ne, %rem3A_50, %ne3A_51 : i32
      %lt3A = arith.constant 0 : i32
      %lt3A_53 = arith.cmpi slt, %rem3A_50, %lt3A : i32
      %lt3A_54 = arith.constant 0 : i32
      %lt3A_55 = arith.cmpi slt, %select_n3A_49, %lt3A_54 : i32
      %ne3A_56 = arith.xori %lt3A_53, %lt3A_55 : i1
      %and3A_57 = arith.andi %ne3A_56, %ne3A_52 : i1
      %add3A = arith.addi %rem3A_50, %select_n3A_49 : i32
      %select_n3A_58 = arith.select %and3A_57, %add3A, %rem3A_50 : i32
      %mul3A_59 = arith.constant 16 : i32
      %mul3A_60 = arith.muli %select_n3A_58, %mul3A_59 : i32
      %swap3A = arith.index_cast %select_n3A : i32 to index
      %swap3A_61 = arith.index_cast %mul3A_60 : i32 to index
      %swap3A_62 = tpu.vector_load %arg15[%swap3A, %swap3A_61] {strides = array<i32>} : memref<16x128xf32, #tpu.memory_space<vmem>>, vector<1x16xf32>,
      %swap3A_63 = vector.shape_cast %swap3A_62 : vector<1x16xf32> to vector<16xf32>
      %swap3A_64 = vector.shape_cast %broadcast_in_dim3A_29 : vector<16xf32> to vector<1x16xf32>
      tpu.vector_store %arg15[%swap3A, %swap3A_61], %swap3A_64 {strides = array<i32>} : memref<16x128xf32, #tpu.memory_space<vmem>>, vector<1x16xf32>,
    }
    %scan3A_4 = arith.constant 128 : i32
    %scan3A_5 = arith.constant 0 : i32
    %scan3A_6 = arith.constant 0 : i32
    %scan3A_7 = arith.constant 40 : i32
    %scan3A_8 = arith.addi %scan3A_6, %scan3A_7 : i32
    %scan3A_9 = arith.constant 1 : i32
    scf.for %scan3A_28 = %scan3A_6 to %scan3A_8 step %scan3A_9  : i32 {
      %mul3A_29 = arith.constant 640 : i32
      %mul3A_30 = arith.muli %arg1, %mul3A_29 : i32
      %mul3A_31 = arith.constant 16 : i32
      %mul3A_32 = arith.muli %scan3A_28, %mul3A_31 : i32
      %add3A = arith.addi %mul3A_30, %mul3A_32 : i32
      "tpu.region"() ({
        %run_scoped3A = tpu.sem_alloc : memref<!tpu.dma_semaphore, #tpu.memory_space<semaphore_mem>>
        %dma_start3A = arith.constant 0 : i32
        %dma_start3A_33 = tpu.memref_slice %arg22[%add3A, %dma_start3A] : memref<10240x128xf32, #tpu.memory_space<vmem_shared>> -> memref<16x128xf32, #tpu.memory_space<vmem_shared>>
        %dma_start3A_34 = arith.constant 0 : i32
        %dma_start3A_35 = tpu.memref_slice %arg22[%add3A, %dma_start3A_34] : memref<10240x128xf32, #tpu.memory_space<vmem_shared>> -> memref<16x128xf32, #tpu.memory_space<vmem_shared>>
        tpu.enqueue_dma source(%arg15 : memref<16x128xf32, #tpu.memory_space<vmem>>) target(%dma_start3A_35 : memref<16x128xf32, #tpu.memory_space<vmem_shared>>) target_semaphore(%run_scoped3A : memref<!tpu.dma_semaphore, #tpu.memory_space<semaphore_mem>>)
        %dma_wait3A = arith.constant 0 : i32
        %dma_wait3A_36 = tpu.memref_slice %arg22[%add3A, %dma_wait3A] : memref<10240x128xf32, #tpu.memory_space<vmem_shared>> -> memref<16x128xf32, #tpu.memory_space<vmem_shared>>
        %dma_wait3A_37 = arith.constant 0 : i32
        %dma_wait3A_38 = tpu.memref_slice %arg22[%add3A, %dma_wait3A_37] : memref<10240x128xf32, #tpu.memory_space<vmem_shared>> -> memref<16x128xf32, #tpu.memory_space<vmem_shared>>
        tpu.wait_dma2 semaphore(%run_scoped3A : memref<!tpu.dma_semaphore, #tpu.memory_space<semaphore_mem>>) src(%arg15 : memref<16x128xf32, #tpu.memory_space<vmem>>) dst(%dma_wait3A_38 : memref<16x128xf32, #tpu.memory_space<vmem_shared>>)
        tpu.yield
      }) : () -> ()
    }
    %scan3A_10 = arith.constant 40 : i32
    %barrier3A = arith.constant 0 : index
    tpu.barrier barrier_id(%barrier3A)
    %scan3A_11 = arith.constant 0 : i32
    %scan3A_12 = arith.constant 0 : i32
    %scan3A_13 = arith.constant 4 : i32
    %scan3A_14 = arith.addi %scan3A_12, %scan3A_13 : i32
    %scan3A_15 = arith.constant 1 : i32
    scf.for %scan3A_28 = %scan3A_12 to %scan3A_14 step %scan3A_15  : i32 {
      "tpu.region"() ({
        %run_scoped3A = tpu.sem_alloc : memref<!tpu.dma_semaphore, #tpu.memory_space<semaphore_mem>>
        %dma_start3A_141 = arith.constant 0 : i32
        %dma_start3A_142 = arith.constant 0 : i32
        %dma_start3A_143 = tpu.memref_slice %arg3[%arg1, %scan3A_28, %dma_start3A_141, %dma_start3A_142] : memref<16x4x25x100xi32, #tpu.memory_space<hbm>> -> memref<1x1x25x100xi32, #tpu.memory_space<hbm>>
        %dma_start3A_144 = tpu.memref_squeeze %dma_start3A_143 : memref<1x1x25x100xi32, #tpu.memory_space<hbm>> -> memref<25x100xi32, #tpu.memory_space<hbm>>
        %dma_start3A_145 = arith.constant 0 : i32
        %dma_start3A_146 = arith.constant 0 : i32
        %dma_start3A_147 = tpu.memref_slice %arg3[%arg1, %scan3A_28, %dma_start3A_145, %dma_start3A_146] : memref<16x4x25x100xi32, #tpu.memory_space<hbm>> -> memref<1x1x25x100xi32, #tpu.memory_space<hbm>>
        %dma_start3A_148 = tpu.memref_squeeze %dma_start3A_147 : memref<1x1x25x100xi32, #tpu.memory_space<hbm>> -> memref<25x100xi32, #tpu.memory_space<hbm>>
        tpu.enqueue_dma source(%dma_start3A_148 : memref<25x100xi32, #tpu.memory_space<hbm>>) target(%arg11 : memref<25x100xi32, #tpu.memory_space<vmem>>) target_semaphore(%run_scoped3A : memref<!tpu.dma_semaphore, #tpu.memory_space<semaphore_mem>>)
        %dma_wait3A_149 = arith.constant 0 : i32
        %dma_wait3A_150 = arith.constant 0 : i32
        %dma_wait3A_151 = tpu.memref_slice %arg3[%arg1, %scan3A_28, %dma_wait3A_149, %dma_wait3A_150] : memref<16x4x25x100xi32, #tpu.memory_space<hbm>> -> memref<1x1x25x100xi32, #tpu.memory_space<hbm>>
        %dma_wait3A_152 = tpu.memref_squeeze %dma_wait3A_151 : memref<1x1x25x100xi32, #tpu.memory_space<hbm>> -> memref<25x100xi32, #tpu.memory_space<hbm>>
        %dma_wait3A_153 = arith.constant 0 : i32
        %dma_wait3A_154 = arith.constant 0 : i32
        %dma_wait3A_155 = tpu.memref_slice %arg3[%arg1, %scan3A_28, %dma_wait3A_153, %dma_wait3A_154] : memref<16x4x25x100xi32, #tpu.memory_space<hbm>> -> memref<1x1x25x100xi32, #tpu.memory_space<hbm>>
        %dma_wait3A_156 = tpu.memref_squeeze %dma_wait3A_155 : memref<1x1x25x100xi32, #tpu.memory_space<hbm>> -> memref<25x100xi32, #tpu.memory_space<hbm>>
        tpu.wait_dma2 semaphore(%run_scoped3A : memref<!tpu.dma_semaphore, #tpu.memory_space<semaphore_mem>>) src(%dma_wait3A_156 : memref<25x100xi32, #tpu.memory_space<hbm>>) dst(%arg11 : memref<25x100xi32, #tpu.memory_space<vmem>>)
        tpu.yield
      }) : () -> ()
      "tpu.region"() ({
        %run_scoped3A = tpu.sem_alloc : memref<!tpu.dma_semaphore, #tpu.memory_space<semaphore_mem>>
        %dma_start3A_141 = arith.constant 0 : i32
        %dma_start3A_142 = arith.constant 0 : i32
        %dma_start3A_143 = tpu.memref_slice %arg4[%arg1, %scan3A_28, %dma_start3A_141, %dma_start3A_142] : memref<16x4x25x100xi32, #tpu.memory_space<hbm>> -> memref<1x1x25x100xi32, #tpu.memory_space<hbm>>
        %dma_start3A_144 = tpu.memref_squeeze %dma_start3A_143 : memref<1x1x25x100xi32, #tpu.memory_space<hbm>> -> memref<25x100xi32, #tpu.memory_space<hbm>>
        %dma_start3A_145 = arith.constant 0 : i32
        %dma_start3A_146 = arith.constant 0 : i32
        %dma_start3A_147 = tpu.memref_slice %arg4[%arg1, %scan3A_28, %dma_start3A_145, %dma_start3A_146] : memref<16x4x25x100xi32, #tpu.memory_space<hbm>> -> memref<1x1x25x100xi32, #tpu.memory_space<hbm>>
        %dma_start3A_148 = tpu.memref_squeeze %dma_start3A_147 : memref<1x1x25x100xi32, #tpu.memory_space<hbm>> -> memref<25x100xi32, #tpu.memory_space<hbm>>
        tpu.enqueue_dma source(%dma_start3A_148 : memref<25x100xi32, #tpu.memory_space<hbm>>) target(%arg12 : memref<25x100xi32, #tpu.memory_space<vmem>>) target_semaphore(%run_scoped3A : memref<!tpu.dma_semaphore, #tpu.memory_space<semaphore_mem>>)
        %dma_wait3A_149 = arith.constant 0 : i32
        %dma_wait3A_150 = arith.constant 0 : i32
        %dma_wait3A_151 = tpu.memref_slice %arg4[%arg1, %scan3A_28, %dma_wait3A_149, %dma_wait3A_150] : memref<16x4x25x100xi32, #tpu.memory_space<hbm>> -> memref<1x1x25x100xi32, #tpu.memory_space<hbm>>
        %dma_wait3A_152 = tpu.memref_squeeze %dma_wait3A_151 : memref<1x1x25x100xi32, #tpu.memory_space<hbm>> -> memref<25x100xi32, #tpu.memory_space<hbm>>
        %dma_wait3A_153 = arith.constant 0 : i32
        %dma_wait3A_154 = arith.constant 0 : i32
        %dma_wait3A_155 = tpu.memref_slice %arg4[%arg1, %scan3A_28, %dma_wait3A_153, %dma_wait3A_154] : memref<16x4x25x100xi32, #tpu.memory_space<hbm>> -> memref<1x1x25x100xi32, #tpu.memory_space<hbm>>
        %dma_wait3A_156 = tpu.memref_squeeze %dma_wait3A_155 : memref<1x1x25x100xi32, #tpu.memory_space<hbm>> -> memref<25x100xi32, #tpu.memory_space<hbm>>
        tpu.wait_dma2 semaphore(%run_scoped3A : memref<!tpu.dma_semaphore, #tpu.memory_space<semaphore_mem>>) src(%dma_wait3A_156 : memref<25x100xi32, #tpu.memory_space<hbm>>) dst(%arg12 : memref<25x100xi32, #tpu.memory_space<vmem>>)
        tpu.yield
      }) : () -> ()
      %dma_start3A = arith.constant 0 : i32
      %dma_start3A_29 = arith.constant 0 : i32
      %dma_start3A_30 = tpu.memref_slice %arg11[%dma_start3A, %dma_start3A_29] : memref<25x100xi32, #tpu.memory_space<vmem>> -> memref<1x100xi32, #tpu.memory_space<vmem>>
      %dma_start3A_31 = tpu.memref_squeeze %dma_start3A_30 : memref<1x100xi32, #tpu.memory_space<vmem>> -> memref<100xi32, #tpu.memory_space<vmem>>
      %dma_start3A_32 = arith.constant 0 : i32
      %dma_start3A_33 = arith.constant 0 : i32
      %dma_start3A_34 = tpu.memref_slice %arg2[%arg0, %dma_start3A_32, %dma_start3A_33] : memref<2x10000x128xf32, #tpu.memory_space<hbm>> -> memref<1x10000x128xf32, #tpu.memory_space<hbm>>
      %dma_start3A_35 = tpu.memref_squeeze %dma_start3A_34 : memref<1x10000x128xf32, #tpu.memory_space<hbm>> -> memref<10000x128xf32, #tpu.memory_space<hbm>>
      %dma_start3A_36 = arith.constant 0 : i32
      %dma_start3A_37 = arith.constant 0 : i32
      %dma_start3A_38 = tpu.memref_slice %dma_start3A_35[%dma_start3A_36, %dma_start3A_37] : memref<10000x128xf32, #tpu.memory_space<hbm>> -> memref<10000x128xf32, #tpu.memory_space<hbm>>
      tpu.enqueue_indirect_dma source(%dma_start3A_38 : memref<10000x128xf32, #tpu.memory_space<hbm>>) target(%arg13 : memref<100x128xf32, #tpu.memory_space<vmem>>) offsets(%dma_start3A_31 : memref<100xi32, #tpu.memory_space<vmem>>) semaphore(%arg18 : memref<!tpu.dma_semaphore, #tpu.memory_space<semaphore_mem>>)
      %dma_start3A_39 = arith.constant 1 : i32
      %dma_start3A_40 = arith.constant 0 : i32
      %dma_start3A_41 = tpu.memref_slice %arg11[%dma_start3A_39, %dma_start3A_40] : memref<25x100xi32, #tpu.memory_space<vmem>> -> memref<1x100xi32, #tpu.memory_space<vmem>>
      %dma_start3A_42 = tpu.memref_squeeze %dma_start3A_41 : memref<1x100xi32, #tpu.memory_space<vmem>> -> memref<100xi32, #tpu.memory_space<vmem>>
      %dma_start3A_43 = arith.constant 0 : i32
      %dma_start3A_44 = arith.constant 0 : i32
      %dma_start3A_45 = tpu.memref_slice %arg2[%arg0, %dma_start3A_43, %dma_start3A_44] : memref<2x10000x128xf32, #tpu.memory_space<hbm>> -> memref<1x10000x128xf32, #tpu.memory_space<hbm>>
      %dma_start3A_46 = tpu.memref_squeeze %dma_start3A_45 : memref<1x10000x128xf32, #tpu.memory_space<hbm>> -> memref<10000x128xf32, #tpu.memory_space<hbm>>
      %dma_start3A_47 = arith.constant 0 : i32
      %dma_start3A_48 = arith.constant 0 : i32
      %dma_start3A_49 = tpu.memref_slice %dma_start3A_46[%dma_start3A_47, %dma_start3A_48] : memref<10000x128xf32, #tpu.memory_space<hbm>> -> memref<10000x128xf32, #tpu.memory_space<hbm>>
      tpu.enqueue_indirect_dma source(%dma_start3A_49 : memref<10000x128xf32, #tpu.memory_space<hbm>>) target(%arg14 : memref<100x128xf32, #tpu.memory_space<vmem>>) offsets(%dma_start3A_42 : memref<100xi32, #tpu.memory_space<vmem>>) semaphore(%arg19 : memref<!tpu.dma_semaphore, #tpu.memory_space<semaphore_mem>>)
      %dma_wait3A = arith.constant 0 : i32
      %dma_wait3A_50 = arith.constant 0 : i32
      %dma_wait3A_51 = tpu.memref_slice %arg11[%dma_wait3A, %dma_wait3A_50] : memref<25x100xi32, #tpu.memory_space<vmem>> -> memref<1x100xi32, #tpu.memory_space<vmem>>
      %dma_wait3A_52 = tpu.memref_squeeze %dma_wait3A_51 : memref<1x100xi32, #tpu.memory_space<vmem>> -> memref<100xi32, #tpu.memory_space<vmem>>
      %dma_wait3A_53 = arith.constant 0 : i32
      %dma_wait3A_54 = arith.constant 0 : i32
      %dma_wait3A_55 = tpu.memref_slice %arg2[%arg0, %dma_wait3A_53, %dma_wait3A_54] : memref<2x10000x128xf32, #tpu.memory_space<hbm>> -> memref<1x10000x128xf32, #tpu.memory_space<hbm>>
      %dma_wait3A_56 = tpu.memref_squeeze %dma_wait3A_55 : memref<1x10000x128xf32, #tpu.memory_space<hbm>> -> memref<10000x128xf32, #tpu.memory_space<hbm>>
      %dma_wait3A_57 = arith.constant 0 : i32
      %dma_wait3A_58 = arith.constant 0 : i32
      %dma_wait3A_59 = tpu.memref_slice %dma_wait3A_56[%dma_wait3A_57, %dma_wait3A_58] : memref<10000x128xf32, #tpu.memory_space<hbm>> -> memref<10000x128xf32, #tpu.memory_space<hbm>>
      tpu.wait_indirect_dma semaphore(%arg18 : memref<!tpu.dma_semaphore, #tpu.memory_space<semaphore_mem>>) src(%dma_wait3A_59 : memref<10000x128xf32, #tpu.memory_space<hbm>>) dst(%arg13 : memref<100x128xf32, #tpu.memory_space<vmem>>)
      %dma_start3A_60 = arith.constant 0 : i32
      %dma_start3A_61 = arith.constant 0 : i32
      %dma_start3A_62 = tpu.memref_slice %arg12[%dma_start3A_60, %dma_start3A_61] : memref<25x100xi32, #tpu.memory_space<vmem>> -> memref<1x100xi32, #tpu.memory_space<vmem>>
      %dma_start3A_63 = tpu.memref_squeeze %dma_start3A_62 : memref<1x100xi32, #tpu.memory_space<vmem>> -> memref<100xi32, #tpu.memory_space<vmem>>
      %dma_start3A_64 = arith.constant 0 : i32
      %dma_start3A_65 = arith.constant 0 : i32
      %dma_start3A_66 = tpu.memref_slice %arg22[%dma_start3A_64, %dma_start3A_65] : memref<10240x128xf32, #tpu.memory_space<vmem_shared>> -> memref<10240x128xf32, #tpu.memory_space<vmem_shared>>
      tpu.enqueue_indirect_dma source(%arg13 : memref<100x128xf32, #tpu.memory_space<vmem>>) target(%dma_start3A_66 : memref<10240x128xf32, #tpu.memory_space<vmem_shared>>) offsets(%dma_start3A_63 : memref<100xi32, #tpu.memory_space<vmem>>) semaphore(%arg20 : memref<!tpu.dma_semaphore, #tpu.memory_space<semaphore_mem>>) {add = true}
      %scan3A_67 = arith.constant 0 : i32
      %scan3A_68 = arith.constant 0 : i32
      %scan3A_69 = arith.constant 11 : i32
      %scan3A_70 = arith.addi %scan3A_68, %scan3A_69 : i32
      %scan3A_71 = arith.constant 1 : i32
      scf.for %scan3A_141 = %scan3A_68 to %scan3A_70 step %scan3A_71  : i32 {
        %mul3A_142 = arith.constant 2 : i32
        %mul3A_143 = arith.muli %scan3A_141, %mul3A_142 : i32
        %add3A = arith.constant 1 : i32
        %add3A_144 = arith.addi %mul3A_143, %add3A : i32
        %add3A_145 = arith.constant 0 : i32
        %add3A_146 = arith.addi %add3A_144, %add3A_145 : i32
        %sub3A = arith.constant 1 : i32
        %sub3A_147 = arith.subi %add3A_146, %sub3A : i32
        %dma_wait3A_148 = arith.constant 0 : i32
        %dma_wait3A_149 = tpu.memref_slice %arg12[%sub3A_147, %dma_wait3A_148] : memref<25x100xi32, #tpu.memory_space<vmem>> -> memref<1x100xi32, #tpu.memory_space<vmem>>
        %dma_wait3A_150 = tpu.memref_squeeze %dma_wait3A_149 : memref<1x100xi32, #tpu.memory_space<vmem>> -> memref<100xi32, #tpu.memory_space<vmem>>
        %dma_wait3A_151 = arith.constant 0 : i32
        %dma_wait3A_152 = arith.constant 0 : i32
        %dma_wait3A_153 = tpu.memref_slice %arg22[%dma_wait3A_151, %dma_wait3A_152] : memref<10240x128xf32, #tpu.memory_space<vmem_shared>> -> memref<10240x128xf32, #tpu.memory_space<vmem_shared>>
        tpu.wait_indirect_dma semaphore(%arg20 : memref<!tpu.dma_semaphore, #tpu.memory_space<semaphore_mem>>) src(%arg13 : memref<100x128xf32, #tpu.memory_space<vmem>>) dst(%dma_wait3A_153 : memref<10240x128xf32, #tpu.memory_space<vmem_shared>>)
        %add3A_154 = arith.constant 1 : i32
        %add3A_155 = arith.addi %add3A_146, %add3A_154 : i32
        %dma_start3A_156 = arith.constant 0 : i32
        %dma_start3A_157 = tpu.memref_slice %arg11[%add3A_155, %dma_start3A_156] : memref<25x100xi32, #tpu.memory_space<vmem>> -> memref<1x100xi32, #tpu.memory_space<vmem>>
        %dma_start3A_158 = tpu.memref_squeeze %dma_start3A_157 : memref<1x100xi32, #tpu.memory_space<vmem>> -> memref<100xi32, #tpu.memory_space<vmem>>
        %dma_start3A_159 = arith.constant 0 : i32
        %dma_start3A_160 = arith.constant 0 : i32
        %dma_start3A_161 = tpu.memref_slice %arg2[%arg0, %dma_start3A_159, %dma_start3A_160] : memref<2x10000x128xf32, #tpu.memory_space<hbm>> -> memref<1x10000x128xf32, #tpu.memory_space<hbm>>
        %dma_start3A_162 = tpu.memref_squeeze %dma_start3A_161 : memref<1x10000x128xf32, #tpu.memory_space<hbm>> -> memref<10000x128xf32, #tpu.memory_space<hbm>>
        %dma_start3A_163 = arith.constant 0 : i32
        %dma_start3A_164 = arith.constant 0 : i32
        %dma_start3A_165 = tpu.memref_slice %dma_start3A_162[%dma_start3A_163, %dma_start3A_164] : memref<10000x128xf32, #tpu.memory_space<hbm>> -> memref<10000x128xf32, #tpu.memory_space<hbm>>
        tpu.enqueue_indirect_dma source(%dma_start3A_165 : memref<10000x128xf32, #tpu.memory_space<hbm>>) target(%arg13 : memref<100x128xf32, #tpu.memory_space<vmem>>) offsets(%dma_start3A_158 : memref<100xi32, #tpu.memory_space<vmem>>) semaphore(%arg18 : memref<!tpu.dma_semaphore, #tpu.memory_space<semaphore_mem>>)
        %dma_wait3A_166 = arith.constant 0 : i32
        %dma_wait3A_167 = tpu.memref_slice %arg11[%add3A_146, %dma_wait3A_166] : memref<25x100xi32, #tpu.memory_space<vmem>> -> memref<1x100xi32, #tpu.memory_space<vmem>>
        %dma_wait3A_168 = tpu.memref_squeeze %dma_wait3A_167 : memref<1x100xi32, #tpu.memory_space<vmem>> -> memref<100xi32, #tpu.memory_space<vmem>>
        %dma_wait3A_169 = arith.constant 0 : i32
        %dma_wait3A_170 = arith.constant 0 : i32
        %dma_wait3A_171 = tpu.memref_slice %arg2[%arg0, %dma_wait3A_169, %dma_wait3A_170] : memref<2x10000x128xf32, #tpu.memory_space<hbm>> -> memref<1x10000x128xf32, #tpu.memory_space<hbm>>
        %dma_wait3A_172 = tpu.memref_squeeze %dma_wait3A_171 : memref<1x10000x128xf32, #tpu.memory_space<hbm>> -> memref<10000x128xf32, #tpu.memory_space<hbm>>
        %dma_wait3A_173 = arith.constant 0 : i32
        %dma_wait3A_174 = arith.constant 0 : i32
        %dma_wait3A_175 = tpu.memref_slice %dma_wait3A_172[%dma_wait3A_173, %dma_wait3A_174] : memref<10000x128xf32, #tpu.memory_space<hbm>> -> memref<10000x128xf32, #tpu.memory_space<hbm>>
        tpu.wait_indirect_dma semaphore(%arg19 : memref<!tpu.dma_semaphore, #tpu.memory_space<semaphore_mem>>) src(%dma_wait3A_175 : memref<10000x128xf32, #tpu.memory_space<hbm>>) dst(%arg14 : memref<100x128xf32, #tpu.memory_space<vmem>>)
        %dma_start3A_176 = arith.constant 0 : i32
        %dma_start3A_177 = tpu.memref_slice %arg12[%add3A_146, %dma_start3A_176] : memref<25x100xi32, #tpu.memory_space<vmem>> -> memref<1x100xi32, #tpu.memory_space<vmem>>
        %dma_start3A_178 = tpu.memref_squeeze %dma_start3A_177 : memref<1x100xi32, #tpu.memory_space<vmem>> -> memref<100xi32, #tpu.memory_space<vmem>>
        %dma_start3A_179 = arith.constant 0 : i32
        %dma_start3A_180 = arith.constant 0 : i32
        %dma_start3A_181 = tpu.memref_slice %arg22[%dma_start3A_179, %dma_start3A_180] : memref<10240x128xf32, #tpu.memory_space<vmem_shared>> -> memref<10240x128xf32, #tpu.memory_space<vmem_shared>>
        tpu.enqueue_indirect_dma source(%arg14 : memref<100x128xf32, #tpu.memory_space<vmem>>) target(%dma_start3A_181 : memref<10240x128xf32, #tpu.memory_space<vmem_shared>>) offsets(%dma_start3A_178 : memref<100xi32, #tpu.memory_space<vmem>>) semaphore(%arg21 : memref<!tpu.dma_semaphore, #tpu.memory_space<semaphore_mem>>) {add = true}
        %mul3A_182 = arith.constant 2 : i32
        %mul3A_183 = arith.muli %scan3A_141, %mul3A_182 : i32
        %add3A_184 = arith.constant 1 : i32
        %add3A_185 = arith.addi %mul3A_183, %add3A_184 : i32
        %add3A_186 = arith.constant 1 : i32
        %add3A_187 = arith.addi %add3A_185, %add3A_186 : i32
        %sub3A_188 = arith.constant 1 : i32
        %sub3A_189 = arith.subi %add3A_187, %sub3A_188 : i32
        %dma_wait3A_190 = arith.constant 0 : i32
        %dma_wait3A_191 = tpu.memref_slice %arg12[%sub3A_189, %dma_wait3A_190] : memref<25x100xi32, #tpu.memory_space<vmem>> -> memref<1x100xi32, #tpu.memory_space<vmem>>
        %dma_wait3A_192 = tpu.memref_squeeze %dma_wait3A_191 : memref<1x100xi32, #tpu.memory_space<vmem>> -> memref<100xi32, #tpu.memory_space<vmem>>
        %dma_wait3A_193 = arith.constant 0 : i32
        %dma_wait3A_194 = arith.constant 0 : i32
        %dma_wait3A_195 = tpu.memref_slice %arg22[%dma_wait3A_193, %dma_wait3A_194] : memref<10240x128xf32, #tpu.memory_space<vmem_shared>> -> memref<10240x128xf32, #tpu.memory_space<vmem_shared>>
        tpu.wait_indirect_dma semaphore(%arg21 : memref<!tpu.dma_semaphore, #tpu.memory_space<semaphore_mem>>) src(%arg14 : memref<100x128xf32, #tpu.memory_space<vmem>>) dst(%dma_wait3A_195 : memref<10240x128xf32, #tpu.memory_space<vmem_shared>>)
        %add3A_196 = arith.constant 1 : i32
        %add3A_197 = arith.addi %add3A_187, %add3A_196 : i32
        %dma_start3A_198 = arith.constant 0 : i32
        %dma_start3A_199 = tpu.memref_slice %arg11[%add3A_197, %dma_start3A_198] : memref<25x100xi32, #tpu.memory_space<vmem>> -> memref<1x100xi32, #tpu.memory_space<vmem>>
        %dma_start3A_200 = tpu.memref_squeeze %dma_start3A_199 : memref<1x100xi32, #tpu.memory_space<vmem>> -> memref<100xi32, #tpu.memory_space<vmem>>
        %dma_start3A_201 = arith.constant 0 : i32
        %dma_start3A_202 = arith.constant 0 : i32
        %dma_start3A_203 = tpu.memref_slice %arg2[%arg0, %dma_start3A_201, %dma_start3A_202] : memref<2x10000x128xf32, #tpu.memory_space<hbm>> -> memref<1x10000x128xf32, #tpu.memory_space<hbm>>
        %dma_start3A_204 = tpu.memref_squeeze %dma_start3A_203 : memref<1x10000x128xf32, #tpu.memory_space<hbm>> -> memref<10000x128xf32, #tpu.memory_space<hbm>>
        %dma_start3A_205 = arith.constant 0 : i32
        %dma_start3A_206 = arith.constant 0 : i32
        %dma_start3A_207 = tpu.memref_slice %dma_start3A_204[%dma_start3A_205, %dma_start3A_206] : memref<10000x128xf32, #tpu.memory_space<hbm>> -> memref<10000x128xf32, #tpu.memory_space<hbm>>
        tpu.enqueue_indirect_dma source(%dma_start3A_207 : memref<10000x128xf32, #tpu.memory_space<hbm>>) target(%arg14 : memref<100x128xf32, #tpu.memory_space<vmem>>) offsets(%dma_start3A_200 : memref<100xi32, #tpu.memory_space<vmem>>) semaphore(%arg19 : memref<!tpu.dma_semaphore, #tpu.memory_space<semaphore_mem>>)
        %dma_wait3A_208 = arith.constant 0 : i32
        %dma_wait3A_209 = tpu.memref_slice %arg11[%add3A_187, %dma_wait3A_208] : memref<25x100xi32, #tpu.memory_space<vmem>> -> memref<1x100xi32, #tpu.memory_space<vmem>>
        %dma_wait3A_210 = tpu.memref_squeeze %dma_wait3A_209 : memref<1x100xi32, #tpu.memory_space<vmem>> -> memref<100xi32, #tpu.memory_space<vmem>>
        %dma_wait3A_211 = arith.constant 0 : i32
        %dma_wait3A_212 = arith.constant 0 : i32
        %dma_wait3A_213 = tpu.memref_slice %arg2[%arg0, %dma_wait3A_211, %dma_wait3A_212] : memref<2x10000x128xf32, #tpu.memory_space<hbm>> -> memref<1x10000x128xf32, #tpu.memory_space<hbm>>
        %dma_wait3A_214 = tpu.memref_squeeze %dma_wait3A_213 : memref<1x10000x128xf32, #tpu.memory_space<hbm>> -> memref<10000x128xf32, #tpu.memory_space<hbm>>
        %dma_wait3A_215 = arith.constant 0 : i32
        %dma_wait3A_216 = arith.constant 0 : i32
        %dma_wait3A_217 = tpu.memref_slice %dma_wait3A_214[%dma_wait3A_215, %dma_wait3A_216] : memref<10000x128xf32, #tpu.memory_space<hbm>> -> memref<10000x128xf32, #tpu.memory_space<hbm>>
        tpu.wait_indirect_dma semaphore(%arg18 : memref<!tpu.dma_semaphore, #tpu.memory_space<semaphore_mem>>) src(%dma_wait3A_217 : memref<10000x128xf32, #tpu.memory_space<hbm>>) dst(%arg13 : memref<100x128xf32, #tpu.memory_space<vmem>>)
        %dma_start3A_218 = arith.constant 0 : i32
        %dma_start3A_219 = tpu.memref_slice %arg12[%add3A_187, %dma_start3A_218] : memref<25x100xi32, #tpu.memory_space<vmem>> -> memref<1x100xi32, #tpu.memory_space<vmem>>
        %dma_start3A_220 = tpu.memref_squeeze %dma_start3A_219 : memref<1x100xi32, #tpu.memory_space<vmem>> -> memref<100xi32, #tpu.memory_space<vmem>>
        %dma_start3A_221 = arith.constant 0 : i32
        %dma_start3A_222 = arith.constant 0 : i32
        %dma_start3A_223 = tpu.memref_slice %arg22[%dma_start3A_221, %dma_start3A_222] : memref<10240x128xf32, #tpu.memory_space<vmem_shared>> -> memref<10240x128xf32, #tpu.memory_space<vmem_shared>>
        tpu.enqueue_indirect_dma source(%arg13 : memref<100x128xf32, #tpu.memory_space<vmem>>) target(%dma_start3A_223 : memref<10240x128xf32, #tpu.memory_space<vmem_shared>>) offsets(%dma_start3A_220 : memref<100xi32, #tpu.memory_space<vmem>>) semaphore(%arg20 : memref<!tpu.dma_semaphore, #tpu.memory_space<semaphore_mem>>) {add = true}
      }
      %scan3A_72 = arith.constant 11 : i32
      %dma_wait3A_73 = arith.constant 22 : i32
      %dma_wait3A_74 = arith.constant 0 : i32
      %dma_wait3A_75 = tpu.memref_slice %arg12[%dma_wait3A_73, %dma_wait3A_74] : memref<25x100xi32, #tpu.memory_space<vmem>> -> memref<1x100xi32, #tpu.memory_space<vmem>>
      %dma_wait3A_76 = tpu.memref_squeeze %dma_wait3A_75 : memref<1x100xi32, #tpu.memory_space<vmem>> -> memref<100xi32, #tpu.memory_space<vmem>>
      %dma_wait3A_77 = arith.constant 0 : i32
      %dma_wait3A_78 = arith.constant 0 : i32
      %dma_wait3A_79 = tpu.memref_slice %arg22[%dma_wait3A_77, %dma_wait3A_78] : memref<10240x128xf32, #tpu.memory_space<vmem_shared>> -> memref<10240x128xf32, #tpu.memory_space<vmem_shared>>
      tpu.wait_indirect_dma semaphore(%arg20 : memref<!tpu.dma_semaphore, #tpu.memory_space<semaphore_mem>>) src(%arg13 : memref<100x128xf32, #tpu.memory_space<vmem>>) dst(%dma_wait3A_79 : memref<10240x128xf32, #tpu.memory_space<vmem_shared>>)
      %dma_start3A_80 = arith.constant 24 : i32
      %dma_start3A_81 = arith.constant 0 : i32
      %dma_start3A_82 = tpu.memref_slice %arg11[%dma_start3A_80, %dma_start3A_81] : memref<25x100xi32, #tpu.memory_space<vmem>> -> memref<1x100xi32, #tpu.memory_space<vmem>>
      %dma_start3A_83 = tpu.memref_squeeze %dma_start3A_82 : memref<1x100xi32, #tpu.memory_space<vmem>> -> memref<100xi32, #tpu.memory_space<vmem>>
      %dma_start3A_84 = arith.constant 0 : i32
      %dma_start3A_85 = arith.constant 0 : i32
      %dma_start3A_86 = tpu.memref_slice %arg2[%arg0, %dma_start3A_84, %dma_start3A_85] : memref<2x10000x128xf32, #tpu.memory_space<hbm>> -> memref<1x10000x128xf32, #tpu.memory_space<hbm>>
      %dma_start3A_87 = tpu.memref_squeeze %dma_start3A_86 : memref<1x10000x128xf32, #tpu.memory_space<hbm>> -> memref<10000x128xf32, #tpu.memory_space<hbm>>
      %dma_start3A_88 = arith.constant 0 : i32
      %dma_start3A_89 = arith.constant 0 : i32
      %dma_start3A_90 = tpu.memref_slice %dma_start3A_87[%dma_start3A_88, %dma_start3A_89] : memref<10000x128xf32, #tpu.memory_space<hbm>> -> memref<10000x128xf32, #tpu.memory_space<hbm>>
      tpu.enqueue_indirect_dma source(%dma_start3A_90 : memref<10000x128xf32, #tpu.memory_space<hbm>>) target(%arg13 : memref<100x128xf32, #tpu.memory_space<vmem>>) offsets(%dma_start3A_83 : memref<100xi32, #tpu.memory_space<vmem>>) semaphore(%arg18 : memref<!tpu.dma_semaphore, #tpu.memory_space<semaphore_mem>>)
      %dma_wait3A_91 = arith.constant 23 : i32
      %dma_wait3A_92 = arith.constant 0 : i32
      %dma_wait3A_93 = tpu.memref_slice %arg11[%dma_wait3A_91, %dma_wait3A_92] : memref<25x100xi32, #tpu.memory_space<vmem>> -> memref<1x100xi32, #tpu.memory_space<vmem>>
      %dma_wait3A_94 = tpu.memref_squeeze %dma_wait3A_93 : memref<1x100xi32, #tpu.memory_space<vmem>> -> memref<100xi32, #tpu.memory_space<vmem>>
      %dma_wait3A_95 = arith.constant 0 : i32
      %dma_wait3A_96 = arith.constant 0 : i32
      %dma_wait3A_97 = tpu.memref_slice %arg2[%arg0, %dma_wait3A_95, %dma_wait3A_96] : memref<2x10000x128xf32, #tpu.memory_space<hbm>> -> memref<1x10000x128xf32, #tpu.memory_space<hbm>>
      %dma_wait3A_98 = tpu.memref_squeeze %dma_wait3A_97 : memref<1x10000x128xf32, #tpu.memory_space<hbm>> -> memref<10000x128xf32, #tpu.memory_space<hbm>>
      %dma_wait3A_99 = arith.constant 0 : i32
      %dma_wait3A_100 = arith.constant 0 : i32
      %dma_wait3A_101 = tpu.memref_slice %dma_wait3A_98[%dma_wait3A_99, %dma_wait3A_100] : memref<10000x128xf32, #tpu.memory_space<hbm>> -> memref<10000x128xf32, #tpu.memory_space<hbm>>
      tpu.wait_indirect_dma semaphore(%arg19 : memref<!tpu.dma_semaphore, #tpu.memory_space<semaphore_mem>>) src(%dma_wait3A_101 : memref<10000x128xf32, #tpu.memory_space<hbm>>) dst(%arg14 : memref<100x128xf32, #tpu.memory_space<vmem>>)
      %dma_start3A_102 = arith.constant 23 : i32
      %dma_start3A_103 = arith.constant 0 : i32
      %dma_start3A_104 = tpu.memref_slice %arg12[%dma_start3A_102, %dma_start3A_103] : memref<25x100xi32, #tpu.memory_space<vmem>> -> memref<1x100xi32, #tpu.memory_space<vmem>>
      %dma_start3A_105 = tpu.memref_squeeze %dma_start3A_104 : memref<1x100xi32, #tpu.memory_space<vmem>> -> memref<100xi32, #tpu.memory_space<vmem>>
      %dma_start3A_106 = arith.constant 0 : i32
      %dma_start3A_107 = arith.constant 0 : i32
      %dma_start3A_108 = tpu.memref_slice %arg22[%dma_start3A_106, %dma_start3A_107] : memref<10240x128xf32, #tpu.memory_space<vmem_shared>> -> memref<10240x128xf32, #tpu.memory_space<vmem_shared>>
      tpu.enqueue_indirect_dma source(%arg14 : memref<100x128xf32, #tpu.memory_space<vmem>>) target(%dma_start3A_108 : memref<10240x128xf32, #tpu.memory_space<vmem_shared>>) offsets(%dma_start3A_105 : memref<100xi32, #tpu.memory_space<vmem>>) semaphore(%arg21 : memref<!tpu.dma_semaphore, #tpu.memory_space<semaphore_mem>>) {add = true}
      %dma_wait3A_109 = arith.constant 24 : i32
      %dma_wait3A_110 = arith.constant 0 : i32
      %dma_wait3A_111 = tpu.memref_slice %arg11[%dma_wait3A_109, %dma_wait3A_110] : memref<25x100xi32, #tpu.memory_space<vmem>> -> memref<1x100xi32, #tpu.memory_space<vmem>>
      %dma_wait3A_112 = tpu.memref_squeeze %dma_wait3A_111 : memref<1x100xi32, #tpu.memory_space<vmem>> -> memref<100xi32, #tpu.memory_space<vmem>>
      %dma_wait3A_113 = arith.constant 0 : i32
      %dma_wait3A_114 = arith.constant 0 : i32
      %dma_wait3A_115 = tpu.memref_slice %arg2[%arg0, %dma_wait3A_113, %dma_wait3A_114] : memref<2x10000x128xf32, #tpu.memory_space<hbm>> -> memref<1x10000x128xf32, #tpu.memory_space<hbm>>
      %dma_wait3A_116 = tpu.memref_squeeze %dma_wait3A_115 : memref<1x10000x128xf32, #tpu.memory_space<hbm>> -> memref<10000x128xf32, #tpu.memory_space<hbm>>
      %dma_wait3A_117 = arith.constant 0 : i32
      %dma_wait3A_118 = arith.constant 0 : i32
      %dma_wait3A_119 = tpu.memref_slice %dma_wait3A_116[%dma_wait3A_117, %dma_wait3A_118] : memref<10000x128xf32, #tpu.memory_space<hbm>> -> memref<10000x128xf32, #tpu.memory_space<hbm>>
      tpu.wait_indirect_dma semaphore(%arg18 : memref<!tpu.dma_semaphore, #tpu.memory_space<semaphore_mem>>) src(%dma_wait3A_119 : memref<10000x128xf32, #tpu.memory_space<hbm>>) dst(%arg13 : memref<100x128xf32, #tpu.memory_space<vmem>>)
      %dma_start3A_120 = arith.constant 24 : i32
      %dma_start3A_121 = arith.constant 0 : i32
      %dma_start3A_122 = tpu.memref_slice %arg12[%dma_start3A_120, %dma_start3A_121] : memref<25x100xi32, #tpu.memory_space<vmem>> -> memref<1x100xi32, #tpu.memory_space<vmem>>
      %dma_start3A_123 = tpu.memref_squeeze %dma_start3A_122 : memref<1x100xi32, #tpu.memory_space<vmem>> -> memref<100xi32, #tpu.memory_space<vmem>>
      %dma_start3A_124 = arith.constant 0 : i32
      %dma_start3A_125 = arith.constant 0 : i32
      %dma_start3A_126 = tpu.memref_slice %arg22[%dma_start3A_124, %dma_start3A_125] : memref<10240x128xf32, #tpu.memory_space<vmem_shared>> -> memref<10240x128xf32, #tpu.memory_space<vmem_shared>>
      tpu.enqueue_indirect_dma source(%arg13 : memref<100x128xf32, #tpu.memory_space<vmem>>) target(%dma_start3A_126 : memref<10240x128xf32, #tpu.memory_space<vmem_shared>>) offsets(%dma_start3A_123 : memref<100xi32, #tpu.memory_space<vmem>>) semaphore(%arg20 : memref<!tpu.dma_semaphore, #tpu.memory_space<semaphore_mem>>) {add = true}
      %dma_wait3A_127 = arith.constant 23 : i32
      %dma_wait3A_128 = arith.constant 0 : i32
      %dma_wait3A_129 = tpu.memref_slice %arg12[%dma_wait3A_127, %dma_wait3A_128] : memref<25x100xi32, #tpu.memory_space<vmem>> -> memref<1x100xi32, #tpu.memory_space<vmem>>
      %dma_wait3A_130 = tpu.memref_squeeze %dma_wait3A_129 : memref<1x100xi32, #tpu.memory_space<vmem>> -> memref<100xi32, #tpu.memory_space<vmem>>
      %dma_wait3A_131 = arith.constant 0 : i32
      %dma_wait3A_132 = arith.constant 0 : i32
      %dma_wait3A_133 = tpu.memref_slice %arg22[%dma_wait3A_131, %dma_wait3A_132] : memref<10240x128xf32, #tpu.memory_space<vmem_shared>> -> memref<10240x128xf32, #tpu.memory_space<vmem_shared>>
      tpu.wait_indirect_dma semaphore(%arg21 : memref<!tpu.dma_semaphore, #tpu.memory_space<semaphore_mem>>) src(%arg14 : memref<100x128xf32, #tpu.memory_space<vmem>>) dst(%dma_wait3A_133 : memref<10240x128xf32, #tpu.memory_space<vmem_shared>>)
      %dma_wait3A_134 = arith.constant 24 : i32
      %dma_wait3A_135 = arith.constant 0 : i32
      %dma_wait3A_136 = tpu.memref_slice %arg12[%dma_wait3A_134, %dma_wait3A_135] : memref<25x100xi32, #tpu.memory_space<vmem>> -> memref<1x100xi32, #tpu.memory_space<vmem>>
      %dma_wait3A_137 = tpu.memref_squeeze %dma_wait3A_136 : memref<1x100xi32, #tpu.memory_space<vmem>> -> memref<100xi32, #tpu.memory_space<vmem>>
      %dma_wait3A_138 = arith.constant 0 : i32
      %dma_wait3A_139 = arith.constant 0 : i32
      %dma_wait3A_140 = tpu.memref_slice %arg22[%dma_wait3A_138, %dma_wait3A_139] : memref<10240x128xf32, #tpu.memory_space<vmem_shared>> -> memref<10240x128xf32, #tpu.memory_space<vmem_shared>>
      tpu.wait_indirect_dma semaphore(%arg20 : memref<!tpu.dma_semaphore, #tpu.memory_space<semaphore_mem>>) src(%arg13 : memref<100x128xf32, #tpu.memory_space<vmem>>) dst(%dma_wait3A_140 : memref<10240x128xf32, #tpu.memory_space<vmem_shared>>)
    }
    %scan3A_16 = arith.constant 4 : i32
    %barrier3A_17 = arith.constant 0 : index
    tpu.barrier barrier_id(%barrier3A_17)
    %mul3A = arith.constant 640 : i32
    %mul3A_18 = arith.muli %arg1, %mul3A : i32
    %mul3A_19 = arith.constant 640 : i32
    %mul3A_20 = arith.muli %arg1, %mul3A_19 : i32
    "tpu.region"() ({
      %run_scoped3A = tpu.sem_alloc : memref<!tpu.dma_semaphore, #tpu.memory_space<semaphore_mem>>
      %dma_start3A = arith.constant 0 : i32
      %dma_start3A_28 = arith.constant 0 : i32
      %dma_start3A_29 = tpu.memref_slice %arg7[%arg0, %dma_start3A, %dma_start3A_28] : memref<2x10240x128xf32, #tpu.memory_space<hbm>> -> memref<1x10240x128xf32, #tpu.memory_space<hbm>>
      %dma_start3A_30 = tpu.memref_squeeze %dma_start3A_29 : memref<1x10240x128xf32, #tpu.memory_space<hbm>> -> memref<10240x128xf32, #tpu.memory_space<hbm>>
      %dma_start3A_31 = arith.constant 0 : i32
      %dma_start3A_32 = tpu.memref_slice %dma_start3A_30[%mul3A_20, %dma_start3A_31] : memref<10240x128xf32, #tpu.memory_space<hbm>> -> memref<640x128xf32, #tpu.memory_space<hbm>>
      %dma_start3A_33 = arith.constant 0 : i32
      %dma_start3A_34 = tpu.memref_slice %arg22[%mul3A_18, %dma_start3A_33] : memref<10240x128xf32, #tpu.memory_space<vmem_shared>> -> memref<640x128xf32, #tpu.memory_space<vmem_shared>>
      tpu.enqueue_dma source(%dma_start3A_34 : memref<640x128xf32, #tpu.memory_space<vmem_shared>>) target(%dma_start3A_32 : memref<640x128xf32, #tpu.memory_space<hbm>>) target_semaphore(%run_scoped3A : memref<!tpu.dma_semaphore, #tpu.memory_space<semaphore_mem>>)
      %dma_wait3A = arith.constant 0 : i32
      %dma_wait3A_35 = arith.constant 0 : i32
      %dma_wait3A_36 = tpu.memref_slice %arg7[%arg0, %dma_wait3A, %dma_wait3A_35] : memref<2x10240x128xf32, #tpu.memory_space<hbm>> -> memref<1x10240x128xf32, #tpu.memory_space<hbm>>
      %dma_wait3A_37 = tpu.memref_squeeze %dma_wait3A_36 : memref<1x10240x128xf32, #tpu.memory_space<hbm>> -> memref<10240x128xf32, #tpu.memory_space<hbm>>
      %dma_wait3A_38 = arith.constant 0 : i32
      %dma_wait3A_39 = tpu.memref_slice %dma_wait3A_37[%mul3A_20, %dma_wait3A_38] : memref<10240x128xf32, #tpu.memory_space<hbm>> -> memref<640x128xf32, #tpu.memory_space<hbm>>
      %dma_wait3A_40 = arith.constant 0 : i32
      %dma_wait3A_41 = tpu.memref_slice %arg22[%mul3A_18, %dma_wait3A_40] : memref<10240x128xf32, #tpu.memory_space<vmem_shared>> -> memref<640x128xf32, #tpu.memory_space<vmem_shared>>
      tpu.wait_dma2 semaphore(%run_scoped3A : memref<!tpu.dma_semaphore, #tpu.memory_space<semaphore_mem>>) src(%dma_wait3A_41 : memref<640x128xf32, #tpu.memory_space<vmem_shared>>) dst(%dma_wait3A_39 : memref<640x128xf32, #tpu.memory_space<hbm>>)
      tpu.yield
    }) : () -> ()
    %barrier3A_21 = arith.constant 0 : index
    tpu.barrier barrier_id(%barrier3A_21)
    %scan3A_22 = arith.constant 0 : i32
    %scan3A_23 = arith.constant 0 : i32
    %scan3A_24 = arith.constant 4 : i32
    %scan3A_25 = arith.addi %scan3A_23, %scan3A_24 : i32
    %scan3A_26 = arith.constant 1 : i32
    scf.for %scan3A_28 = %scan3A_23 to %scan3A_25 step %scan3A_26  : i32 {
      %mul3A_29 = arith.constant 320 : i32
      %mul3A_30 = arith.muli %arg1, %mul3A_29 : i32
      %mul3A_31 = arith.constant 80 : i32
      %mul3A_32 = arith.muli %scan3A_28, %mul3A_31 : i32
      %add3A = arith.addi %mul3A_30, %mul3A_32 : i32
      "tpu.region"() ({
        %run_scoped3A = tpu.sem_alloc : memref<!tpu.dma_semaphore, #tpu.memory_space<semaphore_mem>>
        %dma_start3A_73 = arith.constant 0 : i32
        %dma_start3A_74 = tpu.memref_slice %arg5[%arg1, %scan3A_28, %dma_start3A_73] : memref<16x4x80xi32, #tpu.memory_space<hbm>> -> memref<1x1x80xi32, #tpu.memory_space<hbm>>
        %dma_start3A_75 = tpu.memref_squeeze %dma_start3A_74 : memref<1x1x80xi32, #tpu.memory_space<hbm>> -> memref<80xi32, #tpu.memory_space<hbm>>
        %dma_start3A_76 = arith.constant 0 : i32
        %dma_start3A_77 = tpu.memref_slice %arg5[%arg1, %scan3A_28, %dma_start3A_76] : memref<16x4x80xi32, #tpu.memory_space<hbm>> -> memref<1x1x80xi32, #tpu.memory_space<hbm>>
        %dma_start3A_78 = tpu.memref_squeeze %dma_start3A_77 : memref<1x1x80xi32, #tpu.memory_space<hbm>> -> memref<80xi32, #tpu.memory_space<hbm>>
        tpu.enqueue_dma source(%dma_start3A_78 : memref<80xi32, #tpu.memory_space<hbm>>) target(%arg16 : memref<80xi32, #tpu.memory_space<vmem>>) target_semaphore(%run_scoped3A : memref<!tpu.dma_semaphore, #tpu.memory_space<semaphore_mem>>)
        %dma_wait3A_79 = arith.constant 0 : i32
        %dma_wait3A_80 = tpu.memref_slice %arg5[%arg1, %scan3A_28, %dma_wait3A_79] : memref<16x4x80xi32, #tpu.memory_space<hbm>> -> memref<1x1x80xi32, #tpu.memory_space<hbm>>
        %dma_wait3A_81 = tpu.memref_squeeze %dma_wait3A_80 : memref<1x1x80xi32, #tpu.memory_space<hbm>> -> memref<80xi32, #tpu.memory_space<hbm>>
        %dma_wait3A_82 = arith.constant 0 : i32
        %dma_wait3A_83 = tpu.memref_slice %arg5[%arg1, %scan3A_28, %dma_wait3A_82] : memref<16x4x80xi32, #tpu.memory_space<hbm>> -> memref<1x1x80xi32, #tpu.memory_space<hbm>>
        %dma_wait3A_84 = tpu.memref_squeeze %dma_wait3A_83 : memref<1x1x80xi32, #tpu.memory_space<hbm>> -> memref<80xi32, #tpu.memory_space<hbm>>
        tpu.wait_dma2 semaphore(%run_scoped3A : memref<!tpu.dma_semaphore, #tpu.memory_space<semaphore_mem>>) src(%dma_wait3A_84 : memref<80xi32, #tpu.memory_space<hbm>>) dst(%arg16 : memref<80xi32, #tpu.memory_space<vmem>>)
        tpu.yield
      }) : () -> ()
      %dma_start3A = arith.constant 0 : i32
      %dma_start3A_33 = arith.constant 0 : i32
      %dma_start3A_34 = tpu.memref_slice %arg13[%dma_start3A, %dma_start3A_33] : memref<100x128xf32, #tpu.memory_space<vmem>> -> memref<80x128xf32, #tpu.memory_space<vmem>>
      %dma_start3A_35 = arith.constant 0 : i32
      %dma_start3A_36 = arith.constant 0 : i32
      %dma_start3A_37 = tpu.memref_slice %arg7[%arg0, %dma_start3A_35, %dma_start3A_36] : memref<2x10240x128xf32, #tpu.memory_space<hbm>> -> memref<1x10240x128xf32, #tpu.memory_space<hbm>>
      %dma_start3A_38 = tpu.memref_squeeze %dma_start3A_37 : memref<1x10240x128xf32, #tpu.memory_space<hbm>> -> memref<10240x128xf32, #tpu.memory_space<hbm>>
      %dma_start3A_39 = arith.constant 0 : i32
      %dma_start3A_40 = arith.constant 0 : i32
      %dma_start3A_41 = tpu.memref_slice %dma_start3A_38[%dma_start3A_39, %dma_start3A_40] : memref<10240x128xf32, #tpu.memory_space<hbm>> -> memref<10240x128xf32, #tpu.memory_space<hbm>>
      tpu.enqueue_indirect_dma source(%dma_start3A_41 : memref<10240x128xf32, #tpu.memory_space<hbm>>) target(%dma_start3A_34 : memref<80x128xf32, #tpu.memory_space<vmem>>) offsets(%arg16 : memref<80xi32, #tpu.memory_space<vmem>>) semaphore(%arg18 : memref<!tpu.dma_semaphore, #tpu.memory_space<semaphore_mem>>)
      %dma_wait3A = arith.constant 0 : i32
      %dma_wait3A_42 = arith.constant 0 : i32
      %dma_wait3A_43 = tpu.memref_slice %arg13[%dma_wait3A, %dma_wait3A_42] : memref<100x128xf32, #tpu.memory_space<vmem>> -> memref<80x128xf32, #tpu.memory_space<vmem>>
      %dma_wait3A_44 = arith.constant 0 : i32
      %dma_wait3A_45 = arith.constant 0 : i32
      %dma_wait3A_46 = tpu.memref_slice %arg7[%arg0, %dma_wait3A_44, %dma_wait3A_45] : memref<2x10240x128xf32, #tpu.memory_space<hbm>> -> memref<1x10240x128xf32, #tpu.memory_space<hbm>>
      %dma_wait3A_47 = tpu.memref_squeeze %dma_wait3A_46 : memref<1x10240x128xf32, #tpu.memory_space<hbm>> -> memref<10240x128xf32, #tpu.memory_space<hbm>>
      %dma_wait3A_48 = arith.constant 0 : i32
      %dma_wait3A_49 = arith.constant 0 : i32
      %dma_wait3A_50 = tpu.memref_slice %dma_wait3A_47[%dma_wait3A_48, %dma_wait3A_49] : memref<10240x128xf32, #tpu.memory_space<hbm>> -> memref<10240x128xf32, #tpu.memory_space<hbm>>
      tpu.wait_indirect_dma semaphore(%arg18 : memref<!tpu.dma_semaphore, #tpu.memory_space<semaphore_mem>>) src(%dma_wait3A_50 : memref<10240x128xf32, #tpu.memory_space<hbm>>) dst(%dma_wait3A_43 : memref<80x128xf32, #tpu.memory_space<vmem>>)
      "tpu.region"() ({
        %run_scoped3A = tpu.sem_alloc : memref<!tpu.dma_semaphore, #tpu.memory_space<semaphore_mem>>
        %dma_start3A_73 = arith.constant 0 : i32
        %dma_start3A_74 = arith.constant 0 : i32
        %dma_start3A_75 = tpu.memref_slice %arg13[%dma_start3A_73, %dma_start3A_74] : memref<100x128xf32, #tpu.memory_space<vmem>> -> memref<80x128xf32, #tpu.memory_space<vmem>>
        %dma_start3A_76 = arith.constant 0 : i32
        %dma_start3A_77 = arith.constant 0 : i32
        %dma_start3A_78 = tpu.memref_slice %arg8[%arg0, %dma_start3A_76, %dma_start3A_77] : memref<2x5120x128xf32, #tpu.memory_space<hbm>> -> memref<1x5120x128xf32, #tpu.memory_space<hbm>>
        %dma_start3A_79 = tpu.memref_squeeze %dma_start3A_78 : memref<1x5120x128xf32, #tpu.memory_space<hbm>> -> memref<5120x128xf32, #tpu.memory_space<hbm>>
        %dma_start3A_80 = arith.constant 0 : i32
        %dma_start3A_81 = tpu.memref_slice %dma_start3A_79[%add3A, %dma_start3A_80] : memref<5120x128xf32, #tpu.memory_space<hbm>> -> memref<80x128xf32, #tpu.memory_space<hbm>>
        %dma_start3A_82 = arith.constant 0 : i32
        %dma_start3A_83 = arith.constant 0 : i32
        %dma_start3A_84 = tpu.memref_slice %arg8[%arg0, %dma_start3A_82, %dma_start3A_83] : memref<2x5120x128xf32, #tpu.memory_space<hbm>> -> memref<1x5120x128xf32, #tpu.memory_space<hbm>>
        %dma_start3A_85 = tpu.memref_squeeze %dma_start3A_84 : memref<1x5120x128xf32, #tpu.memory_space<hbm>> -> memref<5120x128xf32, #tpu.memory_space<hbm>>
        %dma_start3A_86 = arith.constant 0 : i32
        %dma_start3A_87 = tpu.memref_slice %dma_start3A_85[%add3A, %dma_start3A_86] : memref<5120x128xf32, #tpu.memory_space<hbm>> -> memref<80x128xf32, #tpu.memory_space<hbm>>
        %dma_start3A_88 = arith.constant 0 : i32
        %dma_start3A_89 = arith.constant 0 : i32
        %dma_start3A_90 = tpu.memref_slice %arg13[%dma_start3A_88, %dma_start3A_89] : memref<100x128xf32, #tpu.memory_space<vmem>> -> memref<80x128xf32, #tpu.memory_space<vmem>>
        tpu.enqueue_dma source(%dma_start3A_90 : memref<80x128xf32, #tpu.memory_space<vmem>>) target(%dma_start3A_87 : memref<80x128xf32, #tpu.memory_space<hbm>>) target_semaphore(%run_scoped3A : memref<!tpu.dma_semaphore, #tpu.memory_space<semaphore_mem>>)
        %dma_wait3A_91 = arith.constant 0 : i32
        %dma_wait3A_92 = arith.constant 0 : i32
        %dma_wait3A_93 = tpu.memref_slice %arg13[%dma_wait3A_91, %dma_wait3A_92] : memref<100x128xf32, #tpu.memory_space<vmem>> -> memref<80x128xf32, #tpu.memory_space<vmem>>
        %dma_wait3A_94 = arith.constant 0 : i32
        %dma_wait3A_95 = arith.constant 0 : i32
        %dma_wait3A_96 = tpu.memref_slice %arg8[%arg0, %dma_wait3A_94, %dma_wait3A_95] : memref<2x5120x128xf32, #tpu.memory_space<hbm>> -> memref<1x5120x128xf32, #tpu.memory_space<hbm>>
        %dma_wait3A_97 = tpu.memref_squeeze %dma_wait3A_96 : memref<1x5120x128xf32, #tpu.memory_space<hbm>> -> memref<5120x128xf32, #tpu.memory_space<hbm>>
        %dma_wait3A_98 = arith.constant 0 : i32
        %dma_wait3A_99 = tpu.memref_slice %dma_wait3A_97[%add3A, %dma_wait3A_98] : memref<5120x128xf32, #tpu.memory_space<hbm>> -> memref<80x128xf32, #tpu.memory_space<hbm>>
        %dma_wait3A_100 = arith.constant 0 : i32
        %dma_wait3A_101 = arith.constant 0 : i32
        %dma_wait3A_102 = tpu.memref_slice %arg8[%arg0, %dma_wait3A_100, %dma_wait3A_101] : memref<2x5120x128xf32, #tpu.memory_space<hbm>> -> memref<1x5120x128xf32, #tpu.memory_space<hbm>>
        %dma_wait3A_103 = tpu.memref_squeeze %dma_wait3A_102 : memref<1x5120x128xf32, #tpu.memory_space<hbm>> -> memref<5120x128xf32, #tpu.memory_space<hbm>>
        %dma_wait3A_104 = arith.constant 0 : i32
        %dma_wait3A_105 = tpu.memref_slice %dma_wait3A_103[%add3A, %dma_wait3A_104] : memref<5120x128xf32, #tpu.memory_space<hbm>> -> memref<80x128xf32, #tpu.memory_space<hbm>>
        %dma_wait3A_106 = arith.constant 0 : i32
        %dma_wait3A_107 = arith.constant 0 : i32
        %dma_wait3A_108 = tpu.memref_slice %arg13[%dma_wait3A_106, %dma_wait3A_107] : memref<100x128xf32, #tpu.memory_space<vmem>> -> memref<80x128xf32, #tpu.memory_space<vmem>>
        tpu.wait_dma2 semaphore(%run_scoped3A : memref<!tpu.dma_semaphore, #tpu.memory_space<semaphore_mem>>) src(%dma_wait3A_108 : memref<80x128xf32, #tpu.memory_space<vmem>>) dst(%dma_wait3A_105 : memref<80x128xf32, #tpu.memory_space<hbm>>)
        tpu.yield
      }) : () -> ()
      %dma_start3A_51 = arith.constant 0 : i32
      %dma_start3A_52 = arith.constant 0 : i32
      %dma_start3A_53 = tpu.memref_slice %arg13[%dma_start3A_51, %dma_start3A_52] : memref<100x128xf32, #tpu.memory_space<vmem>> -> memref<80x128xf32, #tpu.memory_space<vmem>>
      %dma_start3A_54 = arith.constant 0 : i32
      %dma_start3A_55 = arith.constant 0 : i32
      %dma_start3A_56 = tpu.memref_slice %arg2[%arg0, %dma_start3A_54, %dma_start3A_55] : memref<2x10000x128xf32, #tpu.memory_space<hbm>> -> memref<1x10000x128xf32, #tpu.memory_space<hbm>>
      %dma_start3A_57 = tpu.memref_squeeze %dma_start3A_56 : memref<1x10000x128xf32, #tpu.memory_space<hbm>> -> memref<10000x128xf32, #tpu.memory_space<hbm>>
      %dma_start3A_58 = arith.constant 0 : i32
      %dma_start3A_59 = arith.constant 0 : i32
      %dma_start3A_60 = tpu.memref_slice %dma_start3A_57[%dma_start3A_58, %dma_start3A_59] : memref<10000x128xf32, #tpu.memory_space<hbm>> -> memref<10000x128xf32, #tpu.memory_space<hbm>>
      tpu.enqueue_indirect_dma source(%dma_start3A_60 : memref<10000x128xf32, #tpu.memory_space<hbm>>) target(%dma_start3A_53 : memref<80x128xf32, #tpu.memory_space<vmem>>) offsets(%arg16 : memref<80xi32, #tpu.memory_space<vmem>>) semaphore(%arg18 : memref<!tpu.dma_semaphore, #tpu.memory_space<semaphore_mem>>)
      %dma_wait3A_61 = arith.constant 0 : i32
      %dma_wait3A_62 = arith.constant 0 : i32
      %dma_wait3A_63 = tpu.memref_slice %arg13[%dma_wait3A_61, %dma_wait3A_62] : memref<100x128xf32, #tpu.memory_space<vmem>> -> memref<80x128xf32, #tpu.memory_space<vmem>>
      %dma_wait3A_64 = arith.constant 0 : i32
      %dma_wait3A_65 = arith.constant 0 : i32
      %dma_wait3A_66 = tpu.memref_slice %arg2[%arg0, %dma_wait3A_64, %dma_wait3A_65] : memref<2x10000x128xf32, #tpu.memory_space<hbm>> -> memref<1x10000x128xf32, #tpu.memory_space<hbm>>
      %dma_wait3A_67 = tpu.memref_squeeze %dma_wait3A_66 : memref<1x10000x128xf32, #tpu.memory_space<hbm>> -> memref<10000x128xf32, #tpu.memory_space<hbm>>
      %dma_wait3A_68 = arith.constant 0 : i32
      %dma_wait3A_69 = arith.constant 0 : i32
      %dma_wait3A_70 = tpu.memref_slice %dma_wait3A_67[%dma_wait3A_68, %dma_wait3A_69] : memref<10000x128xf32, #tpu.memory_space<hbm>> -> memref<10000x128xf32, #tpu.memory_space<hbm>>
      tpu.wait_indirect_dma semaphore(%arg18 : memref<!tpu.dma_semaphore, #tpu.memory_space<semaphore_mem>>) src(%dma_wait3A_70 : memref<10000x128xf32, #tpu.memory_space<hbm>>) dst(%dma_wait3A_63 : memref<80x128xf32, #tpu.memory_space<vmem>>)
      "tpu.region"() ({
        %run_scoped3A = tpu.sem_alloc : memref<!tpu.dma_semaphore, #tpu.memory_space<semaphore_mem>>
        %dma_start3A_73 = arith.constant 0 : i32
        %dma_start3A_74 = arith.constant 0 : i32
        %dma_start3A_75 = tpu.memref_slice %arg13[%dma_start3A_73, %dma_start3A_74] : memref<100x128xf32, #tpu.memory_space<vmem>> -> memref<80x128xf32, #tpu.memory_space<vmem>>
        %dma_start3A_76 = arith.constant 0 : i32
        %dma_start3A_77 = arith.constant 0 : i32
        %dma_start3A_78 = tpu.memref_slice %arg9[%arg0, %dma_start3A_76, %dma_start3A_77] : memref<2x5120x128xf32, #tpu.memory_space<hbm>> -> memref<1x5120x128xf32, #tpu.memory_space<hbm>>
        %dma_start3A_79 = tpu.memref_squeeze %dma_start3A_78 : memref<1x5120x128xf32, #tpu.memory_space<hbm>> -> memref<5120x128xf32, #tpu.memory_space<hbm>>
        %dma_start3A_80 = arith.constant 0 : i32
        %dma_start3A_81 = tpu.memref_slice %dma_start3A_79[%add3A, %dma_start3A_80] : memref<5120x128xf32, #tpu.memory_space<hbm>> -> memref<80x128xf32, #tpu.memory_space<hbm>>
        %dma_start3A_82 = arith.constant 0 : i32
        %dma_start3A_83 = arith.constant 0 : i32
        %dma_start3A_84 = tpu.memref_slice %arg9[%arg0, %dma_start3A_82, %dma_start3A_83] : memref<2x5120x128xf32, #tpu.memory_space<hbm>> -> memref<1x5120x128xf32, #tpu.memory_space<hbm>>
        %dma_start3A_85 = tpu.memref_squeeze %dma_start3A_84 : memref<1x5120x128xf32, #tpu.memory_space<hbm>> -> memref<5120x128xf32, #tpu.memory_space<hbm>>
        %dma_start3A_86 = arith.constant 0 : i32
        %dma_start3A_87 = tpu.memref_slice %dma_start3A_85[%add3A, %dma_start3A_86] : memref<5120x128xf32, #tpu.memory_space<hbm>> -> memref<80x128xf32, #tpu.memory_space<hbm>>
        %dma_start3A_88 = arith.constant 0 : i32
        %dma_start3A_89 = arith.constant 0 : i32
        %dma_start3A_90 = tpu.memref_slice %arg13[%dma_start3A_88, %dma_start3A_89] : memref<100x128xf32, #tpu.memory_space<vmem>> -> memref<80x128xf32, #tpu.memory_space<vmem>>
        tpu.enqueue_dma source(%dma_start3A_90 : memref<80x128xf32, #tpu.memory_space<vmem>>) target(%dma_start3A_87 : memref<80x128xf32, #tpu.memory_space<hbm>>) target_semaphore(%run_scoped3A : memref<!tpu.dma_semaphore, #tpu.memory_space<semaphore_mem>>)
        %dma_wait3A_91 = arith.constant 0 : i32
        %dma_wait3A_92 = arith.constant 0 : i32
        %dma_wait3A_93 = tpu.memref_slice %arg13[%dma_wait3A_91, %dma_wait3A_92] : memref<100x128xf32, #tpu.memory_space<vmem>> -> memref<80x128xf32, #tpu.memory_space<vmem>>
        %dma_wait3A_94 = arith.constant 0 : i32
        %dma_wait3A_95 = arith.constant 0 : i32
        %dma_wait3A_96 = tpu.memref_slice %arg9[%arg0, %dma_wait3A_94, %dma_wait3A_95] : memref<2x5120x128xf32, #tpu.memory_space<hbm>> -> memref<1x5120x128xf32, #tpu.memory_space<hbm>>
        %dma_wait3A_97 = tpu.memref_squeeze %dma_wait3A_96 : memref<1x5120x128xf32, #tpu.memory_space<hbm>> -> memref<5120x128xf32, #tpu.memory_space<hbm>>
        %dma_wait3A_98 = arith.constant 0 : i32
        %dma_wait3A_99 = tpu.memref_slice %dma_wait3A_97[%add3A, %dma_wait3A_98] : memref<5120x128xf32, #tpu.memory_space<hbm>> -> memref<80x128xf32, #tpu.memory_space<hbm>>
        %dma_wait3A_100 = arith.constant 0 : i32
        %dma_wait3A_101 = arith.constant 0 : i32
        %dma_wait3A_102 = tpu.memref_slice %arg9[%arg0, %dma_wait3A_100, %dma_wait3A_101] : memref<2x5120x128xf32, #tpu.memory_space<hbm>> -> memref<1x5120x128xf32, #tpu.memory_space<hbm>>
        %dma_wait3A_103 = tpu.memref_squeeze %dma_wait3A_102 : memref<1x5120x128xf32, #tpu.memory_space<hbm>> -> memref<5120x128xf32, #tpu.memory_space<hbm>>
        %dma_wait3A_104 = arith.constant 0 : i32
        %dma_wait3A_105 = tpu.memref_slice %dma_wait3A_103[%add3A, %dma_wait3A_104] : memref<5120x128xf32, #tpu.memory_space<hbm>> -> memref<80x128xf32, #tpu.memory_space<hbm>>
        %dma_wait3A_106 = arith.constant 0 : i32
        %dma_wait3A_107 = arith.constant 0 : i32
        %dma_wait3A_108 = tpu.memref_slice %arg13[%dma_wait3A_106, %dma_wait3A_107] : memref<100x128xf32, #tpu.memory_space<vmem>> -> memref<80x128xf32, #tpu.memory_space<vmem>>
        tpu.wait_dma2 semaphore(%run_scoped3A : memref<!tpu.dma_semaphore, #tpu.memory_space<semaphore_mem>>) src(%dma_wait3A_108 : memref<80x128xf32, #tpu.memory_space<vmem>>) dst(%dma_wait3A_105 : memref<80x128xf32, #tpu.memory_space<hbm>>)
        tpu.yield
      }) : () -> ()
      %rem3A = arith.constant 2 : i32
      %rem3A_71 = arith.remsi %scan3A_28, %rem3A : i32
      %eq3A = arith.cmpi eq, %arg0, %rem3A_71 : i32
      %convert_element_type3A = arith.extui %eq3A : i1 to i32
      %cond3A = arith.constant 0 : i32
      %cond3A_72 = arith.cmpi ne, %convert_element_type3A, %cond3A : i32
      scf.if %cond3A_72 {
        %dma_start3A_73 = arith.constant 0 : i32
        %dma_start3A_74 = tpu.memref_slice %arg6[%dma_start3A_73] : memref<10000xf32, #tpu.memory_space<hbm>> -> memref<10000xf32, #tpu.memory_space<hbm>>
        tpu.enqueue_indirect_dma source(%dma_start3A_74 : memref<10000xf32, #tpu.memory_space<hbm>>) target(%arg17 : memref<80xf32, #tpu.memory_space<vmem>>) offsets(%arg16 : memref<80xi32, #tpu.memory_space<vmem>>) semaphore(%arg19 : memref<!tpu.dma_semaphore, #tpu.memory_space<semaphore_mem>>)
        %dma_wait3A_75 = arith.constant 0 : i32
        %dma_wait3A_76 = tpu.memref_slice %arg6[%dma_wait3A_75] : memref<10000xf32, #tpu.memory_space<hbm>> -> memref<10000xf32, #tpu.memory_space<hbm>>
        tpu.wait_indirect_dma semaphore(%arg19 : memref<!tpu.dma_semaphore, #tpu.memory_space<semaphore_mem>>) src(%dma_wait3A_76 : memref<10000xf32, #tpu.memory_space<hbm>>) dst(%arg17 : memref<80xf32, #tpu.memory_space<vmem>>)
        "tpu.region"() ({
          %run_scoped3A = tpu.sem_alloc : memref<!tpu.dma_semaphore, #tpu.memory_space<semaphore_mem>>
          %dma_start3A_77 = tpu.memref_slice %arg10[%add3A] : memref<5120xf32, #tpu.memory_space<hbm>> -> memref<80xf32, #tpu.memory_space<hbm>>
          %dma_start3A_78 = tpu.memref_slice %arg10[%add3A] : memref<5120xf32, #tpu.memory_space<hbm>> -> memref<80xf32, #tpu.memory_space<hbm>>
          tpu.enqueue_dma source(%arg17 : memref<80xf32, #tpu.memory_space<vmem>>) target(%dma_start3A_78 : memref<80xf32, #tpu.memory_space<hbm>>) target_semaphore(%run_scoped3A : memref<!tpu.dma_semaphore, #tpu.memory_space<semaphore_mem>>)
          %dma_wait3A_79 = tpu.memref_slice %arg10[%add3A] : memref<5120xf32, #tpu.memory_space<hbm>> -> memref<80xf32, #tpu.memory_space<hbm>>
          %dma_wait3A_80 = tpu.memref_slice %arg10[%add3A] : memref<5120xf32, #tpu.memory_space<hbm>> -> memref<80xf32, #tpu.memory_space<hbm>>
          tpu.wait_dma2 semaphore(%run_scoped3A : memref<!tpu.dma_semaphore, #tpu.memory_space<semaphore_mem>>) src(%arg17 : memref<80xf32, #tpu.memory_space<vmem>>) dst(%dma_wait3A_80 : memref<80xf32, #tpu.memory_space<hbm>>)
          tpu.yield
        }) : () -> ()
      } else {
      }
    }
    %scan3A_27 = arith.constant 4 : i32
    return
  }
}

#map = affine_map<(d0, d1) -> (0, 0, 0, 0)>
#map1 = affine_map<(d0, d1) -> (0, 0)>
module attributes {stable_mosaic.version = 14 : i64} {
  func.func @_sc_deg_body(%arg0: i32, %arg1: i32, %arg2: memref<2x16x40x125xi32, #tpu.memory_space<hbm>>, %arg3: memref<2x10240xf32, #tpu.memory_space<hbm>>, %arg4: memref<40x125xi32, #tpu.memory_space<vmem>>, %arg5: memref<125xf32, #tpu.memory_space<vmem>>, %arg6: memref<640xf32, #tpu.memory_space<vmem>>, %arg7: memref<10240xf32, #tpu.memory_space<vmem_shared>>) attributes {dimension_semantics = [#tpu.dimension_semantics<core_parallel>, #tpu.dimension_semantics<subcore_parallel>], iteration_bounds = array<i64: 2, 16>, scalar_prefetch = 0 : i64, scratch_operands = 4 : i64, tpu.core_type = #tpu.core_type<sc_vector_subcore>, window_params = [{transform_indices = #map}, {transform_indices = #map1}]} {
    %scan3A = arith.constant 0 : i32
    %scan3A_0 = arith.constant 0 : i32
    %scan3A_1 = arith.constant 40 : i32
    %scan3A_2 = arith.addi %scan3A_0, %scan3A_1 : i32
    %scan3A_3 = arith.constant 1 : i32
    scf.for %scan3A_27 = %scan3A_0 to %scan3A_2 step %scan3A_3  : i32 {
      %broadcast_in_dim3A_28 = arith.constant 0.000000e+00 : f32
      %broadcast_in_dim3A_29 = vector.broadcast %broadcast_in_dim3A_28 : f32 to vector<16xf32>
      %mul3A_30 = arith.constant 16 : i32
      %mul3A_31 = arith.muli %scan3A_27, %mul3A_30 : i32
      %swap3A_32 = arith.index_cast %mul3A_31 : i32 to index
      %swap3A_33 = tpu.vector_load %arg6[%swap3A_32] {strides = array<i32>} : memref<640xf32, #tpu.memory_space<vmem>>, vector<16xf32>,
      %swap3A_34 = vector.shape_cast %swap3A_33 : vector<16xf32> to vector<16xf32>
      %swap3A_35 = vector.shape_cast %broadcast_in_dim3A_29 : vector<16xf32> to vector<16xf32>
      tpu.vector_store %arg6[%swap3A_32], %swap3A_35 {strides = array<i32>} : memref<640xf32, #tpu.memory_space<vmem>>, vector<16xf32>,
    }
    %scan3A_4 = arith.constant 40 : i32
    %mul3A = arith.constant 640 : i32
    %mul3A_5 = arith.muli %arg1, %mul3A : i32
    "tpu.region"() ({
      %run_scoped3A = tpu.sem_alloc : memref<!tpu.dma_semaphore, #tpu.memory_space<semaphore_mem>>
      %dma_start3A = tpu.memref_slice %arg7[%mul3A_5] : memref<10240xf32, #tpu.memory_space<vmem_shared>> -> memref<640xf32, #tpu.memory_space<vmem_shared>>
      %dma_start3A_27 = tpu.memref_slice %arg7[%mul3A_5] : memref<10240xf32, #tpu.memory_space<vmem_shared>> -> memref<640xf32, #tpu.memory_space<vmem_shared>>
      tpu.enqueue_dma source(%arg6 : memref<640xf32, #tpu.memory_space<vmem>>) target(%dma_start3A_27 : memref<640xf32, #tpu.memory_space<vmem_shared>>) target_semaphore(%run_scoped3A : memref<!tpu.dma_semaphore, #tpu.memory_space<semaphore_mem>>)
      %dma_wait3A = tpu.memref_slice %arg7[%mul3A_5] : memref<10240xf32, #tpu.memory_space<vmem_shared>> -> memref<640xf32, #tpu.memory_space<vmem_shared>>
      %dma_wait3A_28 = tpu.memref_slice %arg7[%mul3A_5] : memref<10240xf32, #tpu.memory_space<vmem_shared>> -> memref<640xf32, #tpu.memory_space<vmem_shared>>
      tpu.wait_dma2 semaphore(%run_scoped3A : memref<!tpu.dma_semaphore, #tpu.memory_space<semaphore_mem>>) src(%arg6 : memref<640xf32, #tpu.memory_space<vmem>>) dst(%dma_wait3A_28 : memref<640xf32, #tpu.memory_space<vmem_shared>>)
      tpu.yield
    }) : () -> ()
    "tpu.region"() ({
      %run_scoped3A = tpu.sem_alloc : memref<!tpu.dma_semaphore, #tpu.memory_space<semaphore_mem>>
      %dma_start3A = arith.constant 0 : i32
      %dma_start3A_27 = arith.constant 0 : i32
      %dma_start3A_28 = tpu.memref_slice %arg2[%arg0, %arg1, %dma_start3A, %dma_start3A_27] : memref<2x16x40x125xi32, #tpu.memory_space<hbm>> -> memref<1x1x40x125xi32, #tpu.memory_space<hbm>>
      %dma_start3A_29 = tpu.memref_squeeze %dma_start3A_28 : memref<1x1x40x125xi32, #tpu.memory_space<hbm>> -> memref<40x125xi32, #tpu.memory_space<hbm>>
      %dma_start3A_30 = arith.constant 0 : i32
      %dma_start3A_31 = arith.constant 0 : i32
      %dma_start3A_32 = tpu.memref_slice %arg2[%arg0, %arg1, %dma_start3A_30, %dma_start3A_31] : memref<2x16x40x125xi32, #tpu.memory_space<hbm>> -> memref<1x1x40x125xi32, #tpu.memory_space<hbm>>
      %dma_start3A_33 = tpu.memref_squeeze %dma_start3A_32 : memref<1x1x40x125xi32, #tpu.memory_space<hbm>> -> memref<40x125xi32, #tpu.memory_space<hbm>>
      tpu.enqueue_dma source(%dma_start3A_33 : memref<40x125xi32, #tpu.memory_space<hbm>>) target(%arg4 : memref<40x125xi32, #tpu.memory_space<vmem>>) target_semaphore(%run_scoped3A : memref<!tpu.dma_semaphore, #tpu.memory_space<semaphore_mem>>)
      %dma_wait3A = arith.constant 0 : i32
      %dma_wait3A_34 = arith.constant 0 : i32
      %dma_wait3A_35 = tpu.memref_slice %arg2[%arg0, %arg1, %dma_wait3A, %dma_wait3A_34] : memref<2x16x40x125xi32, #tpu.memory_space<hbm>> -> memref<1x1x40x125xi32, #tpu.memory_space<hbm>>
      %dma_wait3A_36 = tpu.memref_squeeze %dma_wait3A_35 : memref<1x1x40x125xi32, #tpu.memory_space<hbm>> -> memref<40x125xi32, #tpu.memory_space<hbm>>
      %dma_wait3A_37 = arith.constant 0 : i32
      %dma_wait3A_38 = arith.constant 0 : i32
      %dma_wait3A_39 = tpu.memref_slice %arg2[%arg0, %arg1, %dma_wait3A_37, %dma_wait3A_38] : memref<2x16x40x125xi32, #tpu.memory_space<hbm>> -> memref<1x1x40x125xi32, #tpu.memory_space<hbm>>
      %dma_wait3A_40 = tpu.memref_squeeze %dma_wait3A_39 : memref<1x1x40x125xi32, #tpu.memory_space<hbm>> -> memref<40x125xi32, #tpu.memory_space<hbm>>
      tpu.wait_dma2 semaphore(%run_scoped3A : memref<!tpu.dma_semaphore, #tpu.memory_space<semaphore_mem>>) src(%dma_wait3A_40 : memref<40x125xi32, #tpu.memory_space<hbm>>) dst(%arg4 : memref<40x125xi32, #tpu.memory_space<vmem>>)
      tpu.yield
    }) : () -> ()
    %scan3A_6 = arith.constant 0 : i32
    %scan3A_7 = arith.constant 0 : i32
    %scan3A_8 = arith.constant 7 : i32
    %scan3A_9 = arith.addi %scan3A_7, %scan3A_8 : i32
    %scan3A_10 = arith.constant 1 : i32
    scf.for %scan3A_27 = %scan3A_7 to %scan3A_9 step %scan3A_10  : i32 {
      %broadcast_in_dim3A_28 = arith.constant 1.000000e+00 : f32
      %broadcast_in_dim3A_29 = vector.broadcast %broadcast_in_dim3A_28 : f32 to vector<16xf32>
      %mul3A_30 = arith.constant 16 : i32
      %mul3A_31 = arith.muli %scan3A_27, %mul3A_30 : i32
      %swap3A_32 = arith.index_cast %mul3A_31 : i32 to index
      %swap3A_33 = tpu.vector_load %arg5[%swap3A_32] {strides = array<i32>} : memref<125xf32, #tpu.memory_space<vmem>>, vector<16xf32>,
      %swap3A_34 = vector.shape_cast %swap3A_33 : vector<16xf32> to vector<16xf32>
      %swap3A_35 = vector.shape_cast %broadcast_in_dim3A_29 : vector<16xf32> to vector<16xf32>
      tpu.vector_store %arg5[%swap3A_32], %swap3A_35 {strides = array<i32>} : memref<125xf32, #tpu.memory_space<vmem>>, vector<16xf32>,
    }
    %scan3A_11 = arith.constant 7 : i32
    %broadcast_in_dim3A = arith.constant 1.000000e+00 : f32
    %broadcast_in_dim3A_12 = vector.broadcast %broadcast_in_dim3A : f32 to vector<16xf32>
    %swap3A = arith.constant 109 : index
    %swap3A_13 = tpu.vector_load %arg5[%swap3A] {strides = array<i32>} : memref<125xf32, #tpu.memory_space<vmem>>, vector<16xf32>,
    %swap3A_14 = vector.shape_cast %swap3A_13 : vector<16xf32> to vector<16xf32>
    %swap3A_15 = vector.shape_cast %broadcast_in_dim3A_12 : vector<16xf32> to vector<16xf32>
    tpu.vector_store %arg5[%swap3A], %swap3A_15 {strides = array<i32>} : memref<125xf32, #tpu.memory_space<vmem>>, vector<16xf32>,
    %barrier3A = arith.constant 0 : index
    tpu.barrier barrier_id(%barrier3A)
    %scan3A_16 = arith.constant 0 : i32
    %scan3A_17 = arith.constant 0 : i32
    %scan3A_18 = arith.constant 40 : i32
    %scan3A_19 = arith.addi %scan3A_17, %scan3A_18 : i32
    %scan3A_20 = arith.constant 1 : i32
    scf.for %scan3A_27 = %scan3A_17 to %scan3A_19 step %scan3A_20  : i32 {
      "tpu.region"() ({
        %run_scoped3A = tpu.sem_alloc : memref<!tpu.dma_semaphore, #tpu.memory_space<semaphore_mem>>
        %dma_start3A = arith.constant 0 : i32
        %dma_start3A_28 = tpu.memref_slice %arg4[%scan3A_27, %dma_start3A] : memref<40x125xi32, #tpu.memory_space<vmem>> -> memref<1x125xi32, #tpu.memory_space<vmem>>
        %dma_start3A_29 = tpu.memref_squeeze %dma_start3A_28 : memref<1x125xi32, #tpu.memory_space<vmem>> -> memref<125xi32, #tpu.memory_space<vmem>>
        %dma_start3A_30 = arith.constant 0 : i32
        %dma_start3A_31 = tpu.memref_slice %arg7[%dma_start3A_30] : memref<10240xf32, #tpu.memory_space<vmem_shared>> -> memref<10240xf32, #tpu.memory_space<vmem_shared>>
        tpu.enqueue_indirect_dma source(%arg5 : memref<125xf32, #tpu.memory_space<vmem>>) target(%dma_start3A_31 : memref<10240xf32, #tpu.memory_space<vmem_shared>>) offsets(%dma_start3A_29 : memref<125xi32, #tpu.memory_space<vmem>>) semaphore(%run_scoped3A : memref<!tpu.dma_semaphore, #tpu.memory_space<semaphore_mem>>) {add = true}
        %dma_wait3A = arith.constant 0 : i32
        %dma_wait3A_32 = tpu.memref_slice %arg4[%scan3A_27, %dma_wait3A] : memref<40x125xi32, #tpu.memory_space<vmem>> -> memref<1x125xi32, #tpu.memory_space<vmem>>
        %dma_wait3A_33 = tpu.memref_squeeze %dma_wait3A_32 : memref<1x125xi32, #tpu.memory_space<vmem>> -> memref<125xi32, #tpu.memory_space<vmem>>
        %dma_wait3A_34 = arith.constant 0 : i32
        %dma_wait3A_35 = tpu.memref_slice %arg7[%dma_wait3A_34] : memref<10240xf32, #tpu.memory_space<vmem_shared>> -> memref<10240xf32, #tpu.memory_space<vmem_shared>>
        tpu.wait_indirect_dma semaphore(%run_scoped3A : memref<!tpu.dma_semaphore, #tpu.memory_space<semaphore_mem>>) src(%arg5 : memref<125xf32, #tpu.memory_space<vmem>>) dst(%dma_wait3A_35 : memref<10240xf32, #tpu.memory_space<vmem_shared>>)
        tpu.yield
      }) : () -> ()
    }
    %scan3A_21 = arith.constant 40 : i32
    %barrier3A_22 = arith.constant 0 : index
    tpu.barrier barrier_id(%barrier3A_22)
    %mul3A_23 = arith.constant 640 : i32
    %mul3A_24 = arith.muli %arg1, %mul3A_23 : i32
    "tpu.region"() ({
      %run_scoped3A = tpu.sem_alloc : memref<!tpu.dma_semaphore, #tpu.memory_space<semaphore_mem>>
      %dma_start3A = tpu.memref_slice %arg7[%mul3A_24] : memref<10240xf32, #tpu.memory_space<vmem_shared>> -> memref<640xf32, #tpu.memory_space<vmem_shared>>
      %dma_start3A_27 = tpu.memref_slice %arg7[%mul3A_24] : memref<10240xf32, #tpu.memory_space<vmem_shared>> -> memref<640xf32, #tpu.memory_space<vmem_shared>>
      tpu.enqueue_dma source(%dma_start3A_27 : memref<640xf32, #tpu.memory_space<vmem_shared>>) target(%arg6 : memref<640xf32, #tpu.memory_space<vmem>>) target_semaphore(%run_scoped3A : memref<!tpu.dma_semaphore, #tpu.memory_space<semaphore_mem>>)
      %dma_wait3A = tpu.memref_slice %arg7[%mul3A_24] : memref<10240xf32, #tpu.memory_space<vmem_shared>> -> memref<640xf32, #tpu.memory_space<vmem_shared>>
      %dma_wait3A_28 = tpu.memref_slice %arg7[%mul3A_24] : memref<10240xf32, #tpu.memory_space<vmem_shared>> -> memref<640xf32, #tpu.memory_space<vmem_shared>>
      tpu.wait_dma2 semaphore(%run_scoped3A : memref<!tpu.dma_semaphore, #tpu.memory_space<semaphore_mem>>) src(%dma_wait3A_28 : memref<640xf32, #tpu.memory_space<vmem_shared>>) dst(%arg6 : memref<640xf32, #tpu.memory_space<vmem>>)
      tpu.yield
    }) : () -> ()
    %mul3A_25 = arith.constant 640 : i32
    %mul3A_26 = arith.muli %arg1, %mul3A_25 : i32
    "tpu.region"() ({
      %run_scoped3A = tpu.sem_alloc : memref<!tpu.dma_semaphore, #tpu.memory_space<semaphore_mem>>
      %dma_start3A = tpu.memref_slice %arg3[%arg0, %mul3A_26] : memref<2x10240xf32, #tpu.memory_space<hbm>> -> memref<1x640xf32, #tpu.memory_space<hbm>>
      %dma_start3A_27 = tpu.memref_squeeze %dma_start3A : memref<1x640xf32, #tpu.memory_space<hbm>> -> memref<640xf32, #tpu.memory_space<hbm>>
      %dma_start3A_28 = tpu.memref_slice %arg3[%arg0, %mul3A_26] : memref<2x10240xf32, #tpu.memory_space<hbm>> -> memref<1x640xf32, #tpu.memory_space<hbm>>
      %dma_start3A_29 = tpu.memref_squeeze %dma_start3A_28 : memref<1x640xf32, #tpu.memory_space<hbm>> -> memref<640xf32, #tpu.memory_space<hbm>>
      tpu.enqueue_dma source(%arg6 : memref<640xf32, #tpu.memory_space<vmem>>) target(%dma_start3A_29 : memref<640xf32, #tpu.memory_space<hbm>>) target_semaphore(%run_scoped3A : memref<!tpu.dma_semaphore, #tpu.memory_space<semaphore_mem>>)
      %dma_wait3A = tpu.memref_slice %arg3[%arg0, %mul3A_26] : memref<2x10240xf32, #tpu.memory_space<hbm>> -> memref<1x640xf32, #tpu.memory_space<hbm>>
      %dma_wait3A_30 = tpu.memref_squeeze %dma_wait3A : memref<1x640xf32, #tpu.memory_space<hbm>> -> memref<640xf32, #tpu.memory_space<hbm>>
      %dma_wait3A_31 = tpu.memref_slice %arg3[%arg0, %mul3A_26] : memref<2x10240xf32, #tpu.memory_space<hbm>> -> memref<1x640xf32, #tpu.memory_space<hbm>>
      %dma_wait3A_32 = tpu.memref_squeeze %dma_wait3A_31 : memref<1x640xf32, #tpu.memory_space<hbm>> -> memref<640xf32, #tpu.memory_space<hbm>>
      tpu.wait_dma2 semaphore(%run_scoped3A : memref<!tpu.dma_semaphore, #tpu.memory_space<semaphore_mem>>) src(%arg6 : memref<640xf32, #tpu.memory_space<vmem>>) dst(%dma_wait3A_32 : memref<640xf32, #tpu.memory_space<hbm>>)
      tpu.yield
    }) : () -> ()
    return
  }
}

#map = affine_map<(d0, d1) -> (0, 0, 0)>
#map1 = affine_map<(d0, d1) -> (0, 0, 0, 0)>
module attributes {stable_mosaic.version = 14 : i64} {
  func.func @_sc_agg_body(%arg0: i32, %arg1: i32, %arg2: memref<2x10000x128xf32, #tpu.memory_space<hbm>>, %arg3: memref<16x4x25x100xi32, #tpu.memory_space<hbm>>, %arg4: memref<16x4x25x100xi32, #tpu.memory_space<hbm>>, %arg5: memref<2x10240x128xf32, #tpu.memory_space<hbm>>, %arg6: memref<25x100xi32, #tpu.memory_space<vmem>>, %arg7: memref<25x100xi32, #tpu.memory_space<vmem>>, %arg8: memref<100x128xf32, #tpu.memory_space<vmem>>, %arg9: memref<100x128xf32, #tpu.memory_space<vmem>>, %arg10: memref<16x128xf32, #tpu.memory_space<vmem>>, %arg11: memref<!tpu.dma_semaphore, #tpu.memory_space<semaphore_mem>>, %arg12: memref<!tpu.dma_semaphore, #tpu.memory_space<semaphore_mem>>, %arg13: memref<!tpu.dma_semaphore, #tpu.memory_space<semaphore_mem>>, %arg14: memref<!tpu.dma_semaphore, #tpu.memory_space<semaphore_mem>>, %arg15: memref<10240x128xf32, #tpu.memory_space<vmem_shared>>) attributes {dimension_semantics = [#tpu.dimension_semantics<core_parallel>, #tpu.dimension_semantics<subcore_parallel>], iteration_bounds = array<i64: 2, 16>, scalar_prefetch = 0 : i64, scratch_operands = 10 : i64, tpu.core_type = #tpu.core_type<sc_vector_subcore>, window_params = [{transform_indices = #map}, {transform_indices = #map1}, {transform_indices = #map1}, {transform_indices = #map}]} {
    %scan3A = arith.constant 0 : i32
    %scan3A_0 = arith.constant 0 : i32
    %scan3A_1 = arith.constant 128 : i32
    %scan3A_2 = arith.addi %scan3A_0, %scan3A_1 : i32
    %scan3A_3 = arith.constant 1 : i32
    scf.for %scan3A_21 = %scan3A_0 to %scan3A_2 step %scan3A_3  : i32 {
      %broadcast_in_dim3A = arith.constant 0.000000e+00 : f32
      %broadcast_in_dim3A_22 = vector.broadcast %broadcast_in_dim3A : f32 to vector<16xf32>
      %jit3A = arith.constant 8 : i32
      %div3A = arith.divsi %scan3A_21, %jit3A : i32
      %sign3A = arith.constant 0 : i32
      %sign3A_23 = arith.cmpi sgt, %scan3A_21, %sign3A : i32
      %sign3A_24 = arith.extui %sign3A_23 : i1 to i32
      %sign3A_25 = arith.constant 0 : i32
      %sign3A_26 = arith.cmpi slt, %scan3A_21, %sign3A_25 : i32
      %sign3A_27 = arith.extui %sign3A_26 : i1 to i32
      %sign3A_28 = arith.subi %sign3A_24, %sign3A_27 : i32
      %sign3A_29 = arith.constant 0 : i32
      %sign3A_30 = arith.cmpi sgt, %jit3A, %sign3A_29 : i32
      %sign3A_31 = arith.extui %sign3A_30 : i1 to i32
      %sign3A_32 = arith.constant 0 : i32
      %sign3A_33 = arith.cmpi slt, %jit3A, %sign3A_32 : i32
      %sign3A_34 = arith.extui %sign3A_33 : i1 to i32
      %sign3A_35 = arith.subi %sign3A_31, %sign3A_34 : i32
      %ne3A = arith.cmpi ne, %sign3A_28, %sign3A_35 : i32
      %rem3A = arith.remsi %scan3A_21, %jit3A : i32
      %ne3A_36 = arith.constant 0 : i32
      %ne3A_37 = arith.cmpi ne, %rem3A, %ne3A_36 : i32
      %and3A = arith.andi %ne3A, %ne3A_37 : i1
      %sub3A = arith.constant 1 : i32
      %sub3A_38 = arith.subi %div3A, %sub3A : i32
      %select_n3A = arith.select %and3A, %sub3A_38, %div3A : i32
      %jit3A_39 = arith.constant 8 : i32
      %eq3A = arith.constant 0 : i32
      %eq3A_40 = arith.cmpi eq, %jit3A_39, %eq3A : i32
      %jit3A_41 = arith.constant 1 : i32
      %select_n3A_42 = arith.select %eq3A_40, %jit3A_41, %jit3A_39 : i32
      %rem3A_43 = arith.remsi %scan3A_21, %select_n3A_42 : i32
      %ne3A_44 = arith.constant 0 : i32
      %ne3A_45 = arith.cmpi ne, %rem3A_43, %ne3A_44 : i32
      %lt3A = arith.constant 0 : i32
      %lt3A_46 = arith.cmpi slt, %rem3A_43, %lt3A : i32
      %lt3A_47 = arith.constant 0 : i32
      %lt3A_48 = arith.cmpi slt, %select_n3A_42, %lt3A_47 : i32
      %ne3A_49 = arith.xori %lt3A_46, %lt3A_48 : i1
      %and3A_50 = arith.andi %ne3A_49, %ne3A_45 : i1
      %add3A = arith.addi %rem3A_43, %select_n3A_42 : i32
      %select_n3A_51 = arith.select %and3A_50, %add3A, %rem3A_43 : i32
      %mul3A_52 = arith.constant 16 : i32
      %mul3A_53 = arith.muli %select_n3A_51, %mul3A_52 : i32
      %swap3A = arith.index_cast %select_n3A : i32 to index
      %swap3A_54 = arith.index_cast %mul3A_53 : i32 to index
      %swap3A_55 = tpu.vector_load %arg10[%swap3A, %swap3A_54] {strides = array<i32>} : memref<16x128xf32, #tpu.memory_space<vmem>>, vector<1x16xf32>,
      %swap3A_56 = vector.shape_cast %swap3A_55 : vector<1x16xf32> to vector<16xf32>
      %swap3A_57 = vector.shape_cast %broadcast_in_dim3A_22 : vector<16xf32> to vector<1x16xf32>
      tpu.vector_store %arg10[%swap3A, %swap3A_54], %swap3A_57 {strides = array<i32>} : memref<16x128xf32, #tpu.memory_space<vmem>>, vector<1x16xf32>,
    }
    %scan3A_4 = arith.constant 128 : i32
    %scan3A_5 = arith.constant 0 : i32
    %scan3A_6 = arith.constant 0 : i32
    %scan3A_7 = arith.constant 40 : i32
    %scan3A_8 = arith.addi %scan3A_6, %scan3A_7 : i32
    %scan3A_9 = arith.constant 1 : i32
    scf.for %scan3A_21 = %scan3A_6 to %scan3A_8 step %scan3A_9  : i32 {
      %mul3A_22 = arith.constant 640 : i32
      %mul3A_23 = arith.muli %arg1, %mul3A_22 : i32
      %mul3A_24 = arith.constant 16 : i32
      %mul3A_25 = arith.muli %scan3A_21, %mul3A_24 : i32
      %add3A = arith.addi %mul3A_23, %mul3A_25 : i32
      "tpu.region"() ({
        %run_scoped3A = tpu.sem_alloc : memref<!tpu.dma_semaphore, #tpu.memory_space<semaphore_mem>>
        %dma_start3A = arith.constant 0 : i32
        %dma_start3A_26 = tpu.memref_slice %arg15[%add3A, %dma_start3A] : memref<10240x128xf32, #tpu.memory_space<vmem_shared>> -> memref<16x128xf32, #tpu.memory_space<vmem_shared>>
        %dma_start3A_27 = arith.constant 0 : i32
        %dma_start3A_28 = tpu.memref_slice %arg15[%add3A, %dma_start3A_27] : memref<10240x128xf32, #tpu.memory_space<vmem_shared>> -> memref<16x128xf32, #tpu.memory_space<vmem_shared>>
        tpu.enqueue_dma source(%arg10 : memref<16x128xf32, #tpu.memory_space<vmem>>) target(%dma_start3A_28 : memref<16x128xf32, #tpu.memory_space<vmem_shared>>) target_semaphore(%run_scoped3A : memref<!tpu.dma_semaphore, #tpu.memory_space<semaphore_mem>>)
        %dma_wait3A = arith.constant 0 : i32
        %dma_wait3A_29 = tpu.memref_slice %arg15[%add3A, %dma_wait3A] : memref<10240x128xf32, #tpu.memory_space<vmem_shared>> -> memref<16x128xf32, #tpu.memory_space<vmem_shared>>
        %dma_wait3A_30 = arith.constant 0 : i32
        %dma_wait3A_31 = tpu.memref_slice %arg15[%add3A, %dma_wait3A_30] : memref<10240x128xf32, #tpu.memory_space<vmem_shared>> -> memref<16x128xf32, #tpu.memory_space<vmem_shared>>
        tpu.wait_dma2 semaphore(%run_scoped3A : memref<!tpu.dma_semaphore, #tpu.memory_space<semaphore_mem>>) src(%arg10 : memref<16x128xf32, #tpu.memory_space<vmem>>) dst(%dma_wait3A_31 : memref<16x128xf32, #tpu.memory_space<vmem_shared>>)
        tpu.yield
      }) : () -> ()
    }
    %scan3A_10 = arith.constant 40 : i32
    %barrier3A = arith.constant 0 : index
    tpu.barrier barrier_id(%barrier3A)
    %scan3A_11 = arith.constant 0 : i32
    %scan3A_12 = arith.constant 0 : i32
    %scan3A_13 = arith.constant 4 : i32
    %scan3A_14 = arith.addi %scan3A_12, %scan3A_13 : i32
    %scan3A_15 = arith.constant 1 : i32
    scf.for %scan3A_21 = %scan3A_12 to %scan3A_14 step %scan3A_15  : i32 {
      "tpu.region"() ({
        %run_scoped3A = tpu.sem_alloc : memref<!tpu.dma_semaphore, #tpu.memory_space<semaphore_mem>>
        %dma_start3A_134 = arith.constant 0 : i32
        %dma_start3A_135 = arith.constant 0 : i32
        %dma_start3A_136 = tpu.memref_slice %arg3[%arg1, %scan3A_21, %dma_start3A_134, %dma_start3A_135] : memref<16x4x25x100xi32, #tpu.memory_space<hbm>> -> memref<1x1x25x100xi32, #tpu.memory_space<hbm>>
        %dma_start3A_137 = tpu.memref_squeeze %dma_start3A_136 : memref<1x1x25x100xi32, #tpu.memory_space<hbm>> -> memref<25x100xi32, #tpu.memory_space<hbm>>
        %dma_start3A_138 = arith.constant 0 : i32
        %dma_start3A_139 = arith.constant 0 : i32
        %dma_start3A_140 = tpu.memref_slice %arg3[%arg1, %scan3A_21, %dma_start3A_138, %dma_start3A_139] : memref<16x4x25x100xi32, #tpu.memory_space<hbm>> -> memref<1x1x25x100xi32, #tpu.memory_space<hbm>>
        %dma_start3A_141 = tpu.memref_squeeze %dma_start3A_140 : memref<1x1x25x100xi32, #tpu.memory_space<hbm>> -> memref<25x100xi32, #tpu.memory_space<hbm>>
        tpu.enqueue_dma source(%dma_start3A_141 : memref<25x100xi32, #tpu.memory_space<hbm>>) target(%arg6 : memref<25x100xi32, #tpu.memory_space<vmem>>) target_semaphore(%run_scoped3A : memref<!tpu.dma_semaphore, #tpu.memory_space<semaphore_mem>>)
        %dma_wait3A_142 = arith.constant 0 : i32
        %dma_wait3A_143 = arith.constant 0 : i32
        %dma_wait3A_144 = tpu.memref_slice %arg3[%arg1, %scan3A_21, %dma_wait3A_142, %dma_wait3A_143] : memref<16x4x25x100xi32, #tpu.memory_space<hbm>> -> memref<1x1x25x100xi32, #tpu.memory_space<hbm>>
        %dma_wait3A_145 = tpu.memref_squeeze %dma_wait3A_144 : memref<1x1x25x100xi32, #tpu.memory_space<hbm>> -> memref<25x100xi32, #tpu.memory_space<hbm>>
        %dma_wait3A_146 = arith.constant 0 : i32
        %dma_wait3A_147 = arith.constant 0 : i32
        %dma_wait3A_148 = tpu.memref_slice %arg3[%arg1, %scan3A_21, %dma_wait3A_146, %dma_wait3A_147] : memref<16x4x25x100xi32, #tpu.memory_space<hbm>> -> memref<1x1x25x100xi32, #tpu.memory_space<hbm>>
        %dma_wait3A_149 = tpu.memref_squeeze %dma_wait3A_148 : memref<1x1x25x100xi32, #tpu.memory_space<hbm>> -> memref<25x100xi32, #tpu.memory_space<hbm>>
        tpu.wait_dma2 semaphore(%run_scoped3A : memref<!tpu.dma_semaphore, #tpu.memory_space<semaphore_mem>>) src(%dma_wait3A_149 : memref<25x100xi32, #tpu.memory_space<hbm>>) dst(%arg6 : memref<25x100xi32, #tpu.memory_space<vmem>>)
        tpu.yield
      }) : () -> ()
      "tpu.region"() ({
        %run_scoped3A = tpu.sem_alloc : memref<!tpu.dma_semaphore, #tpu.memory_space<semaphore_mem>>
        %dma_start3A_134 = arith.constant 0 : i32
        %dma_start3A_135 = arith.constant 0 : i32
        %dma_start3A_136 = tpu.memref_slice %arg4[%arg1, %scan3A_21, %dma_start3A_134, %dma_start3A_135] : memref<16x4x25x100xi32, #tpu.memory_space<hbm>> -> memref<1x1x25x100xi32, #tpu.memory_space<hbm>>
        %dma_start3A_137 = tpu.memref_squeeze %dma_start3A_136 : memref<1x1x25x100xi32, #tpu.memory_space<hbm>> -> memref<25x100xi32, #tpu.memory_space<hbm>>
        %dma_start3A_138 = arith.constant 0 : i32
        %dma_start3A_139 = arith.constant 0 : i32
        %dma_start3A_140 = tpu.memref_slice %arg4[%arg1, %scan3A_21, %dma_start3A_138, %dma_start3A_139] : memref<16x4x25x100xi32, #tpu.memory_space<hbm>> -> memref<1x1x25x100xi32, #tpu.memory_space<hbm>>
        %dma_start3A_141 = tpu.memref_squeeze %dma_start3A_140 : memref<1x1x25x100xi32, #tpu.memory_space<hbm>> -> memref<25x100xi32, #tpu.memory_space<hbm>>
        tpu.enqueue_dma source(%dma_start3A_141 : memref<25x100xi32, #tpu.memory_space<hbm>>) target(%arg7 : memref<25x100xi32, #tpu.memory_space<vmem>>) target_semaphore(%run_scoped3A : memref<!tpu.dma_semaphore, #tpu.memory_space<semaphore_mem>>)
        %dma_wait3A_142 = arith.constant 0 : i32
        %dma_wait3A_143 = arith.constant 0 : i32
        %dma_wait3A_144 = tpu.memref_slice %arg4[%arg1, %scan3A_21, %dma_wait3A_142, %dma_wait3A_143] : memref<16x4x25x100xi32, #tpu.memory_space<hbm>> -> memref<1x1x25x100xi32, #tpu.memory_space<hbm>>
        %dma_wait3A_145 = tpu.memref_squeeze %dma_wait3A_144 : memref<1x1x25x100xi32, #tpu.memory_space<hbm>> -> memref<25x100xi32, #tpu.memory_space<hbm>>
        %dma_wait3A_146 = arith.constant 0 : i32
        %dma_wait3A_147 = arith.constant 0 : i32
        %dma_wait3A_148 = tpu.memref_slice %arg4[%arg1, %scan3A_21, %dma_wait3A_146, %dma_wait3A_147] : memref<16x4x25x100xi32, #tpu.memory_space<hbm>> -> memref<1x1x25x100xi32, #tpu.memory_space<hbm>>
        %dma_wait3A_149 = tpu.memref_squeeze %dma_wait3A_148 : memref<1x1x25x100xi32, #tpu.memory_space<hbm>> -> memref<25x100xi32, #tpu.memory_space<hbm>>
        tpu.wait_dma2 semaphore(%run_scoped3A : memref<!tpu.dma_semaphore, #tpu.memory_space<semaphore_mem>>) src(%dma_wait3A_149 : memref<25x100xi32, #tpu.memory_space<hbm>>) dst(%arg7 : memref<25x100xi32, #tpu.memory_space<vmem>>)
        tpu.yield
      }) : () -> ()
      %dma_start3A = arith.constant 0 : i32
      %dma_start3A_22 = arith.constant 0 : i32
      %dma_start3A_23 = tpu.memref_slice %arg6[%dma_start3A, %dma_start3A_22] : memref<25x100xi32, #tpu.memory_space<vmem>> -> memref<1x100xi32, #tpu.memory_space<vmem>>
      %dma_start3A_24 = tpu.memref_squeeze %dma_start3A_23 : memref<1x100xi32, #tpu.memory_space<vmem>> -> memref<100xi32, #tpu.memory_space<vmem>>
      %dma_start3A_25 = arith.constant 0 : i32
      %dma_start3A_26 = arith.constant 0 : i32
      %dma_start3A_27 = tpu.memref_slice %arg2[%arg0, %dma_start3A_25, %dma_start3A_26] : memref<2x10000x128xf32, #tpu.memory_space<hbm>> -> memref<1x10000x128xf32, #tpu.memory_space<hbm>>
      %dma_start3A_28 = tpu.memref_squeeze %dma_start3A_27 : memref<1x10000x128xf32, #tpu.memory_space<hbm>> -> memref<10000x128xf32, #tpu.memory_space<hbm>>
      %dma_start3A_29 = arith.constant 0 : i32
      %dma_start3A_30 = arith.constant 0 : i32
      %dma_start3A_31 = tpu.memref_slice %dma_start3A_28[%dma_start3A_29, %dma_start3A_30] : memref<10000x128xf32, #tpu.memory_space<hbm>> -> memref<10000x128xf32, #tpu.memory_space<hbm>>
      tpu.enqueue_indirect_dma source(%dma_start3A_31 : memref<10000x128xf32, #tpu.memory_space<hbm>>) target(%arg8 : memref<100x128xf32, #tpu.memory_space<vmem>>) offsets(%dma_start3A_24 : memref<100xi32, #tpu.memory_space<vmem>>) semaphore(%arg11 : memref<!tpu.dma_semaphore, #tpu.memory_space<semaphore_mem>>)
      %dma_start3A_32 = arith.constant 1 : i32
      %dma_start3A_33 = arith.constant 0 : i32
      %dma_start3A_34 = tpu.memref_slice %arg6[%dma_start3A_32, %dma_start3A_33] : memref<25x100xi32, #tpu.memory_space<vmem>> -> memref<1x100xi32, #tpu.memory_space<vmem>>
      %dma_start3A_35 = tpu.memref_squeeze %dma_start3A_34 : memref<1x100xi32, #tpu.memory_space<vmem>> -> memref<100xi32, #tpu.memory_space<vmem>>
      %dma_start3A_36 = arith.constant 0 : i32
      %dma_start3A_37 = arith.constant 0 : i32
      %dma_start3A_38 = tpu.memref_slice %arg2[%arg0, %dma_start3A_36, %dma_start3A_37] : memref<2x10000x128xf32, #tpu.memory_space<hbm>> -> memref<1x10000x128xf32, #tpu.memory_space<hbm>>
      %dma_start3A_39 = tpu.memref_squeeze %dma_start3A_38 : memref<1x10000x128xf32, #tpu.memory_space<hbm>> -> memref<10000x128xf32, #tpu.memory_space<hbm>>
      %dma_start3A_40 = arith.constant 0 : i32
      %dma_start3A_41 = arith.constant 0 : i32
      %dma_start3A_42 = tpu.memref_slice %dma_start3A_39[%dma_start3A_40, %dma_start3A_41] : memref<10000x128xf32, #tpu.memory_space<hbm>> -> memref<10000x128xf32, #tpu.memory_space<hbm>>
      tpu.enqueue_indirect_dma source(%dma_start3A_42 : memref<10000x128xf32, #tpu.memory_space<hbm>>) target(%arg9 : memref<100x128xf32, #tpu.memory_space<vmem>>) offsets(%dma_start3A_35 : memref<100xi32, #tpu.memory_space<vmem>>) semaphore(%arg12 : memref<!tpu.dma_semaphore, #tpu.memory_space<semaphore_mem>>)
      %dma_wait3A = arith.constant 0 : i32
      %dma_wait3A_43 = arith.constant 0 : i32
      %dma_wait3A_44 = tpu.memref_slice %arg6[%dma_wait3A, %dma_wait3A_43] : memref<25x100xi32, #tpu.memory_space<vmem>> -> memref<1x100xi32, #tpu.memory_space<vmem>>
      %dma_wait3A_45 = tpu.memref_squeeze %dma_wait3A_44 : memref<1x100xi32, #tpu.memory_space<vmem>> -> memref<100xi32, #tpu.memory_space<vmem>>
      %dma_wait3A_46 = arith.constant 0 : i32
      %dma_wait3A_47 = arith.constant 0 : i32
      %dma_wait3A_48 = tpu.memref_slice %arg2[%arg0, %dma_wait3A_46, %dma_wait3A_47] : memref<2x10000x128xf32, #tpu.memory_space<hbm>> -> memref<1x10000x128xf32, #tpu.memory_space<hbm>>
      %dma_wait3A_49 = tpu.memref_squeeze %dma_wait3A_48 : memref<1x10000x128xf32, #tpu.memory_space<hbm>> -> memref<10000x128xf32, #tpu.memory_space<hbm>>
      %dma_wait3A_50 = arith.constant 0 : i32
      %dma_wait3A_51 = arith.constant 0 : i32
      %dma_wait3A_52 = tpu.memref_slice %dma_wait3A_49[%dma_wait3A_50, %dma_wait3A_51] : memref<10000x128xf32, #tpu.memory_space<hbm>> -> memref<10000x128xf32, #tpu.memory_space<hbm>>
      tpu.wait_indirect_dma semaphore(%arg11 : memref<!tpu.dma_semaphore, #tpu.memory_space<semaphore_mem>>) src(%dma_wait3A_52 : memref<10000x128xf32, #tpu.memory_space<hbm>>) dst(%arg8 : memref<100x128xf32, #tpu.memory_space<vmem>>)
      %dma_start3A_53 = arith.constant 0 : i32
      %dma_start3A_54 = arith.constant 0 : i32
      %dma_start3A_55 = tpu.memref_slice %arg7[%dma_start3A_53, %dma_start3A_54] : memref<25x100xi32, #tpu.memory_space<vmem>> -> memref<1x100xi32, #tpu.memory_space<vmem>>
      %dma_start3A_56 = tpu.memref_squeeze %dma_start3A_55 : memref<1x100xi32, #tpu.memory_space<vmem>> -> memref<100xi32, #tpu.memory_space<vmem>>
      %dma_start3A_57 = arith.constant 0 : i32
      %dma_start3A_58 = arith.constant 0 : i32
      %dma_start3A_59 = tpu.memref_slice %arg15[%dma_start3A_57, %dma_start3A_58] : memref<10240x128xf32, #tpu.memory_space<vmem_shared>> -> memref<10240x128xf32, #tpu.memory_space<vmem_shared>>
      tpu.enqueue_indirect_dma source(%arg8 : memref<100x128xf32, #tpu.memory_space<vmem>>) target(%dma_start3A_59 : memref<10240x128xf32, #tpu.memory_space<vmem_shared>>) offsets(%dma_start3A_56 : memref<100xi32, #tpu.memory_space<vmem>>) semaphore(%arg13 : memref<!tpu.dma_semaphore, #tpu.memory_space<semaphore_mem>>) {add = true}
      %scan3A_60 = arith.constant 0 : i32
      %scan3A_61 = arith.constant 0 : i32
      %scan3A_62 = arith.constant 11 : i32
      %scan3A_63 = arith.addi %scan3A_61, %scan3A_62 : i32
      %scan3A_64 = arith.constant 1 : i32
      scf.for %scan3A_134 = %scan3A_61 to %scan3A_63 step %scan3A_64  : i32 {
        %mul3A_135 = arith.constant 2 : i32
        %mul3A_136 = arith.muli %scan3A_134, %mul3A_135 : i32
        %add3A = arith.constant 1 : i32
        %add3A_137 = arith.addi %mul3A_136, %add3A : i32
        %add3A_138 = arith.constant 0 : i32
        %add3A_139 = arith.addi %add3A_137, %add3A_138 : i32
        %sub3A = arith.constant 1 : i32
        %sub3A_140 = arith.subi %add3A_139, %sub3A : i32
        %dma_wait3A_141 = arith.constant 0 : i32
        %dma_wait3A_142 = tpu.memref_slice %arg7[%sub3A_140, %dma_wait3A_141] : memref<25x100xi32, #tpu.memory_space<vmem>> -> memref<1x100xi32, #tpu.memory_space<vmem>>
        %dma_wait3A_143 = tpu.memref_squeeze %dma_wait3A_142 : memref<1x100xi32, #tpu.memory_space<vmem>> -> memref<100xi32, #tpu.memory_space<vmem>>
        %dma_wait3A_144 = arith.constant 0 : i32
        %dma_wait3A_145 = arith.constant 0 : i32
        %dma_wait3A_146 = tpu.memref_slice %arg15[%dma_wait3A_144, %dma_wait3A_145] : memref<10240x128xf32, #tpu.memory_space<vmem_shared>> -> memref<10240x128xf32, #tpu.memory_space<vmem_shared>>
        tpu.wait_indirect_dma semaphore(%arg13 : memref<!tpu.dma_semaphore, #tpu.memory_space<semaphore_mem>>) src(%arg8 : memref<100x128xf32, #tpu.memory_space<vmem>>) dst(%dma_wait3A_146 : memref<10240x128xf32, #tpu.memory_space<vmem_shared>>)
        %add3A_147 = arith.constant 1 : i32
        %add3A_148 = arith.addi %add3A_139, %add3A_147 : i32
        %dma_start3A_149 = arith.constant 0 : i32
        %dma_start3A_150 = tpu.memref_slice %arg6[%add3A_148, %dma_start3A_149] : memref<25x100xi32, #tpu.memory_space<vmem>> -> memref<1x100xi32, #tpu.memory_space<vmem>>
        %dma_start3A_151 = tpu.memref_squeeze %dma_start3A_150 : memref<1x100xi32, #tpu.memory_space<vmem>> -> memref<100xi32, #tpu.memory_space<vmem>>
        %dma_start3A_152 = arith.constant 0 : i32
        %dma_start3A_153 = arith.constant 0 : i32
        %dma_start3A_154 = tpu.memref_slice %arg2[%arg0, %dma_start3A_152, %dma_start3A_153] : memref<2x10000x128xf32, #tpu.memory_space<hbm>> -> memref<1x10000x128xf32, #tpu.memory_space<hbm>>
        %dma_start3A_155 = tpu.memref_squeeze %dma_start3A_154 : memref<1x10000x128xf32, #tpu.memory_space<hbm>> -> memref<10000x128xf32, #tpu.memory_space<hbm>>
        %dma_start3A_156 = arith.constant 0 : i32
        %dma_start3A_157 = arith.constant 0 : i32
        %dma_start3A_158 = tpu.memref_slice %dma_start3A_155[%dma_start3A_156, %dma_start3A_157] : memref<10000x128xf32, #tpu.memory_space<hbm>> -> memref<10000x128xf32, #tpu.memory_space<hbm>>
        tpu.enqueue_indirect_dma source(%dma_start3A_158 : memref<10000x128xf32, #tpu.memory_space<hbm>>) target(%arg8 : memref<100x128xf32, #tpu.memory_space<vmem>>) offsets(%dma_start3A_151 : memref<100xi32, #tpu.memory_space<vmem>>) semaphore(%arg11 : memref<!tpu.dma_semaphore, #tpu.memory_space<semaphore_mem>>)
        %dma_wait3A_159 = arith.constant 0 : i32
        %dma_wait3A_160 = tpu.memref_slice %arg6[%add3A_139, %dma_wait3A_159] : memref<25x100xi32, #tpu.memory_space<vmem>> -> memref<1x100xi32, #tpu.memory_space<vmem>>
        %dma_wait3A_161 = tpu.memref_squeeze %dma_wait3A_160 : memref<1x100xi32, #tpu.memory_space<vmem>> -> memref<100xi32, #tpu.memory_space<vmem>>
        %dma_wait3A_162 = arith.constant 0 : i32
        %dma_wait3A_163 = arith.constant 0 : i32
        %dma_wait3A_164 = tpu.memref_slice %arg2[%arg0, %dma_wait3A_162, %dma_wait3A_163] : memref<2x10000x128xf32, #tpu.memory_space<hbm>> -> memref<1x10000x128xf32, #tpu.memory_space<hbm>>
        %dma_wait3A_165 = tpu.memref_squeeze %dma_wait3A_164 : memref<1x10000x128xf32, #tpu.memory_space<hbm>> -> memref<10000x128xf32, #tpu.memory_space<hbm>>
        %dma_wait3A_166 = arith.constant 0 : i32
        %dma_wait3A_167 = arith.constant 0 : i32
        %dma_wait3A_168 = tpu.memref_slice %dma_wait3A_165[%dma_wait3A_166, %dma_wait3A_167] : memref<10000x128xf32, #tpu.memory_space<hbm>> -> memref<10000x128xf32, #tpu.memory_space<hbm>>
        tpu.wait_indirect_dma semaphore(%arg12 : memref<!tpu.dma_semaphore, #tpu.memory_space<semaphore_mem>>) src(%dma_wait3A_168 : memref<10000x128xf32, #tpu.memory_space<hbm>>) dst(%arg9 : memref<100x128xf32, #tpu.memory_space<vmem>>)
        %dma_start3A_169 = arith.constant 0 : i32
        %dma_start3A_170 = tpu.memref_slice %arg7[%add3A_139, %dma_start3A_169] : memref<25x100xi32, #tpu.memory_space<vmem>> -> memref<1x100xi32, #tpu.memory_space<vmem>>
        %dma_start3A_171 = tpu.memref_squeeze %dma_start3A_170 : memref<1x100xi32, #tpu.memory_space<vmem>> -> memref<100xi32, #tpu.memory_space<vmem>>
        %dma_start3A_172 = arith.constant 0 : i32
        %dma_start3A_173 = arith.constant 0 : i32
        %dma_start3A_174 = tpu.memref_slice %arg15[%dma_start3A_172, %dma_start3A_173] : memref<10240x128xf32, #tpu.memory_space<vmem_shared>> -> memref<10240x128xf32, #tpu.memory_space<vmem_shared>>
        tpu.enqueue_indirect_dma source(%arg9 : memref<100x128xf32, #tpu.memory_space<vmem>>) target(%dma_start3A_174 : memref<10240x128xf32, #tpu.memory_space<vmem_shared>>) offsets(%dma_start3A_171 : memref<100xi32, #tpu.memory_space<vmem>>) semaphore(%arg14 : memref<!tpu.dma_semaphore, #tpu.memory_space<semaphore_mem>>) {add = true}
        %mul3A_175 = arith.constant 2 : i32
        %mul3A_176 = arith.muli %scan3A_134, %mul3A_175 : i32
        %add3A_177 = arith.constant 1 : i32
        %add3A_178 = arith.addi %mul3A_176, %add3A_177 : i32
        %add3A_179 = arith.constant 1 : i32
        %add3A_180 = arith.addi %add3A_178, %add3A_179 : i32
        %sub3A_181 = arith.constant 1 : i32
        %sub3A_182 = arith.subi %add3A_180, %sub3A_181 : i32
        %dma_wait3A_183 = arith.constant 0 : i32
        %dma_wait3A_184 = tpu.memref_slice %arg7[%sub3A_182, %dma_wait3A_183] : memref<25x100xi32, #tpu.memory_space<vmem>> -> memref<1x100xi32, #tpu.memory_space<vmem>>
        %dma_wait3A_185 = tpu.memref_squeeze %dma_wait3A_184 : memref<1x100xi32, #tpu.memory_space<vmem>> -> memref<100xi32, #tpu.memory_space<vmem>>
        %dma_wait3A_186 = arith.constant 0 : i32
        %dma_wait3A_187 = arith.constant 0 : i32
        %dma_wait3A_188 = tpu.memref_slice %arg15[%dma_wait3A_186, %dma_wait3A_187] : memref<10240x128xf32, #tpu.memory_space<vmem_shared>> -> memref<10240x128xf32, #tpu.memory_space<vmem_shared>>
        tpu.wait_indirect_dma semaphore(%arg14 : memref<!tpu.dma_semaphore, #tpu.memory_space<semaphore_mem>>) src(%arg9 : memref<100x128xf32, #tpu.memory_space<vmem>>) dst(%dma_wait3A_188 : memref<10240x128xf32, #tpu.memory_space<vmem_shared>>)
        %add3A_189 = arith.constant 1 : i32
        %add3A_190 = arith.addi %add3A_180, %add3A_189 : i32
        %dma_start3A_191 = arith.constant 0 : i32
        %dma_start3A_192 = tpu.memref_slice %arg6[%add3A_190, %dma_start3A_191] : memref<25x100xi32, #tpu.memory_space<vmem>> -> memref<1x100xi32, #tpu.memory_space<vmem>>
        %dma_start3A_193 = tpu.memref_squeeze %dma_start3A_192 : memref<1x100xi32, #tpu.memory_space<vmem>> -> memref<100xi32, #tpu.memory_space<vmem>>
        %dma_start3A_194 = arith.constant 0 : i32
        %dma_start3A_195 = arith.constant 0 : i32
        %dma_start3A_196 = tpu.memref_slice %arg2[%arg0, %dma_start3A_194, %dma_start3A_195] : memref<2x10000x128xf32, #tpu.memory_space<hbm>> -> memref<1x10000x128xf32, #tpu.memory_space<hbm>>
        %dma_start3A_197 = tpu.memref_squeeze %dma_start3A_196 : memref<1x10000x128xf32, #tpu.memory_space<hbm>> -> memref<10000x128xf32, #tpu.memory_space<hbm>>
        %dma_start3A_198 = arith.constant 0 : i32
        %dma_start3A_199 = arith.constant 0 : i32
        %dma_start3A_200 = tpu.memref_slice %dma_start3A_197[%dma_start3A_198, %dma_start3A_199] : memref<10000x128xf32, #tpu.memory_space<hbm>> -> memref<10000x128xf32, #tpu.memory_space<hbm>>
        tpu.enqueue_indirect_dma source(%dma_start3A_200 : memref<10000x128xf32, #tpu.memory_space<hbm>>) target(%arg9 : memref<100x128xf32, #tpu.memory_space<vmem>>) offsets(%dma_start3A_193 : memref<100xi32, #tpu.memory_space<vmem>>) semaphore(%arg12 : memref<!tpu.dma_semaphore, #tpu.memory_space<semaphore_mem>>)
        %dma_wait3A_201 = arith.constant 0 : i32
        %dma_wait3A_202 = tpu.memref_slice %arg6[%add3A_180, %dma_wait3A_201] : memref<25x100xi32, #tpu.memory_space<vmem>> -> memref<1x100xi32, #tpu.memory_space<vmem>>
        %dma_wait3A_203 = tpu.memref_squeeze %dma_wait3A_202 : memref<1x100xi32, #tpu.memory_space<vmem>> -> memref<100xi32, #tpu.memory_space<vmem>>
        %dma_wait3A_204 = arith.constant 0 : i32
        %dma_wait3A_205 = arith.constant 0 : i32
        %dma_wait3A_206 = tpu.memref_slice %arg2[%arg0, %dma_wait3A_204, %dma_wait3A_205] : memref<2x10000x128xf32, #tpu.memory_space<hbm>> -> memref<1x10000x128xf32, #tpu.memory_space<hbm>>
        %dma_wait3A_207 = tpu.memref_squeeze %dma_wait3A_206 : memref<1x10000x128xf32, #tpu.memory_space<hbm>> -> memref<10000x128xf32, #tpu.memory_space<hbm>>
        %dma_wait3A_208 = arith.constant 0 : i32
        %dma_wait3A_209 = arith.constant 0 : i32
        %dma_wait3A_210 = tpu.memref_slice %dma_wait3A_207[%dma_wait3A_208, %dma_wait3A_209] : memref<10000x128xf32, #tpu.memory_space<hbm>> -> memref<10000x128xf32, #tpu.memory_space<hbm>>
        tpu.wait_indirect_dma semaphore(%arg11 : memref<!tpu.dma_semaphore, #tpu.memory_space<semaphore_mem>>) src(%dma_wait3A_210 : memref<10000x128xf32, #tpu.memory_space<hbm>>) dst(%arg8 : memref<100x128xf32, #tpu.memory_space<vmem>>)
        %dma_start3A_211 = arith.constant 0 : i32
        %dma_start3A_212 = tpu.memref_slice %arg7[%add3A_180, %dma_start3A_211] : memref<25x100xi32, #tpu.memory_space<vmem>> -> memref<1x100xi32, #tpu.memory_space<vmem>>
        %dma_start3A_213 = tpu.memref_squeeze %dma_start3A_212 : memref<1x100xi32, #tpu.memory_space<vmem>> -> memref<100xi32, #tpu.memory_space<vmem>>
        %dma_start3A_214 = arith.constant 0 : i32
        %dma_start3A_215 = arith.constant 0 : i32
        %dma_start3A_216 = tpu.memref_slice %arg15[%dma_start3A_214, %dma_start3A_215] : memref<10240x128xf32, #tpu.memory_space<vmem_shared>> -> memref<10240x128xf32, #tpu.memory_space<vmem_shared>>
        tpu.enqueue_indirect_dma source(%arg8 : memref<100x128xf32, #tpu.memory_space<vmem>>) target(%dma_start3A_216 : memref<10240x128xf32, #tpu.memory_space<vmem_shared>>) offsets(%dma_start3A_213 : memref<100xi32, #tpu.memory_space<vmem>>) semaphore(%arg13 : memref<!tpu.dma_semaphore, #tpu.memory_space<semaphore_mem>>) {add = true}
      }
      %scan3A_65 = arith.constant 11 : i32
      %dma_wait3A_66 = arith.constant 22 : i32
      %dma_wait3A_67 = arith.constant 0 : i32
      %dma_wait3A_68 = tpu.memref_slice %arg7[%dma_wait3A_66, %dma_wait3A_67] : memref<25x100xi32, #tpu.memory_space<vmem>> -> memref<1x100xi32, #tpu.memory_space<vmem>>
      %dma_wait3A_69 = tpu.memref_squeeze %dma_wait3A_68 : memref<1x100xi32, #tpu.memory_space<vmem>> -> memref<100xi32, #tpu.memory_space<vmem>>
      %dma_wait3A_70 = arith.constant 0 : i32
      %dma_wait3A_71 = arith.constant 0 : i32
      %dma_wait3A_72 = tpu.memref_slice %arg15[%dma_wait3A_70, %dma_wait3A_71] : memref<10240x128xf32, #tpu.memory_space<vmem_shared>> -> memref<10240x128xf32, #tpu.memory_space<vmem_shared>>
      tpu.wait_indirect_dma semaphore(%arg13 : memref<!tpu.dma_semaphore, #tpu.memory_space<semaphore_mem>>) src(%arg8 : memref<100x128xf32, #tpu.memory_space<vmem>>) dst(%dma_wait3A_72 : memref<10240x128xf32, #tpu.memory_space<vmem_shared>>)
      %dma_start3A_73 = arith.constant 24 : i32
      %dma_start3A_74 = arith.constant 0 : i32
      %dma_start3A_75 = tpu.memref_slice %arg6[%dma_start3A_73, %dma_start3A_74] : memref<25x100xi32, #tpu.memory_space<vmem>> -> memref<1x100xi32, #tpu.memory_space<vmem>>
      %dma_start3A_76 = tpu.memref_squeeze %dma_start3A_75 : memref<1x100xi32, #tpu.memory_space<vmem>> -> memref<100xi32, #tpu.memory_space<vmem>>
      %dma_start3A_77 = arith.constant 0 : i32
      %dma_start3A_78 = arith.constant 0 : i32
      %dma_start3A_79 = tpu.memref_slice %arg2[%arg0, %dma_start3A_77, %dma_start3A_78] : memref<2x10000x128xf32, #tpu.memory_space<hbm>> -> memref<1x10000x128xf32, #tpu.memory_space<hbm>>
      %dma_start3A_80 = tpu.memref_squeeze %dma_start3A_79 : memref<1x10000x128xf32, #tpu.memory_space<hbm>> -> memref<10000x128xf32, #tpu.memory_space<hbm>>
      %dma_start3A_81 = arith.constant 0 : i32
      %dma_start3A_82 = arith.constant 0 : i32
      %dma_start3A_83 = tpu.memref_slice %dma_start3A_80[%dma_start3A_81, %dma_start3A_82] : memref<10000x128xf32, #tpu.memory_space<hbm>> -> memref<10000x128xf32, #tpu.memory_space<hbm>>
      tpu.enqueue_indirect_dma source(%dma_start3A_83 : memref<10000x128xf32, #tpu.memory_space<hbm>>) target(%arg8 : memref<100x128xf32, #tpu.memory_space<vmem>>) offsets(%dma_start3A_76 : memref<100xi32, #tpu.memory_space<vmem>>) semaphore(%arg11 : memref<!tpu.dma_semaphore, #tpu.memory_space<semaphore_mem>>)
      %dma_wait3A_84 = arith.constant 23 : i32
      %dma_wait3A_85 = arith.constant 0 : i32
      %dma_wait3A_86 = tpu.memref_slice %arg6[%dma_wait3A_84, %dma_wait3A_85] : memref<25x100xi32, #tpu.memory_space<vmem>> -> memref<1x100xi32, #tpu.memory_space<vmem>>
      %dma_wait3A_87 = tpu.memref_squeeze %dma_wait3A_86 : memref<1x100xi32, #tpu.memory_space<vmem>> -> memref<100xi32, #tpu.memory_space<vmem>>
      %dma_wait3A_88 = arith.constant 0 : i32
      %dma_wait3A_89 = arith.constant 0 : i32
      %dma_wait3A_90 = tpu.memref_slice %arg2[%arg0, %dma_wait3A_88, %dma_wait3A_89] : memref<2x10000x128xf32, #tpu.memory_space<hbm>> -> memref<1x10000x128xf32, #tpu.memory_space<hbm>>
      %dma_wait3A_91 = tpu.memref_squeeze %dma_wait3A_90 : memref<1x10000x128xf32, #tpu.memory_space<hbm>> -> memref<10000x128xf32, #tpu.memory_space<hbm>>
      %dma_wait3A_92 = arith.constant 0 : i32
      %dma_wait3A_93 = arith.constant 0 : i32
      %dma_wait3A_94 = tpu.memref_slice %dma_wait3A_91[%dma_wait3A_92, %dma_wait3A_93] : memref<10000x128xf32, #tpu.memory_space<hbm>> -> memref<10000x128xf32, #tpu.memory_space<hbm>>
      tpu.wait_indirect_dma semaphore(%arg12 : memref<!tpu.dma_semaphore, #tpu.memory_space<semaphore_mem>>) src(%dma_wait3A_94 : memref<10000x128xf32, #tpu.memory_space<hbm>>) dst(%arg9 : memref<100x128xf32, #tpu.memory_space<vmem>>)
      %dma_start3A_95 = arith.constant 23 : i32
      %dma_start3A_96 = arith.constant 0 : i32
      %dma_start3A_97 = tpu.memref_slice %arg7[%dma_start3A_95, %dma_start3A_96] : memref<25x100xi32, #tpu.memory_space<vmem>> -> memref<1x100xi32, #tpu.memory_space<vmem>>
      %dma_start3A_98 = tpu.memref_squeeze %dma_start3A_97 : memref<1x100xi32, #tpu.memory_space<vmem>> -> memref<100xi32, #tpu.memory_space<vmem>>
      %dma_start3A_99 = arith.constant 0 : i32
      %dma_start3A_100 = arith.constant 0 : i32
      %dma_start3A_101 = tpu.memref_slice %arg15[%dma_start3A_99, %dma_start3A_100] : memref<10240x128xf32, #tpu.memory_space<vmem_shared>> -> memref<10240x128xf32, #tpu.memory_space<vmem_shared>>
      tpu.enqueue_indirect_dma source(%arg9 : memref<100x128xf32, #tpu.memory_space<vmem>>) target(%dma_start3A_101 : memref<10240x128xf32, #tpu.memory_space<vmem_shared>>) offsets(%dma_start3A_98 : memref<100xi32, #tpu.memory_space<vmem>>) semaphore(%arg14 : memref<!tpu.dma_semaphore, #tpu.memory_space<semaphore_mem>>) {add = true}
      %dma_wait3A_102 = arith.constant 24 : i32
      %dma_wait3A_103 = arith.constant 0 : i32
      %dma_wait3A_104 = tpu.memref_slice %arg6[%dma_wait3A_102, %dma_wait3A_103] : memref<25x100xi32, #tpu.memory_space<vmem>> -> memref<1x100xi32, #tpu.memory_space<vmem>>
      %dma_wait3A_105 = tpu.memref_squeeze %dma_wait3A_104 : memref<1x100xi32, #tpu.memory_space<vmem>> -> memref<100xi32, #tpu.memory_space<vmem>>
      %dma_wait3A_106 = arith.constant 0 : i32
      %dma_wait3A_107 = arith.constant 0 : i32
      %dma_wait3A_108 = tpu.memref_slice %arg2[%arg0, %dma_wait3A_106, %dma_wait3A_107] : memref<2x10000x128xf32, #tpu.memory_space<hbm>> -> memref<1x10000x128xf32, #tpu.memory_space<hbm>>
      %dma_wait3A_109 = tpu.memref_squeeze %dma_wait3A_108 : memref<1x10000x128xf32, #tpu.memory_space<hbm>> -> memref<10000x128xf32, #tpu.memory_space<hbm>>
      %dma_wait3A_110 = arith.constant 0 : i32
      %dma_wait3A_111 = arith.constant 0 : i32
      %dma_wait3A_112 = tpu.memref_slice %dma_wait3A_109[%dma_wait3A_110, %dma_wait3A_111] : memref<10000x128xf32, #tpu.memory_space<hbm>> -> memref<10000x128xf32, #tpu.memory_space<hbm>>
      tpu.wait_indirect_dma semaphore(%arg11 : memref<!tpu.dma_semaphore, #tpu.memory_space<semaphore_mem>>) src(%dma_wait3A_112 : memref<10000x128xf32, #tpu.memory_space<hbm>>) dst(%arg8 : memref<100x128xf32, #tpu.memory_space<vmem>>)
      %dma_start3A_113 = arith.constant 24 : i32
      %dma_start3A_114 = arith.constant 0 : i32
      %dma_start3A_115 = tpu.memref_slice %arg7[%dma_start3A_113, %dma_start3A_114] : memref<25x100xi32, #tpu.memory_space<vmem>> -> memref<1x100xi32, #tpu.memory_space<vmem>>
      %dma_start3A_116 = tpu.memref_squeeze %dma_start3A_115 : memref<1x100xi32, #tpu.memory_space<vmem>> -> memref<100xi32, #tpu.memory_space<vmem>>
      %dma_start3A_117 = arith.constant 0 : i32
      %dma_start3A_118 = arith.constant 0 : i32
      %dma_start3A_119 = tpu.memref_slice %arg15[%dma_start3A_117, %dma_start3A_118] : memref<10240x128xf32, #tpu.memory_space<vmem_shared>> -> memref<10240x128xf32, #tpu.memory_space<vmem_shared>>
      tpu.enqueue_indirect_dma source(%arg8 : memref<100x128xf32, #tpu.memory_space<vmem>>) target(%dma_start3A_119 : memref<10240x128xf32, #tpu.memory_space<vmem_shared>>) offsets(%dma_start3A_116 : memref<100xi32, #tpu.memory_space<vmem>>) semaphore(%arg13 : memref<!tpu.dma_semaphore, #tpu.memory_space<semaphore_mem>>) {add = true}
      %dma_wait3A_120 = arith.constant 23 : i32
      %dma_wait3A_121 = arith.constant 0 : i32
      %dma_wait3A_122 = tpu.memref_slice %arg7[%dma_wait3A_120, %dma_wait3A_121] : memref<25x100xi32, #tpu.memory_space<vmem>> -> memref<1x100xi32, #tpu.memory_space<vmem>>
      %dma_wait3A_123 = tpu.memref_squeeze %dma_wait3A_122 : memref<1x100xi32, #tpu.memory_space<vmem>> -> memref<100xi32, #tpu.memory_space<vmem>>
      %dma_wait3A_124 = arith.constant 0 : i32
      %dma_wait3A_125 = arith.constant 0 : i32
      %dma_wait3A_126 = tpu.memref_slice %arg15[%dma_wait3A_124, %dma_wait3A_125] : memref<10240x128xf32, #tpu.memory_space<vmem_shared>> -> memref<10240x128xf32, #tpu.memory_space<vmem_shared>>
      tpu.wait_indirect_dma semaphore(%arg14 : memref<!tpu.dma_semaphore, #tpu.memory_space<semaphore_mem>>) src(%arg9 : memref<100x128xf32, #tpu.memory_space<vmem>>) dst(%dma_wait3A_126 : memref<10240x128xf32, #tpu.memory_space<vmem_shared>>)
      %dma_wait3A_127 = arith.constant 24 : i32
      %dma_wait3A_128 = arith.constant 0 : i32
      %dma_wait3A_129 = tpu.memref_slice %arg7[%dma_wait3A_127, %dma_wait3A_128] : memref<25x100xi32, #tpu.memory_space<vmem>> -> memref<1x100xi32, #tpu.memory_space<vmem>>
      %dma_wait3A_130 = tpu.memref_squeeze %dma_wait3A_129 : memref<1x100xi32, #tpu.memory_space<vmem>> -> memref<100xi32, #tpu.memory_space<vmem>>
      %dma_wait3A_131 = arith.constant 0 : i32
      %dma_wait3A_132 = arith.constant 0 : i32
      %dma_wait3A_133 = tpu.memref_slice %arg15[%dma_wait3A_131, %dma_wait3A_132] : memref<10240x128xf32, #tpu.memory_space<vmem_shared>> -> memref<10240x128xf32, #tpu.memory_space<vmem_shared>>
      tpu.wait_indirect_dma semaphore(%arg13 : memref<!tpu.dma_semaphore, #tpu.memory_space<semaphore_mem>>) src(%arg8 : memref<100x128xf32, #tpu.memory_space<vmem>>) dst(%dma_wait3A_133 : memref<10240x128xf32, #tpu.memory_space<vmem_shared>>)
    }
    %scan3A_16 = arith.constant 4 : i32
    %barrier3A_17 = arith.constant 0 : index
    tpu.barrier barrier_id(%barrier3A_17)
    %mul3A = arith.constant 640 : i32
    %mul3A_18 = arith.muli %arg1, %mul3A : i32
    %mul3A_19 = arith.constant 640 : i32
    %mul3A_20 = arith.muli %arg1, %mul3A_19 : i32
    "tpu.region"() ({
      %run_scoped3A = tpu.sem_alloc : memref<!tpu.dma_semaphore, #tpu.memory_space<semaphore_mem>>
      %dma_start3A = arith.constant 0 : i32
      %dma_start3A_21 = arith.constant 0 : i32
      %dma_start3A_22 = tpu.memref_slice %arg5[%arg0, %dma_start3A, %dma_start3A_21] : memref<2x10240x128xf32, #tpu.memory_space<hbm>> -> memref<1x10240x128xf32, #tpu.memory_space<hbm>>
      %dma_start3A_23 = tpu.memref_squeeze %dma_start3A_22 : memref<1x10240x128xf32, #tpu.memory_space<hbm>> -> memref<10240x128xf32, #tpu.memory_space<hbm>>
      %dma_start3A_24 = arith.constant 0 : i32
      %dma_start3A_25 = tpu.memref_slice %dma_start3A_23[%mul3A_20, %dma_start3A_24] : memref<10240x128xf32, #tpu.memory_space<hbm>> -> memref<640x128xf32, #tpu.memory_space<hbm>>
      %dma_start3A_26 = arith.constant 0 : i32
      %dma_start3A_27 = tpu.memref_slice %arg15[%mul3A_18, %dma_start3A_26] : memref<10240x128xf32, #tpu.memory_space<vmem_shared>> -> memref<640x128xf32, #tpu.memory_space<vmem_shared>>
      tpu.enqueue_dma source(%dma_start3A_27 : memref<640x128xf32, #tpu.memory_space<vmem_shared>>) target(%dma_start3A_25 : memref<640x128xf32, #tpu.memory_space<hbm>>) target_semaphore(%run_scoped3A : memref<!tpu.dma_semaphore, #tpu.memory_space<semaphore_mem>>)
      %dma_wait3A = arith.constant 0 : i32
      %dma_wait3A_28 = arith.constant 0 : i32
      %dma_wait3A_29 = tpu.memref_slice %arg5[%arg0, %dma_wait3A, %dma_wait3A_28] : memref<2x10240x128xf32, #tpu.memory_space<hbm>> -> memref<1x10240x128xf32, #tpu.memory_space<hbm>>
      %dma_wait3A_30 = tpu.memref_squeeze %dma_wait3A_29 : memref<1x10240x128xf32, #tpu.memory_space<hbm>> -> memref<10240x128xf32, #tpu.memory_space<hbm>>
      %dma_wait3A_31 = arith.constant 0 : i32
      %dma_wait3A_32 = tpu.memref_slice %dma_wait3A_30[%mul3A_20, %dma_wait3A_31] : memref<10240x128xf32, #tpu.memory_space<hbm>> -> memref<640x128xf32, #tpu.memory_space<hbm>>
      %dma_wait3A_33 = arith.constant 0 : i32
      %dma_wait3A_34 = tpu.memref_slice %arg15[%mul3A_18, %dma_wait3A_33] : memref<10240x128xf32, #tpu.memory_space<vmem_shared>> -> memref<640x128xf32, #tpu.memory_space<vmem_shared>>
      tpu.wait_dma2 semaphore(%run_scoped3A : memref<!tpu.dma_semaphore, #tpu.memory_space<semaphore_mem>>) src(%dma_wait3A_34 : memref<640x128xf32, #tpu.memory_space<vmem_shared>>) dst(%dma_wait3A_32 : memref<640x128xf32, #tpu.memory_space<hbm>>)
      tpu.yield
    }) : () -> ()
    return
  }
}

module attributes {stable_mosaic.version = 14 : i64} {
  func.func @_tc_a_body(%arg0: i32, %arg1: memref<2x2000x1xf32, #tpu.memory_space<vmem>>, %arg2: memref<2000x256xf32, #tpu.memory_space<vmem>>, %arg3: memref<256x256xf32, #tpu.memory_space<vmem>>, %arg4: memref<2x2000x128xf32, #tpu.memory_space<vmem>>, %arg5: memref<2000x1xf32, #tpu.memory_space<vmem>>) attributes {dimension_semantics = [#tpu.dimension_semantics<arbitrary>], iteration_bounds = array<i64: 5>, scalar_prefetch = 0 : i64, scratch_operands = 0 : i64, tpu.core_type = #tpu.core_type<tc>, window_params = [{transform_indices = @transform_0, window_bounds = array<i64: 2, 2000, 1>}, {transform_indices = @transform_1, window_bounds = array<i64: 2000, 256>}, {pipeline_mode = #tpu.pipeline_mode<synchronous>, transform_indices = @transform_2, window_bounds = array<i64: 256, 256>}, {transform_indices = @transform_3, window_bounds = array<i64: 2, 2000, 128>}, {transform_indices = @transform_4, window_bounds = array<i64: 2000, 1>}]} {
    %get3A = arith.constant 0 : index
    %get3A_0 = arith.constant 0 : index
    %get3A_1 = arith.constant 0 : index
    %get3A_2 = vector.load %arg1[%get3A, %get3A_0, %get3A_1] : memref<2x2000x1xf32, #tpu.memory_space<vmem>>, vector<1x2000x1xf32>
    %get3A_3 = vector.shape_cast %get3A_2 : vector<1x2000x1xf32> to vector<2000x1xf32>
    %get3A_4 = arith.constant 1 : index
    %get3A_5 = arith.constant 0 : index
    %get3A_6 = arith.constant 0 : index
    %get3A_7 = vector.load %arg1[%get3A_4, %get3A_5, %get3A_6] : memref<2x2000x1xf32, #tpu.memory_space<vmem>>, vector<1x2000x1xf32>
    %get3A_8 = vector.shape_cast %get3A_7 : vector<1x2000x1xf32> to vector<2000x1xf32>
    %add3A = arith.addf %get3A_3, %get3A_8 : vector<2000x1xf32>
    %add3A_9 = arith.constant 1.000000e+00 : f32
    %add3A_10 = vector.broadcast %add3A_9 : f32 to vector<2000x1xf32>
    %add3A_11 = arith.addf %add3A, %add3A_10 : vector<2000x1xf32>
    %rsqrt3A = math.rsqrt %add3A_11 : vector<2000x1xf32>
    %get3A_12 = arith.constant 0 : index
    %get3A_13 = arith.constant 0 : index
    %get3A_14 = vector.load %arg2[%get3A_12, %get3A_13] : memref<2000x256xf32, #tpu.memory_space<vmem>>, vector<2000x256xf32>
    %get3A_15 = arith.constant 0 : index
    %get3A_16 = arith.constant 0 : index
    %get3A_17 = vector.load %arg3[%get3A_15, %get3A_16] : memref<256x256xf32, #tpu.memory_space<vmem>>, vector<256x256xf32>
    %dot_general3A = arith.constant dense<0.000000e+00> : vector<2000x256xf32>
    %dot_general3A_18 = tpu.matmul %get3A_14, %get3A_17, %dot_general3A {dimension_numbers = #tpu.dot_dimension_numbers<[1], [0], [0], [1], [0, 0, 1, 1], [], []>, transpose_lhs_hint = false} : vector<2000x256xf32>, vector<256x256xf32>, vector<2000x256xf32> -> vector<2000x256xf32>
    %slice3A = vector.extract_strided_slice %dot_general3A_18 {offsets = [0, 0], sizes = [2000, 128], strides = [1, 1]} : vector<2000x256xf32> to vector<2000x128xf32>
    %mul3A = vector.broadcast %rsqrt3A : vector<2000x1xf32> to vector<2000x128xf32>
    %mul3A_19 = arith.mulf %slice3A, %mul3A : vector<2000x128xf32>
    %swap3A = arith.constant 0 : index
    %swap3A_20 = arith.constant 0 : index
    %swap3A_21 = arith.constant 0 : index
    %swap3A_22 = vector.load %arg4[%swap3A, %swap3A_20, %swap3A_21] : memref<2x2000x128xf32, #tpu.memory_space<vmem>>, vector<1x2000x128xf32>
    %swap3A_23 = vector.shape_cast %swap3A_22 : vector<1x2000x128xf32> to vector<2000x128xf32>
    %swap3A_24 = vector.shape_cast %mul3A_19 : vector<2000x128xf32> to vector<1x2000x128xf32>
    tpu.vector_store %arg4[%swap3A, %swap3A_20, %swap3A_21], %swap3A_24 {strides = array<i32>} : memref<2x2000x128xf32, #tpu.memory_space<vmem>>, vector<1x2000x128xf32>,
    %slice3A_25 = vector.extract_strided_slice %dot_general3A_18 {offsets = [0, 128], sizes = [2000, 128], strides = [1, 1]} : vector<2000x256xf32> to vector<2000x128xf32>
    %mul3A_26 = vector.broadcast %rsqrt3A : vector<2000x1xf32> to vector<2000x128xf32>
    %mul3A_27 = arith.mulf %slice3A_25, %mul3A_26 : vector<2000x128xf32>
    %swap3A_28 = arith.constant 1 : index
    %swap3A_29 = arith.constant 0 : index
    %swap3A_30 = arith.constant 0 : index
    %swap3A_31 = vector.load %arg4[%swap3A_28, %swap3A_29, %swap3A_30] : memref<2x2000x128xf32, #tpu.memory_space<vmem>>, vector<1x2000x128xf32>
    %swap3A_32 = vector.shape_cast %swap3A_31 : vector<1x2000x128xf32> to vector<2000x128xf32>
    %swap3A_33 = vector.shape_cast %mul3A_27 : vector<2000x128xf32> to vector<1x2000x128xf32>
    tpu.vector_store %arg4[%swap3A_28, %swap3A_29, %swap3A_30], %swap3A_33 {strides = array<i32>} : memref<2x2000x128xf32, #tpu.memory_space<vmem>>, vector<1x2000x128xf32>,
    %swap3A_34 = arith.constant 0 : index
    %swap3A_35 = arith.constant 0 : index
    %swap3A_36 = vector.load %arg5[%swap3A_34, %swap3A_35] : memref<2000x1xf32, #tpu.memory_space<vmem>>, vector<2000x1xf32>
    tpu.vector_store %arg5[%swap3A_34, %swap3A_35], %rsqrt3A {strides = array<i32>} : memref<2000x1xf32, #tpu.memory_space<vmem>>, vector<2000x1xf32>,
    return
  }
  func.func @transform_0(%arg0: i32) -> (i32, i32, i32) {
    %c0_i32 = arith.constant 0 : i32
    %c0_i32_0 = arith.constant 0 : i32
    %c0_i32_1 = arith.constant 0 : i32
    return %c0_i32, %arg0, %c0_i32_0 : i32, i32, i32
  }
  func.func @transform_1(%arg0: i32) -> (i32, i32) {
    %c0_i32 = arith.constant 0 : i32
    %c0_i32_0 = arith.constant 0 : i32
    return %arg0, %c0_i32 : i32, i32
  }
  func.func @transform_2(%arg0: i32) -> (i32, i32) {
    %c0_i32 = arith.constant 0 : i32
    %c0_i32_0 = arith.constant 0 : i32
    %c0_i32_1 = arith.constant 0 : i32
    return %c0_i32, %c0_i32_0 : i32, i32
  }
  func.func @transform_3(%arg0: i32) -> (i32, i32, i32) {
    %c0_i32 = arith.constant 0 : i32
    %c0_i32_0 = arith.constant 0 : i32
    %c0_i32_1 = arith.constant 0 : i32
    return %c0_i32, %arg0, %c0_i32_0 : i32, i32, i32
  }
  func.func @transform_4(%arg0: i32) -> (i32, i32) {
    %c0_i32 = arith.constant 0 : i32
    %c0_i32_0 = arith.constant 0 : i32
    return %arg0, %c0_i32 : i32, i32
  }
}

module attributes {stable_mosaic.version = 14 : i64} {
  func.func @_tc_b_body(%arg0: i32, %arg1: memref<2x2000x128xf32, #tpu.memory_space<vmem>>, %arg2: memref<2x2000x128xf32, #tpu.memory_space<vmem>>, %arg3: memref<2000x1xf32, #tpu.memory_space<vmem>>, %arg4: memref<1x256xf32, #tpu.memory_space<vmem>>, %arg5: memref<256x256xf32, #tpu.memory_space<vmem>>, %arg6: memref<2x2000x128xf32, #tpu.memory_space<vmem>>) attributes {dimension_semantics = [#tpu.dimension_semantics<arbitrary>], iteration_bounds = array<i64: 5>, scalar_prefetch = 0 : i64, scratch_operands = 0 : i64, tpu.core_type = #tpu.core_type<tc>, window_params = [{transform_indices = @transform_0, window_bounds = array<i64: 2, 2000, 128>}, {transform_indices = @transform_1, window_bounds = array<i64: 2, 2000, 128>}, {transform_indices = @transform_2, window_bounds = array<i64: 2000, 1>}, {pipeline_mode = #tpu.pipeline_mode<synchronous>, transform_indices = @transform_3, window_bounds = array<i64: 1, 256>}, {pipeline_mode = #tpu.pipeline_mode<synchronous>, transform_indices = @transform_4, window_bounds = array<i64: 256, 256>}, {transform_indices = @transform_5, window_bounds = array<i64: 2, 2000, 128>}]} {
    %get3A = arith.constant 0 : index
    %get3A_0 = arith.constant 0 : index
    %get3A_1 = vector.load %arg3[%get3A, %get3A_0] : memref<2000x1xf32, #tpu.memory_space<vmem>>, vector<2000x1xf32>
    %get3A_2 = arith.constant 0 : index
    %get3A_3 = arith.constant 0 : index
    %get3A_4 = arith.constant 0 : index
    %get3A_5 = vector.load %arg1[%get3A_2, %get3A_3, %get3A_4] : memref<2x2000x128xf32, #tpu.memory_space<vmem>>, vector<1x2000x128xf32>
    %get3A_6 = vector.shape_cast %get3A_5 : vector<1x2000x128xf32> to vector<2000x128xf32>
    %get3A_7 = arith.constant 0 : index
    %get3A_8 = arith.constant 0 : index
    %get3A_9 = arith.constant 0 : index
    %get3A_10 = vector.load %arg2[%get3A_7, %get3A_8, %get3A_9] : memref<2x2000x128xf32, #tpu.memory_space<vmem>>, vector<1x2000x128xf32>
    %get3A_11 = vector.shape_cast %get3A_10 : vector<1x2000x128xf32> to vector<2000x128xf32>
    %add3A = arith.addf %get3A_6, %get3A_11 : vector<2000x128xf32>
    %get3A_12 = arith.constant 1 : index
    %get3A_13 = arith.constant 0 : index
    %get3A_14 = arith.constant 0 : index
    %get3A_15 = vector.load %arg1[%get3A_12, %get3A_13, %get3A_14] : memref<2x2000x128xf32, #tpu.memory_space<vmem>>, vector<1x2000x128xf32>
    %get3A_16 = vector.shape_cast %get3A_15 : vector<1x2000x128xf32> to vector<2000x128xf32>
    %get3A_17 = arith.constant 1 : index
    %get3A_18 = arith.constant 0 : index
    %get3A_19 = arith.constant 0 : index
    %get3A_20 = vector.load %arg2[%get3A_17, %get3A_18, %get3A_19] : memref<2x2000x128xf32, #tpu.memory_space<vmem>>, vector<1x2000x128xf32>
    %get3A_21 = vector.shape_cast %get3A_20 : vector<1x2000x128xf32> to vector<2000x128xf32>
    %add3A_22 = arith.addf %get3A_16, %get3A_21 : vector<2000x128xf32>
    %concatenate3A = tpu.concatenate %add3A, %add3A_22 in 1 : vector<2000x128xf32>, vector<2000x128xf32> -> vector<2000x256xf32>
    %mul3A = vector.broadcast %get3A_1 : vector<2000x1xf32> to vector<2000x256xf32>
    %mul3A_23 = arith.mulf %concatenate3A, %mul3A : vector<2000x256xf32>
    %get3A_24 = arith.constant 0 : index
    %get3A_25 = arith.constant 0 : index
    %get3A_26 = vector.load %arg4[%get3A_24, %get3A_25] : memref<1x256xf32, #tpu.memory_space<vmem>>, vector<1x256xf32>
    %add3A_27 = vector.broadcast %get3A_26 : vector<1x256xf32> to vector<2000x256xf32>
    %add3A_28 = arith.addf %mul3A_23, %add3A_27 : vector<2000x256xf32>
    %max3A = arith.constant 0.000000e+00 : f32
    %max3A_29 = vector.broadcast %max3A : f32 to vector<2000x256xf32>
    %max3A_30 = arith.maximumf %add3A_28, %max3A_29 : vector<2000x256xf32>
    %get3A_31 = arith.constant 0 : index
    %get3A_32 = arith.constant 0 : index
    %get3A_33 = vector.load %arg5[%get3A_31, %get3A_32] : memref<256x256xf32, #tpu.memory_space<vmem>>, vector<256x256xf32>
    %dot_general3A = arith.constant dense<0.000000e+00> : vector<2000x256xf32>
    %dot_general3A_34 = tpu.matmul %max3A_30, %get3A_33, %dot_general3A {dimension_numbers = #tpu.dot_dimension_numbers<[1], [0], [0], [1], [0, 0, 1, 1], [], []>, transpose_lhs_hint = false} : vector<2000x256xf32>, vector<256x256xf32>, vector<2000x256xf32> -> vector<2000x256xf32>
    %slice3A = vector.extract_strided_slice %dot_general3A_34 {offsets = [0, 0], sizes = [2000, 128], strides = [1, 1]} : vector<2000x256xf32> to vector<2000x128xf32>
    %mul3A_35 = vector.broadcast %get3A_1 : vector<2000x1xf32> to vector<2000x128xf32>
    %mul3A_36 = arith.mulf %slice3A, %mul3A_35 : vector<2000x128xf32>
    %swap3A = arith.constant 0 : index
    %swap3A_37 = arith.constant 0 : index
    %swap3A_38 = arith.constant 0 : index
    %swap3A_39 = vector.load %arg6[%swap3A, %swap3A_37, %swap3A_38] : memref<2x2000x128xf32, #tpu.memory_space<vmem>>, vector<1x2000x128xf32>
    %swap3A_40 = vector.shape_cast %swap3A_39 : vector<1x2000x128xf32> to vector<2000x128xf32>
    %swap3A_41 = vector.shape_cast %mul3A_36 : vector<2000x128xf32> to vector<1x2000x128xf32>
    tpu.vector_store %arg6[%swap3A, %swap3A_37, %swap3A_38], %swap3A_41 {strides = array<i32>} : memref<2x2000x128xf32, #tpu.memory_space<vmem>>, vector<1x2000x128xf32>,
    %slice3A_42 = vector.extract_strided_slice %dot_general3A_34 {offsets = [0, 128], sizes = [2000, 128], strides = [1, 1]} : vector<2000x256xf32> to vector<2000x128xf32>
    %mul3A_43 = vector.broadcast %get3A_1 : vector<2000x1xf32> to vector<2000x128xf32>
    %mul3A_44 = arith.mulf %slice3A_42, %mul3A_43 : vector<2000x128xf32>
    %swap3A_45 = arith.constant 1 : index
    %swap3A_46 = arith.constant 0 : index
    %swap3A_47 = arith.constant 0 : index
    %swap3A_48 = vector.load %arg6[%swap3A_45, %swap3A_46, %swap3A_47] : memref<2x2000x128xf32, #tpu.memory_space<vmem>>, vector<1x2000x128xf32>
    %swap3A_49 = vector.shape_cast %swap3A_48 : vector<1x2000x128xf32> to vector<2000x128xf32>
    %swap3A_50 = vector.shape_cast %mul3A_44 : vector<2000x128xf32> to vector<1x2000x128xf32>
    tpu.vector_store %arg6[%swap3A_45, %swap3A_46, %swap3A_47], %swap3A_50 {strides = array<i32>} : memref<2x2000x128xf32, #tpu.memory_space<vmem>>, vector<1x2000x128xf32>,
    return
  }
  func.func @transform_0(%arg0: i32) -> (i32, i32, i32) {
    %c0_i32 = arith.constant 0 : i32
    %c0_i32_0 = arith.constant 0 : i32
    %c0_i32_1 = arith.constant 0 : i32
    return %c0_i32, %arg0, %c0_i32_0 : i32, i32, i32
  }
  func.func @transform_1(%arg0: i32) -> (i32, i32, i32) {
    %c0_i32 = arith.constant 0 : i32
    %c0_i32_0 = arith.constant 0 : i32
    %c0_i32_1 = arith.constant 0 : i32
    return %c0_i32, %arg0, %c0_i32_0 : i32, i32, i32
  }
  func.func @transform_2(%arg0: i32) -> (i32, i32) {
    %c0_i32 = arith.constant 0 : i32
    %c0_i32_0 = arith.constant 0 : i32
    return %arg0, %c0_i32 : i32, i32
  }
  func.func @transform_3(%arg0: i32) -> (i32, i32) {
    %c0_i32 = arith.constant 0 : i32
    %c0_i32_0 = arith.constant 0 : i32
    %c0_i32_1 = arith.constant 0 : i32
    return %c0_i32, %c0_i32_0 : i32, i32
  }
  func.func @transform_4(%arg0: i32) -> (i32, i32) {
    %c0_i32 = arith.constant 0 : i32
    %c0_i32_0 = arith.constant 0 : i32
    %c0_i32_1 = arith.constant 0 : i32
    return %c0_i32, %c0_i32_0 : i32, i32
  }
  func.func @transform_5(%arg0: i32) -> (i32, i32, i32) {
    %c0_i32 = arith.constant 0 : i32
    %c0_i32_0 = arith.constant 0 : i32
    %c0_i32_1 = arith.constant 0 : i32
    return %c0_i32, %arg0, %c0_i32_0 : i32, i32, i32
  }
}

module attributes {stable_mosaic.version = 14 : i64} {
  func.func @_tc_d_body(%arg0: i32, %arg1: memref<2x2000x128xf32, #tpu.memory_space<vmem>>, %arg2: memref<2x2000x128xf32, #tpu.memory_space<vmem>>, %arg3: memref<2000x1xf32, #tpu.memory_space<vmem>>, %arg4: memref<1x256xf32, #tpu.memory_space<vmem>>, %arg5: memref<2x5120x128xf32, #tpu.memory_space<vmem>>, %arg6: memref<2x5120x128xf32, #tpu.memory_space<vmem>>, %arg7: memref<5120x1xf32, #tpu.memory_space<vmem>>, %arg8: memref<1x256xf32, #tpu.memory_space<vmem>>, %arg9: memref<256x256xf32, #tpu.memory_space<vmem>>, %arg10: memref<256x256xf32, #tpu.memory_space<vmem>>, %arg11: memref<256x256xf32, #tpu.memory_space<vmem>>, %arg12: memref<1x256xf32, #tpu.memory_space<vmem>>, %arg13: memref<256x1xf32, #tpu.memory_space<vmem>>, %arg14: memref<1x1xf32, #tpu.memory_space<vmem>>, %arg15: memref<5120x1xf32, #tpu.memory_space<vmem>>, %arg16: memref<1x256xf32, #tpu.memory_space<vmem>>) attributes {dimension_semantics = [#tpu.dimension_semantics<arbitrary>], iteration_bounds = array<i64: 6>, scalar_prefetch = 0 : i64, scratch_operands = 1 : i64, tpu.core_type = #tpu.core_type<tc>, window_params = [{transform_indices = @transform_0, window_bounds = array<i64: 2, 2000, 128>}, {transform_indices = @transform_1, window_bounds = array<i64: 2, 2000, 128>}, {transform_indices = @transform_2, window_bounds = array<i64: 2000, 1>}, {pipeline_mode = #tpu.pipeline_mode<synchronous>, transform_indices = @transform_3, window_bounds = array<i64: 1, 256>}, {pipeline_mode = #tpu.pipeline_mode<synchronous>, transform_indices = @transform_4, window_bounds = array<i64: 2, 5120, 128>}, {pipeline_mode = #tpu.pipeline_mode<synchronous>, transform_indices = @transform_5, window_bounds = array<i64: 2, 5120, 128>}, {pipeline_mode = #tpu.pipeline_mode<synchronous>, transform_indices = @transform_6, window_bounds = array<i64: 5120, 1>}, {pipeline_mode = #tpu.pipeline_mode<synchronous>, transform_indices = @transform_7, window_bounds = array<i64: 1, 256>}, {pipeline_mode = #tpu.pipeline_mode<synchronous>, transform_indices = @transform_8, window_bounds = array<i64: 256, 256>}, {pipeline_mode = #tpu.pipeline_mode<synchronous>, transform_indices = @transform_9, window_bounds = array<i64: 256, 256>}, {pipeline_mode = #tpu.pipeline_mode<synchronous>, transform_indices = @transform_10, window_bounds = array<i64: 256, 256>}, {pipeline_mode = #tpu.pipeline_mode<synchronous>, transform_indices = @transform_11, window_bounds = array<i64: 1, 256>}, {pipeline_mode = #tpu.pipeline_mode<synchronous>, transform_indices = @transform_12, window_bounds = array<i64: 256, 1>}, {pipeline_mode = #tpu.pipeline_mode<synchronous>, transform_indices = @transform_13, window_bounds = array<i64: 1, 1>}, {pipeline_mode = #tpu.pipeline_mode<synchronous>, transform_indices = @transform_14, window_bounds = array<i64: 5120, 1>}]} {
    %eq3A = arith.constant 0 : i32
    %eq3A_0 = arith.cmpi eq, %arg0, %eq3A : i32
    %convert_element_type3A = arith.extui %eq3A_0 : i1 to i32
    %cond3A = arith.constant 0 : i32
    %cond3A_1 = arith.cmpi ne, %convert_element_type3A, %cond3A : i32
    scf.if %cond3A_1 {
      %broadcast_in_dim3A = arith.constant 0.000000e+00 : f32
      %broadcast_in_dim3A_11 = vector.broadcast %broadcast_in_dim3A : f32 to vector<1x256xf32>
      %swap3A = arith.constant 0 : index
      %swap3A_12 = arith.constant 0 : index
      %swap3A_13 = vector.load %arg16[%swap3A, %swap3A_12] : memref<1x256xf32, #tpu.memory_space<vmem>>, vector<1x256xf32>
      tpu.vector_store %arg16[%swap3A, %swap3A_12], %broadcast_in_dim3A_11 {strides = array<i32>} : memref<1x256xf32, #tpu.memory_space<vmem>>, vector<1x256xf32>,
    } else {
    }
    %lt3A = arith.constant 5 : i32
    %lt3A_2 = arith.cmpi slt, %arg0, %lt3A : i32
    %convert_element_type3A_3 = arith.extui %lt3A_2 : i1 to i32
    %cond3A_4 = arith.constant 0 : i32
    %cond3A_5 = arith.cmpi ne, %convert_element_type3A_3, %cond3A_4 : i32
    scf.if %cond3A_5 {
      %get3A = arith.constant 0 : index
      %get3A_11 = arith.constant 0 : index
      %get3A_12 = arith.constant 0 : index
      %get3A_13 = vector.load %arg1[%get3A, %get3A_11, %get3A_12] : memref<2x2000x128xf32, #tpu.memory_space<vmem>>, vector<1x2000x128xf32>
      %get3A_14 = vector.shape_cast %get3A_13 : vector<1x2000x128xf32> to vector<2000x128xf32>
      %get3A_15 = arith.constant 0 : index
      %get3A_16 = arith.constant 0 : index
      %get3A_17 = arith.constant 0 : index
      %get3A_18 = vector.load %arg2[%get3A_15, %get3A_16, %get3A_17] : memref<2x2000x128xf32, #tpu.memory_space<vmem>>, vector<1x2000x128xf32>
      %get3A_19 = vector.shape_cast %get3A_18 : vector<1x2000x128xf32> to vector<2000x128xf32>
      %add3A = arith.addf %get3A_14, %get3A_19 : vector<2000x128xf32>
      %get3A_20 = arith.constant 1 : index
      %get3A_21 = arith.constant 0 : index
      %get3A_22 = arith.constant 0 : index
      %get3A_23 = vector.load %arg1[%get3A_20, %get3A_21, %get3A_22] : memref<2x2000x128xf32, #tpu.memory_space<vmem>>, vector<1x2000x128xf32>
      %get3A_24 = vector.shape_cast %get3A_23 : vector<1x2000x128xf32> to vector<2000x128xf32>
      %get3A_25 = arith.constant 1 : index
      %get3A_26 = arith.constant 0 : index
      %get3A_27 = arith.constant 0 : index
      %get3A_28 = vector.load %arg2[%get3A_25, %get3A_26, %get3A_27] : memref<2x2000x128xf32, #tpu.memory_space<vmem>>, vector<1x2000x128xf32>
      %get3A_29 = vector.shape_cast %get3A_28 : vector<1x2000x128xf32> to vector<2000x128xf32>
      %add3A_30 = arith.addf %get3A_24, %get3A_29 : vector<2000x128xf32>
      %concatenate3A = tpu.concatenate %add3A, %add3A_30 in 1 : vector<2000x128xf32>, vector<2000x128xf32> -> vector<2000x256xf32>
      %get3A_31 = arith.constant 0 : index
      %get3A_32 = arith.constant 0 : index
      %get3A_33 = vector.load %arg3[%get3A_31, %get3A_32] : memref<2000x1xf32, #tpu.memory_space<vmem>>, vector<2000x1xf32>
      %mul3A = vector.broadcast %get3A_33 : vector<2000x1xf32> to vector<2000x256xf32>
      %mul3A_34 = arith.mulf %concatenate3A, %mul3A : vector<2000x256xf32>
      %get3A_35 = arith.constant 0 : index
      %get3A_36 = arith.constant 0 : index
      %get3A_37 = vector.load %arg16[%get3A_35, %get3A_36] : memref<1x256xf32, #tpu.memory_space<vmem>>, vector<1x256xf32>
      %reduce_sum3A = arith.constant dense<0.000000e+00> : vector<256xf32>
      %reduce_sum3A_38 = vector.multi_reduction <add>, %mul3A_34, %reduce_sum3A [0] : vector<2000x256xf32> to vector<256xf32>
      %broadcast_in_dim3A = vector.shape_cast %reduce_sum3A_38 : vector<256xf32> to vector<1x256xf32>
      %add3A_39 = arith.addf %get3A_37, %broadcast_in_dim3A : vector<1x256xf32>
      %swap3A = arith.constant 0 : index
      %swap3A_40 = arith.constant 0 : index
      %swap3A_41 = vector.load %arg16[%swap3A, %swap3A_40] : memref<1x256xf32, #tpu.memory_space<vmem>>, vector<1x256xf32>
      tpu.vector_store %arg16[%swap3A, %swap3A_40], %add3A_39 {strides = array<i32>} : memref<1x256xf32, #tpu.memory_space<vmem>>, vector<1x256xf32>,
    } else {
    }
    %eq3A_6 = arith.constant 5 : i32
    %eq3A_7 = arith.cmpi eq, %arg0, %eq3A_6 : i32
    %convert_element_type3A_8 = arith.extui %eq3A_7 : i1 to i32
    %cond3A_9 = arith.constant 0 : i32
    %cond3A_10 = arith.cmpi ne, %convert_element_type3A_8, %cond3A_9 : i32
    scf.if %cond3A_10 {
      %get3A = arith.constant 0 : index
      %get3A_11 = arith.constant 0 : index
      %get3A_12 = vector.load %arg4[%get3A, %get3A_11] : memref<1x256xf32, #tpu.memory_space<vmem>>, vector<1x256xf32>
      %get3A_13 = arith.constant 0 : index
      %get3A_14 = arith.constant 0 : index
      %get3A_15 = vector.load %arg16[%get3A_13, %get3A_14] : memref<1x256xf32, #tpu.memory_space<vmem>>, vector<1x256xf32>
      %mul3A = arith.constant 9.99999974E-5 : f32
      %mul3A_16 = vector.broadcast %mul3A : f32 to vector<1x256xf32>
      %mul3A_17 = arith.mulf %get3A_15, %mul3A_16 : vector<1x256xf32>
      %add3A = arith.addf %mul3A_17, %get3A_12 : vector<1x256xf32>
      %get3A_18 = arith.constant 0 : index
      %get3A_19 = arith.constant 0 : index
      %get3A_20 = arith.constant 0 : index
      %get3A_21 = vector.load %arg5[%get3A_18, %get3A_19, %get3A_20] : memref<2x5120x128xf32, #tpu.memory_space<vmem>>, vector<1x5120x128xf32>
      %get3A_22 = vector.shape_cast %get3A_21 : vector<1x5120x128xf32> to vector<5120x128xf32>
      %get3A_23 = arith.constant 0 : index
      %get3A_24 = arith.constant 0 : index
      %get3A_25 = arith.constant 0 : index
      %get3A_26 = vector.load %arg6[%get3A_23, %get3A_24, %get3A_25] : memref<2x5120x128xf32, #tpu.memory_space<vmem>>, vector<1x5120x128xf32>
      %get3A_27 = vector.shape_cast %get3A_26 : vector<1x5120x128xf32> to vector<5120x128xf32>
      %add3A_28 = arith.addf %get3A_22, %get3A_27 : vector<5120x128xf32>
      %get3A_29 = arith.constant 1 : index
      %get3A_30 = arith.constant 0 : index
      %get3A_31 = arith.constant 0 : index
      %get3A_32 = vector.load %arg5[%get3A_29, %get3A_30, %get3A_31] : memref<2x5120x128xf32, #tpu.memory_space<vmem>>, vector<1x5120x128xf32>
      %get3A_33 = vector.shape_cast %get3A_32 : vector<1x5120x128xf32> to vector<5120x128xf32>
      %get3A_34 = arith.constant 1 : index
      %get3A_35 = arith.constant 0 : index
      %get3A_36 = arith.constant 0 : index
      %get3A_37 = vector.load %arg6[%get3A_34, %get3A_35, %get3A_36] : memref<2x5120x128xf32, #tpu.memory_space<vmem>>, vector<1x5120x128xf32>
      %get3A_38 = vector.shape_cast %get3A_37 : vector<1x5120x128xf32> to vector<5120x128xf32>
      %add3A_39 = arith.addf %get3A_33, %get3A_38 : vector<5120x128xf32>
      %concatenate3A = tpu.concatenate %add3A_28, %add3A_39 in 1 : vector<5120x128xf32>, vector<5120x128xf32> -> vector<5120x256xf32>
      %get3A_40 = arith.constant 0 : index
      %get3A_41 = arith.constant 0 : index
      %get3A_42 = vector.load %arg7[%get3A_40, %get3A_41] : memref<5120x1xf32, #tpu.memory_space<vmem>>, vector<5120x1xf32>
      %mul3A_43 = vector.broadcast %get3A_42 : vector<5120x1xf32> to vector<5120x256xf32>
      %mul3A_44 = arith.mulf %concatenate3A, %mul3A_43 : vector<5120x256xf32>
      %add3A_45 = vector.broadcast %get3A_12 : vector<1x256xf32> to vector<5120x256xf32>
      %add3A_46 = arith.addf %mul3A_44, %add3A_45 : vector<5120x256xf32>
      %get3A_47 = arith.constant 0 : index
      %get3A_48 = arith.constant 0 : index
      %get3A_49 = vector.load %arg8[%get3A_47, %get3A_48] : memref<1x256xf32, #tpu.memory_space<vmem>>, vector<1x256xf32>
      %get3A_50 = arith.constant 0 : index
      %get3A_51 = arith.constant 0 : index
      %get3A_52 = vector.load %arg9[%get3A_50, %get3A_51] : memref<256x256xf32, #tpu.memory_space<vmem>>, vector<256x256xf32>
      %dot_general3A = arith.constant dense<0.000000e+00> : vector<1x256xf32>
      %dot_general3A_53 = tpu.matmul %get3A_49, %get3A_52, %dot_general3A {dimension_numbers = #tpu.dot_dimension_numbers<[1], [0], [0], [1], [0, 0, 1, 1], [], []>, transpose_lhs_hint = false} : vector<1x256xf32>, vector<256x256xf32>, vector<1x256xf32> -> vector<1x256xf32>
      %get3A_54 = arith.constant 0 : index
      %get3A_55 = arith.constant 0 : index
      %get3A_56 = vector.load %arg11[%get3A_54, %get3A_55] : memref<256x256xf32, #tpu.memory_space<vmem>>, vector<256x256xf32>
      %dot_general3A_57 = arith.constant dense<0.000000e+00> : vector<1x256xf32>
      %dot_general3A_58 = tpu.matmul %add3A, %get3A_56, %dot_general3A_57 {dimension_numbers = #tpu.dot_dimension_numbers<[1], [0], [0], [1], [0, 0, 1, 1], [], []>, transpose_lhs_hint = false} : vector<1x256xf32>, vector<256x256xf32>, vector<1x256xf32> -> vector<1x256xf32>
      %add3A_59 = arith.addf %dot_general3A_53, %dot_general3A_58 : vector<1x256xf32>
      %get3A_60 = arith.constant 0 : index
      %get3A_61 = arith.constant 0 : index
      %get3A_62 = vector.load %arg12[%get3A_60, %get3A_61] : memref<1x256xf32, #tpu.memory_space<vmem>>, vector<1x256xf32>
      %add3A_63 = arith.addf %add3A_59, %get3A_62 : vector<1x256xf32>
      %get3A_64 = arith.constant 0 : index
      %get3A_65 = arith.constant 0 : index
      %get3A_66 = vector.load %arg10[%get3A_64, %get3A_65] : memref<256x256xf32, #tpu.memory_space<vmem>>, vector<256x256xf32>
      %dot_general3A_67 = arith.constant dense<0.000000e+00> : vector<5120x256xf32>
      %dot_general3A_68 = tpu.matmul %add3A_46, %get3A_66, %dot_general3A_67 {dimension_numbers = #tpu.dot_dimension_numbers<[1], [0], [0], [1], [0, 0, 1, 1], [], []>, transpose_lhs_hint = false} : vector<5120x256xf32>, vector<256x256xf32>, vector<5120x256xf32> -> vector<5120x256xf32>
      %add3A_69 = vector.broadcast %add3A_63 : vector<1x256xf32> to vector<5120x256xf32>
      %add3A_70 = arith.addf %dot_general3A_68, %add3A_69 : vector<5120x256xf32>
      %max3A = arith.constant 0.000000e+00 : f32
      %max3A_71 = vector.broadcast %max3A : f32 to vector<5120x256xf32>
      %max3A_72 = arith.maximumf %add3A_70, %max3A_71 : vector<5120x256xf32>
      %get3A_73 = arith.constant 0 : index
      %get3A_74 = arith.constant 0 : index
      %get3A_75 = vector.load %arg13[%get3A_73, %get3A_74] : memref<256x1xf32, #tpu.memory_space<vmem>>, vector<256x1xf32>
      %dot_general3A_76 = arith.constant dense<0.000000e+00> : vector<5120x1xf32>
      %dot_general3A_77 = tpu.matmul %max3A_72, %get3A_75, %dot_general3A_76 {dimension_numbers = #tpu.dot_dimension_numbers<[1], [0], [0], [1], [0, 0, 1, 1], [], []>, transpose_lhs_hint = false} : vector<5120x256xf32>, vector<256x1xf32>, vector<5120x1xf32> -> vector<5120x1xf32>
      %get3A_78 = arith.constant 0 : index
      %get3A_79 = arith.constant 0 : index
      %get3A_80 = vector.load %arg14[%get3A_78, %get3A_79] : memref<1x1xf32, #tpu.memory_space<vmem>>, vector<1x1xf32>
      %add3A_81 = vector.broadcast %get3A_80 : vector<1x1xf32> to vector<5120x1xf32>
      %add3A_82 = arith.addf %dot_general3A_77, %add3A_81 : vector<5120x1xf32>
      %iota3A = tpu.iota {dimensions = array<i32: 0>} : vector<5120x1xi32>
      %lt3A_83 = arith.constant 5000 : i32
      %lt3A_84 = vector.broadcast %lt3A_83 : i32 to vector<5120x1xi32>
      %lt3A_85 = arith.cmpi slt, %iota3A, %lt3A_84 : vector<5120x1xi32>
      %jit3A = arith.constant -1.000000e+30 : f32
      %broadcast_in_dim3A = vector.broadcast %jit3A : f32 to vector<5120x1xf32>
      %select_n3A = arith.select %lt3A_85, %add3A_82, %broadcast_in_dim3A : vector<5120x1xi1>, vector<5120x1xf32>
      %reduce_max3A = vector.shape_cast %select_n3A : vector<5120x1xf32> to vector<1x5120x1xf32>
      %reduce_max3A_86 = arith.constant dense<0xFF800000> : vector<1xf32>
      %reduce_max3A_87 = vector.multi_reduction <maximumf>, %reduce_max3A, %reduce_max3A_86 [1, 2] : vector<1x5120x1xf32> to vector<1xf32>
      %reduce_max3A_88 = vector.shape_cast %reduce_max3A_87 : vector<1xf32> to vector<1x1x1xf32>
      %reduce_max3A_89 = vector.extract %reduce_max3A_88[0, 0, 0] : f32 from vector<1x1x1xf32>
      %sub3A = vector.broadcast %reduce_max3A_89 : f32 to vector<5120x1xf32>
      %sub3A_90 = arith.subf %select_n3A, %sub3A : vector<5120x1xf32>
      %exp3A = math.exp %sub3A_90 : vector<5120x1xf32>
      %reduce_sum3A = vector.shape_cast %exp3A : vector<5120x1xf32> to vector<1x5120x1xf32>
      %reduce_sum3A_91 = arith.constant dense<0.000000e+00> : vector<1xf32>
      %reduce_sum3A_92 = vector.multi_reduction <add>, %reduce_sum3A, %reduce_sum3A_91 [1, 2] : vector<1x5120x1xf32> to vector<1xf32>
      %reduce_sum3A_93 = vector.shape_cast %reduce_sum3A_92 : vector<1xf32> to vector<1x1x1xf32>
      %reduce_sum3A_94 = vector.extract %reduce_sum3A_93[0, 0, 0] : f32 from vector<1x1x1xf32>
      %div3A = vector.broadcast %reduce_sum3A_94 : f32 to vector<5120x1xf32>
      %div3A_95 = arith.divf %exp3A, %div3A : vector<5120x1xf32>
      %swap3A = arith.constant 0 : index
      %swap3A_96 = arith.constant 0 : index
      %swap3A_97 = vector.load %arg15[%swap3A, %swap3A_96] : memref<5120x1xf32, #tpu.memory_space<vmem>>, vector<5120x1xf32>
      tpu.vector_store %arg15[%swap3A, %swap3A_96], %div3A_95 {strides = array<i32>} : memref<5120x1xf32, #tpu.memory_space<vmem>>, vector<5120x1xf32>,
    } else {
    }
    return
  }
  func.func @transform_0(%arg0: i32) -> (i32, i32, i32) {
    %min3A = arith.constant 4 : i32
    %min3A_0 = arith.minsi %arg0, %min3A : i32
    %c0_i32 = arith.constant 0 : i32
    %c0_i32_1 = arith.constant 0 : i32
    %c0_i32_2 = arith.constant 0 : i32
    return %c0_i32, %min3A_0, %c0_i32_1 : i32, i32, i32
  }
  func.func @transform_1(%arg0: i32) -> (i32, i32, i32) {
    %min3A = arith.constant 4 : i32
    %min3A_0 = arith.minsi %arg0, %min3A : i32
    %c0_i32 = arith.constant 0 : i32
    %c0_i32_1 = arith.constant 0 : i32
    %c0_i32_2 = arith.constant 0 : i32
    return %c0_i32, %min3A_0, %c0_i32_1 : i32, i32, i32
  }
  func.func @transform_2(%arg0: i32) -> (i32, i32) {
    %min3A = arith.constant 4 : i32
    %min3A_0 = arith.minsi %arg0, %min3A : i32
    %c0_i32 = arith.constant 0 : i32
    %c0_i32_1 = arith.constant 0 : i32
    return %min3A_0, %c0_i32 : i32, i32
  }
  func.func @transform_3(%arg0: i32) -> (i32, i32) {
    %c0_i32 = arith.constant 0 : i32
    %c0_i32_0 = arith.constant 0 : i32
    %c0_i32_1 = arith.constant 0 : i32
    return %c0_i32, %c0_i32_0 : i32, i32
  }
  func.func @transform_4(%arg0: i32) -> (i32, i32, i32) {
    %c0_i32 = arith.constant 0 : i32
    %c0_i32_0 = arith.constant 0 : i32
    %c0_i32_1 = arith.constant 0 : i32
    %c0_i32_2 = arith.constant 0 : i32
    return %c0_i32, %c0_i32_0, %c0_i32_1 : i32, i32, i32
  }
  func.func @transform_5(%arg0: i32) -> (i32, i32, i32) {
    %c0_i32 = arith.constant 0 : i32
    %c0_i32_0 = arith.constant 0 : i32
    %c0_i32_1 = arith.constant 0 : i32
    %c0_i32_2 = arith.constant 0 : i32
    return %c0_i32, %c0_i32_0, %c0_i32_1 : i32, i32, i32
  }
  func.func @transform_6(%arg0: i32) -> (i32, i32) {
    %c0_i32 = arith.constant 0 : i32
    %c0_i32_0 = arith.constant 0 : i32
    %c0_i32_1 = arith.constant 0 : i32
    return %c0_i32, %c0_i32_0 : i32, i32
  }
  func.func @transform_7(%arg0: i32) -> (i32, i32) {
    %c0_i32 = arith.constant 0 : i32
    %c0_i32_0 = arith.constant 0 : i32
    %c0_i32_1 = arith.constant 0 : i32
    return %c0_i32, %c0_i32_0 : i32, i32
  }
  func.func @transform_8(%arg0: i32) -> (i32, i32) {
    %c0_i32 = arith.constant 0 : i32
    %c0_i32_0 = arith.constant 0 : i32
    %c0_i32_1 = arith.constant 0 : i32
    return %c0_i32, %c0_i32_0 : i32, i32
  }
  func.func @transform_9(%arg0: i32) -> (i32, i32) {
    %c0_i32 = arith.constant 0 : i32
    %c0_i32_0 = arith.constant 0 : i32
    %c0_i32_1 = arith.constant 0 : i32
    return %c0_i32, %c0_i32_0 : i32, i32
  }
  func.func @transform_10(%arg0: i32) -> (i32, i32) {
    %c0_i32 = arith.constant 0 : i32
    %c0_i32_0 = arith.constant 0 : i32
    %c0_i32_1 = arith.constant 0 : i32
    return %c0_i32, %c0_i32_0 : i32, i32
  }
  func.func @transform_11(%arg0: i32) -> (i32, i32) {
    %c0_i32 = arith.constant 0 : i32
    %c0_i32_0 = arith.constant 0 : i32
    %c0_i32_1 = arith.constant 0 : i32
    return %c0_i32, %c0_i32_0 : i32, i32
  }
  func.func @transform_12(%arg0: i32) -> (i32, i32) {
    %c0_i32 = arith.constant 0 : i32
    %c0_i32_0 = arith.constant 0 : i32
    %c0_i32_1 = arith.constant 0 : i32
    return %c0_i32, %c0_i32_0 : i32, i32
  }
  func.func @transform_13(%arg0: i32) -> (i32, i32) {
    %c0_i32 = arith.constant 0 : i32
    %c0_i32_0 = arith.constant 0 : i32
    %c0_i32_1 = arith.constant 0 : i32
    return %c0_i32, %c0_i32_0 : i32, i32
  }
  func.func @transform_14(%arg0: i32) -> (i32, i32) {
    %c0_i32 = arith.constant 0 : i32
    %c0_i32_0 = arith.constant 0 : i32
    %c0_i32_1 = arith.constant 0 : i32
    return %c0_i32, %c0_i32_0 : i32, i32
  }
}

</mosaic_0001>

<sc_bundles>
// kernel: kernel.11.cloned.1.call-start
scs
__scs_entry_jumppad:
0x0: {  	(pc) =	sbr.rel $0x88, $3  }
0x1: {  	(tag) =	ssettag $0x0;
	lr =	simm.s32 $0x1  }
0x2: {  	[smem:$0x3F95] =	sst lr;
	_ =	strace $0xD0000000  }
0x3: {  	_ = 	snop  }
0x4: {  	_ = 	snop  }
0x5: {  	_ = 	snop  }
0x6: {  	_ = 	snop  }
0x7: {  	_ = 	snop  }
__scs_overlays_trampoline_lowered:
0x8: {  	[smem:$0x3FA4] =	sst s0  }
0x9: {  	[smem:$0x3FA5] =	sst s1  }
0xa: {  	[smem:$0x3FA6] =	sst s2  }
0xb: {  	[smem:$0x3FA7] =	sst s3  }
0xc: {  	[smem:$0x3FA8] =	sst s4  }
0xd: {  	[smem:$0x3FA9] =	sst s5  }
0xe: {  	[smem:$0x3FAA] =	sst s6  }
0xf: {  	[smem:$0x3FAB] =	sst s7  }
0x10: {  	[smem:$0x3FAC] =	sst s8  }
0x11: {  	[smem:$0x3FAD] =	sst s9;
	s0 =	simm.s32 @!p0 $0x0  }
0x12: {  	s1 =	sld [smem:$0x3F93];
	s0 =	simm.s32 @p0 $0x1  }
0x13: {  	[smem:$0x3FAE] =	sst s0;
	s0 =	simm.s32 @!p1 $0x0  }
0x14: {  	s2 =	sld [smem:$0x3F92];
	s0 =	simm.s32 @p1 $0x1  }
0x15: {  	[smem:$0x3FAF] =	sst s0;
	s0 =	simm.s32 @!p2 $0x0  }
0x16: {  	s3 =	sld [smem:$0x3FDB];
	s0 =	simm.s32 @p2 $0x1  }
0x17: {  	s4 =	simm.s32 $0x1BF5;
	[smem:$0x3FB1] =	sst s0  }
0x18: {  	s0 =	sld [smem:$0x3F94];
	_ =	swait.ge [sflag:s4], $0x0  }
0x19: {  	s7 =	sld [smem:$0x3F95]  }
0x1a: {  	s8 =	sadd.s32 $0xFFFFE003, lr  }
0x1b: {  	s9 =	sadd.s32 $0xFFFFFEF7, lr;
	s5 =	simm.s32 $0xFFFFFFFF;
	p2 =	slt.u32 s8, $0xFFFFF086  }
0x1c: {  	p1 =	slt.u32 s9, $0xF7A;
	s5 =	simm.s32 @!p2 $0x0  }
0x1d: {  	s5 =	simm.s32 @p1 $0x1;
	p0 =	seq.s32 s7, s2  }
0x1e: {  	s7 =	smul.u32 @!p0 $0xF7A, s2;
	p2 =	seq.s32 @!p0 s5, $0x0  }
0x1f: {  	s9 =	smul.u32 $0xF7A, s1;
	s8 =	simm.s32 @!p0 $0x1BF5;
	p2 =	por !p2, p0  }
0x20: {  	[sflag:s8] =	ssyncset.s32 @!p0 $0xFFFFF086;
	s6 =	sadd.s32 @!p0 s3, s7;
	s7 =	simm.s32 @!p0 $0x108  }
0x21: {  	s3 =	sadd.s32 s3, s9;
	s6 =	sadd.s32 @!p0 $0x88, s6;
	s7 =	simm.s32 @p2 $0x1082  }
0x22: {  	[simem:s7], [sflag:s8] =	dma.local @!p0 [hbm:s6], $0xF7A  }
0x23: {  	s9 =	sor.u32 $0xD0000000, s2;
	s6 =	simm.s32 $0x108;
	_ =	swait.ge @!p0 [sflag:s8], $0x0  }
0x24: {  	s3 =	sadd.s32 $0x88, s3;
	s6 =	simm.s32 @!p1 $0x1082;
	[sflag:s4] =	ssyncset.s32 $0xFFFFF086  }
0x25: {  	[simem:s6], [sflag:s4] =	dma.local [hbm:s3], $0xF7A  }
0x26: {  	[smem:$0x3F95] =	sst s1;
	(tag) =	ssettag s2;
	_ =	strace s9  }
0x27: {  	s1 =	sld [smem:$0x3FA5]  }
0x28: {  	s2 =	sld [smem:$0x3FA6]  }
0x29: {  	s4 =	sld [smem:$0x3FA8]  }
0x2a: {  	p0 =	seq.s32 s5, $0x0;
	s5 =	sld [smem:$0x3FA9]  }
0x2b: {  	s6 =	sld [smem:$0x3FAA]  }
0x2c: {  	s7 =	sld [smem:$0x3FAB]  }
0x2d: {  	s3 =	simm.s32 $0x108;
	s8 =	sld [smem:$0x3FAC]  }
0x2e: {  	s3 =	simm.s32 @!p0 $0x1082;
	s9 =	sld [smem:$0x3FAD]  }
0x2f: {  	lr =	sadd.s32 s0, s3;
	s0 =	sld [smem:$0x3FA4]  }
0x30: {  	s3 =	sld [smem:$0x3FA7]  }
0x31: {  	[smem:$0x3FB0] =	sst s10  }
0x32: {  	s10 =	sld [smem:$0x3FAE];
	_ =	sdelay $0x3  }
0x33: {  	p0 =	seq.s32 s10, $0x1;
	s10 =	sld [smem:$0x3FB0];
	_ =	sdelay $0x3  }
0x34: {  	[smem:$0x3FB0] =	sst s10  }
0x35: {  	s10 =	sld [smem:$0x3FAF];
	_ =	sdelay $0x3  }
0x36: {  	p1 =	seq.s32 s10, $0x1;
	s10 =	sld [smem:$0x3FB0];
	_ =	sdelay $0x3  }
0x37: {  	[smem:$0x3FB0] =	sst s10  }
0x38: {  	s10 =	sld [smem:$0x3FB1]  }
0x39: {  	_ = 	snop;
	(pc) =	sbr.ind lr, $3  }
0x3a: {  	_ = 	snop  }
0x3b: {  	_ = 	snop  }
0x3c: {  	p2 =	seq.s32 s10, $0x1;
	s10 =	sld [smem:$0x3FB0]  }
0x3d: {  	_ =	shalt  }
0x3e: {  	_ =	shalt  }
0x3f: {  	_ =	shalt  }
0x40: {  	_ =	shalt  }
0x41: {  	_ =	shalt  }
0x42: {  	_ =	shalt  }
0x43: {  	_ =	shalt  }
0x44: {  	_ =	shalt  }
0x45: {  	_ =	shalt  }
0x46: {  	_ =	shalt  }
0x47: {  	_ =	shalt  }
0x48: {  	_ =	shalt  }
0x49: {  	_ =	shalt  }
0x4a: {  	_ =	shalt  }
0x4b: {  	_ =	shalt  }
0x4c: {  	_ =	shalt  }
0x4d: {  	_ =	shalt  }
0x4e: {  	_ =	shalt  }
0x4f: {  	_ =	shalt  }
0x50: {  	_ =	shalt  }
0x51: {  	_ =	shalt  }
0x52: {  	_ =	shalt  }
0x53: {  	_ =	shalt  }
0x54: {  	_ =	shalt  }
0x55: {  	_ =	shalt  }
0x56: {  	_ =	shalt  }
0x57: {  	_ =	shalt  }
0x58: {  	_ =	shalt  }
0x59: {  	_ =	shalt  }
0x5a: {  	_ =	shalt  }
0x5b: {  	_ =	shalt  }
0x5c: {  	_ =	shalt  }
0x5d: {  	_ =	shalt  }
0x5e: {  	_ =	shalt  }
0x5f: {  	_ =	shalt  }
0x60: {  	_ =	shalt  }
0x61: {  	_ =	shalt  }
0x62: {  	_ =	shalt  }
0x63: {  	_ =	shalt  }
0x64: {  	_ =	shalt  }
0x65: {  	_ =	shalt  }
0x66: {  	_ =	shalt  }
0x67: {  	_ =	shalt  }
0x68: {  	_ =	shalt  }
0x69: {  	_ =	shalt  }
0x6a: {  	_ =	shalt  }
0x6b: {  	_ =	shalt  }
0x6c: {  	_ =	shalt  }
0x6d: {  	_ =	shalt  }
0x6e: {  	_ =	shalt  }
0x6f: {  	_ =	shalt  }
0x70: {  	_ =	shalt  }
0x71: {  	_ =	shalt  }
0x72: {  	_ =	shalt  }
0x73: {  	_ =	shalt  }
0x74: {  	_ =	shalt  }
0x75: {  	_ =	shalt  }
0x76: {  	_ =	shalt  }
0x77: {  	_ =	shalt  }
0x78: {  	_ =	shalt  }
0x79: {  	_ =	shalt  }
0x7a: {  	_ =	shalt  }
0x7b: {  	_ =	shalt  }
0x7c: {  	_ =	shalt  }
0x7d: {  	_ =	shalt  }
0x7e: {  	_ =	shalt  }
0x7f: {  	_ =	shalt  }
0x80: {  	_ =	shalt  }
0x81: {  	_ =	shalt  }
0x82: {  	_ =	shalt  }
0x83: {  	_ =	shalt  }
0x84: {  	_ =	shalt  }
0x85: {  	_ =	shalt  }
0x86: {  	_ =	shalt  }
0x87: {  	_ =	shalt  }
.Lfunc_end0:
.L_simem_size_0:
called_computation.1_lowered:
.L_overlay_start_0:
0x88: {  	s2 =	sld [smem:$0x3FD9]  }
0x89: {  	s3 =	sld [smem:$0x3FFE];
	_ =	sdelay $0x1  }
0x8a: {  	s1 =	srdreg.scid  }
0x8b: {  	s0 =	sand.u32 $0x1, s1  }
0x8c: {  	s16 =	sshll.u32 s0, $0xA;
	s2 =	sadd.s32 s3, s2  }
0x8d: {  	s2 =	sadd.s32 s2, s16  }
0x8e: {  	[smem:$0x3FBC] =	sst s2  }
0x8f: {  	_ = 	snop  }
0x90: {  	(tm) =	ssettm $0x1  }
0x91: {  	s17 =	sld [smem:$0x3FFB];
	_ =	sdelay $0x3  }
0x92: {  	_ =	strace s17  }
0x93: {  	s2 =	sld [smem:$0x3FFC];
	_ =	sdelay $0x3  }
0x94: {  	_ =	strace s2  }
0x95: {  	s2 =	sld [smem:$0x3FFD];
	_ =	sdelay $0x3  }
0x96: {  	_ =	strace s2  }
0x97: {  	_ =	strace $0x8FFFFFFF  }
0x98: {  	s18 =	sld [smem:$0x3FDB];
	_ =	sdelay $0x1  }
0x99: {  	s19 =	simm.s32 $_scs_section_size  }
0x9a: {  	s4 =	simm.s32 $_size__tile_overlayer_lowered;
	s5 =	simm.s32 $_tile_overlayer_lowered  }
0x9b: {  	s22 =	simm.s32 $0x1BFF;
	s21 =	sshll.u32 s5, $0x1;
	s2 =	sadd.s32 s19, s18  }
0x9c: {  	s6 =	simm.s32 $0x0;
	s20 =	sshll.u32 s4, $0x1;
	s4 =	sadd.s32 s21, s2  }
0x9d: {  	[timem:s6], [sflag:s22] =	dma.local [hbm:s4], s20  }
0x9e: {  	_ =	swait.ge [sflag:s22], s20  }
0x9f: {  	s3 =	ssub.s32 $0x0, s20;
	[sflag:s22] =	ssyncset.done $0x0  }
0xa0: {  	[sflag:s22] =	ssyncadd.s32 s3;
	_ =	sdelay $0x1  }
0xa1: {  	s23 =	simm.s32 $0x1B8B  }
0xa2: {  	_ =	swait.ge [sflag:s23], $0x1  }
0xa3: {  	[sflag:s23] =	ssyncset.done $0x0  }
0xa4: {  	s25 =	simm.s32 $0x1B8E;
	s24 =	sld [smem:$0x3FFE];
	[sflag:s23] =	ssyncadd.s32 $0xFFFFFFFF  }
0xa5: {  	s26 =	simm.s32 $execute0_lowered;
	[smem:$0x3FD2] =	sst s25  }
0xa6: {  	s4 =	sshll.u32 s26, $0x1;
	_ =	strace $0x80000049;
	[dreg:$0x1] =	wrdreg $0xFFFFFFFF  }
0xa7: {  	s28 =	simm.s32 $_size_execute0_lowered;
	s2 =	sadd.s32 s2, s4;
	[dreg:$0x0] =	wrdreg $0x0  }
0xa8: {  	s4 =	sshll.u32 s28, $0x1;
	[dreg:$0x2] =	wrdreg s2  }
0xa9: {  	[dreg:$0x3] =	wrdreg s4  }
0xaa: {  	[dreg:$0x4] =	wrdreg $0xC0  }
0xab: {  	_ =	task [dreg:s6], $0x5FFFF  }
0xac: {  	[dreg:$0x1] =	wrdreg $0xFFFFFFFF  }
0xad: {  	[dreg:$0x0] =	wrdreg $0x60  }
0xae: {  	[dreg:$0x2] =	wrdreg s24  }
0xaf: {  	[dreg:$0x3] =	wrdreg $0x90000  }
0xb0: {  	[dreg:$0x4] =	wrdreg $0x9  }
0xb1: {  	_ =	task.clear_ibuf [dreg:s6], $0x5FFFF;
	_ =	strace $0x90000049  }
0xb2: {  	s29 =	simm.s32 $0x9;
	_ =	strace $0x8000004B  }
0xb3: {  	_ =	swait.ge [sflag:s29], $0x1  }
0xb4: {  	[sflag:s29] =	ssyncadd.s32 $0xFFFFFFFF  }
0xb5: {  	_ =	strace $0x9000004B  }
0xb6: {  	_ =	sfence  }
0xb7: {  	s30 =	sld [smem:$0x0];
	_ =	sdelay $0x2  }
0xb8: {  	s31 =	sshll.u32 s1, $0xD;
	s1 =	sshrl.u32 s1, $0x2  }
0xb9: {  	s3 =	sand.u32 $0x4000, s31;
	s1 =	sadd.s32 s1, s30  }
0xba: {  	s0 =	sor.u32 s3, s0;
	s1 =	sshll.u32 s1, $0x11  }
0xbb: {  	s0 =	sor.u32 s1, s0  }
0xbc: {  	s0 =	sadd.s32 $0x8F2B, s0  }
0xbd: {  	[sflag:s0] =	ssyncadd.remote.s32 $0x1  }
0xbe: {  	_ =	sfence.sel $0xFFFF  }
0xbf: {  	[dreg:$0x0] =	wrdreg $0xFFFFFFFF;
	(pc) =	sbr.abs _section_cstart, $3  }
0xc0: {  	[dreg:$0x1] =	wrdreg $0xFFFFFFFF  }
0xc1: {  	_ =	task.clear_ibuf [dreg:s6], $0x2FFFF;
	_ =	strace $0x9FFFFFFF  }
0xc2: {  	(tm) =	ssettm $0x7FFFFFFF  }
0xc3: {  	_ =	shalt  }
tec
execute0_lowered:
.L_overlay_start_1:
0x0: {  	(tag) =	ssettag $0x1  }
0x1: {  	s6 =	rddreg [dreg:$0x0]  }
0x2: {  	s0 =	srdreg.scid;
	s1 =	rddreg [dreg:$0x1]  }
0x3: {  	s3 =	simm.s32 $0x0;
	s2 =	stileid.u32;
	s12 =	simm.s32 $0x1000  }
0x4: {  	s13 =	simm.s32 $0x64;
	s14 =	simm.s32 $0x2000;
	s15 =	simm.s32 $0x80  }
0x5: {  	s16 =	simm.s32 $0x5400;
	s17 =	simm.s32 $0x1;
	s18 =	simm.s32 $0x3  }
0x6: {  	s19 =	simm.s32 $0x2;
	s20 =	simm.s32 $0x4;
	s21 =	simm.s32 $0xC00  }
0x7: {  	s22 =	simm.s32 $0x1B80;
	s23 =	simm.s32 $0x1C00;
	s7 =	smul.u32 $0x50000, s2  }
0x8: {  	s5 =	sand.u32 $0x1, s0;
	[smem:$0x7FF] =	sst s3;
	s25 =	smul.u32 $0x2800, s2  }
0x9: {  	s0 =	rddreg [dreg:$0x2];
	s4 =	smul.u32 $0x27100, s5;
	_ =	strace $0x8000004A  }
0xa: {  	s9 =	smul.u32 $0x28000, s5;
	s10 =	ssub.s32 $0x2, s5;
	s5 =	sadd.s32 $0x7400, s6  }
0xb: {  	s11 =	sshrl.u32 s10, $0x1;
	s7 =	sshrl.u32 s7, $0x2;
	s8 =	sadd.s32 s4, s6  }
0xc: {  	s4 =	sadd.s32 $0xF400, s6;
	s9 =	sadd.s32 s9, s6;
	s10 =	ssub.s32 s10, s11  }
0xd: {  	s6 =	sadd.s32 s7, s1;
	s7 =	sshll.u32 s2, $0xB;
	s11 =	simm.s32 $0x5  }
0xe: {  	s8 =	sadd.s32 $0x17400, s8;
	s24 =	sadd.s32 $0x65600, s9;
	s9 =	smax.u32 s10, $0x1  }
0xf: {  	v0 =	vimm.f32 $0.0e+00;
	s10 =	simm.s32 $0x8800;
	s24 =	sadd.s32 s25, s24;
	s25 =	simm.s32 $0x0  }
.LBB2_1:
0x10: {  	s26 =	simm.s32 $0x0;
	s28 =	simm.s32 $0x0  }
.LBB2_2:
0x11: {  	p0 =	sne.s32 s28, $0x1FC0  }
.Ltmp0:
0x12: {  	_ = 	snop;
	(pc) =	sbr.rel @p0 .LBB2_2-.Ltmp0, $4  }
0x13: {  	s29 =	sand.u32 $0x1E00, s28  }
0x14: {  	s30 =	sand.u32 $0x70, s26;
	s29 =	sshrl.u32 s29, $0x2  }
0x15: {  	s29 =	sor.u32 s30, s29  }
0x16: {  	s26 =	sadd.s32 $0x10, s26;
	s28 =	sadd.s32 $0x40, s28;
	[tilespmem:s29+$0x8800] =	vst v0  }
0x17: {  	s26 =	sadd.s32 $0x0, s6  }
0x18: {  	[spmem:s26] =	stream.linear.scatter [tilespmem:s10], [sflag:$0x5], $0x800, $0x38;
	[tilespmem:$0x1D000] =	vst v63  }
0x19: {  	s26 =	simm.s32 $0x2000;
	_ =	swait.ge [sflag:s11], $0x800  }
.LBB2_4:
0x1a: {  	s28 =	sshra.s32 s26, $0x2;
	[sflag:s11] =	ssyncset.done $0x0;
	p0 =	sne.s32 s26, $0x4E000  }
.Ltmp1:
0x1b: {  	s28 =	sadd.s32 s28, s6;
	[sflag:s11] =	ssyncadd.s32 $0xFFFFF800;
	(pc) =	sbr.rel @p0 .LBB2_4-.Ltmp1, $3  }
0x1c: {  	[spmem:s28] =	stream.linear.scatter [tilespmem:s10], [sflag:$0x5], $0x800, $0x38;
	[tilespmem:$0x1D000] =	vst v63  }
0x1d: {  	s26 =	sadd.s32 $0x2000, s26;
	_ =	sdelay $0x1  }
0x1e: {  	_ =	swait.ge [sflag:s11], $0x800  }
0x1f: {  	[sflag:s11] =	ssyncset.done $0x0  }
0x20: {  	[sflag:s11] =	ssyncadd.s32 $0xFFFFF800  }
0x21: {  	s26 =	simm.s32 $0x0;
	[bflag:$0x0] =	sbarrier.arrive $0xFFFF  }
.LBB2_6:
0x22: {  	s28 =	sshll.u32 s26, $0x9  }
0x23: {  	s28 =	sadd.s32 s7, s28  }
0x24: {  	s29 =	sadd.s32 s4, s28  }
0x25: {  	[tilespmem:s3], [sflag:$0x5] =	stream.linear.gather [hbm4b:s29+s3], $0xC80, $0x38;
	[tilespmem:$0x1D000] =	vst v63  }
0x26: {  	_ =	swait.ge [sflag:s11], $0xC80  }
0x27: {  	[sflag:s11] =	ssyncset.done $0x0  }
0x28: {  	s28 =	sadd.s32 s5, s28;
	[sflag:s11] =	ssyncadd.s32 $0xFFFFF380  }
0x29: {  	[tilespmem:s12], [sflag:$0x5] =	stream.linear.gather [hbm4b:s28+s3], $0xC80, $0x38;
	[tilespmem:$0x1D000] =	vst v63  }
0x2a: {  	_ =	swait.ge [sflag:s11], $0xC80  }
0x2b: {  	[sflag:s11] =	ssyncset.done $0x0  }
0x2c: {  	[sflag:s11] =	ssyncadd.s32 $0xFFFFF380  }
0x2d: {  	[tilespmem:s14], [sflag:$0x1] =	stream.indirect.gather [hbm4b:s8+s13], $0x80, s3, s13, $0xb8;
	[tilespmem:$0x1D000] =	vst v63  }
0x2e: {  	_ = 	snop  }
0x2f: {  	[tilespmem:s16], [sflag:$0x2] =	stream.indirect.gather [hbm4b:s8+s13], $0x80, s15, s13, $0xb8;
	[tilespmem:$0x1D000] =	vst v63  }
0x30: {  	_ =	swait.ge [sflag:s17], $0x3200  }
0x31: {  	[sflag:s17] =	ssyncset.done $0x0  }
0x32: {  	[sflag:s17] =	ssyncadd.s32 $0xFFFFCE00  }
0x33: {  	[spmem:s1] =	stream.indirect.scatter.add.f32 [tilespmem:s14], [sflag:$0x3], $0x80, s12, s13, $0xb8;
	[tilespmem:$0x1D000] =	vst v63  }
0x34: {  	_ =	swait.ge [sflag:s18], $0x3200  }
0x35: {  	[sflag:s18] =	ssyncset.done $0x0  }
0x36: {  	s28 =	simm.s32 $0x100;
	[sflag:s18] =	ssyncadd.s32 $0xFFFFCE00  }
0x37: {  	[tilespmem:s14], [sflag:$0x1] =	stream.indirect.gather [hbm4b:s8+s13], $0x80, s28, s13, $0xb8;
	[tilespmem:$0x1D000] =	vst v63  }
0x38: {  	_ =	swait.ge [sflag:s19], $0x3200  }
0x39: {  	[sflag:s19] =	ssyncset.done $0x0  }
0x3a: {  	s28 =	simm.s32 $0x1080;
	[sflag:s19] =	ssyncadd.s32 $0xFFFFCE00  }
0x3b: {  	[spmem:s1] =	stream.indirect.scatter.add.f32 [tilespmem:s16], [sflag:$0x4], $0x80, s28, s13, $0xb8;
	[tilespmem:$0x1D000] =	vst v63  }
0x3c: {  	_ =	swait.ge [sflag:s20], $0x3200  }
0x3d: {  	[sflag:s20] =	ssyncset.done $0x0  }
0x3e: {  	s28 =	simm.s32 $0x180;
	[sflag:s20] =	ssyncadd.s32 $0xFFFFCE00  }
0x3f: {  	[tilespmem:s16], [sflag:$0x2] =	stream.indirect.gather [hbm4b:s8+s13], $0x80, s28, s13, $0xb8;
	[tilespmem:$0x1D000] =	vst v63  }
0x40: {  	_ =	swait.ge [sflag:s17], $0x3200  }
0x41: {  	[sflag:s17] =	ssyncset.done $0x0  }
0x42: {  	s29 =	simm.s32 $0x1100;
	s28 =	simm.s32 $0xFFFFD800;
	[sflag:s17] =	ssyncadd.s32 $0xFFFFCE00  }
.LBB2_7:
0x43: {  	[spmem:s1] =	stream.indirect.scatter.add.f32 [tilespmem:s14], [sflag:$0x3], $0x80, s29, s13, $0xb8;
	[tilespmem:$0x1D000] =	vst v63  }
0x44: {  	s29 =	smov.u32 s28  }
0x45: {  	p0 =	sne.s32 s28, $0xFFFFFC00;
	s28 =	sadd.s32 $0x400, s28;
	_ =	swait.ge [sflag:s18], $0x3200  }
0x46: {  	s29 =	sshra.s32 s29, $0x2;
	[sflag:s18] =	ssyncset.done $0x0  }
0x47: {  	s30 =	sadd.s32 $0xC00, s29;
	[sflag:s18] =	ssyncadd.s32 $0xFFFFCE00  }
0x48: {  	[tilespmem:s14], [sflag:$0x1] =	stream.indirect.gather [hbm4b:s8+s13], $0x80, s30, s13, $0xb8;
	[tilespmem:$0x1D000] =	vst v63  }
0x49: {  	_ =	swait.ge [sflag:s19], $0x3200  }
0x4a: {  	[sflag:s19] =	ssyncset.done $0x0  }
0x4b: {  	s30 =	sadd.s32 $0x1B80, s29;
	[sflag:s19] =	ssyncadd.s32 $0xFFFFCE00  }
0x4c: {  	[spmem:s1] =	stream.indirect.scatter.add.f32 [tilespmem:s16], [sflag:$0x4], $0x80, s30, s13, $0xb8;
	[tilespmem:$0x1D000] =	vst v63  }
0x4d: {  	_ =	swait.ge [sflag:s20], $0x3200  }
0x4e: {  	[sflag:s20] =	ssyncset.done $0x0  }
.Ltmp2:
0x4f: {  	s30 =	sadd.s32 $0xC80, s29;
	[sflag:s20] =	ssyncadd.s32 $0xFFFFCE00;
	(pc) =	sbr.rel @p0 .LBB2_7-.Ltmp2, $4  }
0x50: {  	[tilespmem:s16], [sflag:$0x2] =	stream.indirect.gather [hbm4b:s8+s13], $0x80, s30, s13, $0xb8;
	[tilespmem:$0x1D000] =	vst v63  }
0x51: {  	_ =	swait.ge [sflag:s17], $0x3200  }
0x52: {  	[sflag:s17] =	ssyncset.done $0x0  }
0x53: {  	s29 =	sadd.s32 $0x1C00, s29;
	[sflag:s17] =	ssyncadd.s32 $0xFFFFCE00  }
0x54: {  	[spmem:s1] =	stream.indirect.scatter.add.f32 [tilespmem:s14], [sflag:$0x3], $0x80, s29, s13, $0xb8;
	[tilespmem:$0x1D000] =	vst v63  }
0x55: {  	_ =	swait.ge [sflag:s18], $0x3200  }
0x56: {  	[sflag:s18] =	ssyncset.done $0x0  }
0x57: {  	[sflag:s18] =	ssyncadd.s32 $0xFFFFCE00  }
0x58: {  	[tilespmem:s14], [sflag:$0x1] =	stream.indirect.gather [hbm4b:s8+s13], $0x80, s21, s13, $0xb8;
	[tilespmem:$0x1D000] =	vst v63  }
0x59: {  	_ =	swait.ge [sflag:s19], $0x3200  }
0x5a: {  	[sflag:s19] =	ssyncset.done $0x0  }
0x5b: {  	[sflag:s19] =	ssyncadd.s32 $0xFFFFCE00  }
0x5c: {  	[spmem:s1] =	stream.indirect.scatter.add.f32 [tilespmem:s16], [sflag:$0x4], $0x80, s22, s13, $0xb8;
	[tilespmem:$0x1D000] =	vst v63  }
0x5d: {  	_ =	swait.ge [sflag:s17], $0x3200  }
0x5e: {  	[sflag:s17] =	ssyncset.done $0x0  }
0x5f: {  	s26 =	sadd.s32 $0x1, s26;
	[sflag:s17] =	ssyncadd.s32 $0xFFFFCE00  }
0x60: {  	[spmem:s1] =	stream.indirect.scatter.add.f32 [tilespmem:s14], [sflag:$0x3], $0x80, s23, s13, $0xb8;
	[tilespmem:$0x1D000] =	vst v63  }
0x61: {  	p0 =	sne.s32 s26, $0x4;
	_ =	swait.ge [sflag:s20], $0x3200  }
.Ltmp3:
0x62: {  	[sflag:s20] =	ssyncset.done $0x0;
	(pc) =	sbr.rel @p0 .LBB2_6-.Ltmp3, $4  }
0x63: {  	[sflag:s20] =	ssyncadd.s32 $0xFFFFCE00  }
0x64: {  	_ =	swait.ge [sflag:s18], $0x3200  }
0x65: {  	[sflag:s18] =	ssyncset.done $0x0  }
0x66: {  	[sflag:s18] =	ssyncadd.s32 $0xFFFFCE00  }
0x67: {  	s25 =	sadd.s32 $0x1, s25  }
0x68: {  	s26 =	sshll.u32 s2, $0x6;
	[bflag:$0x0] =	sbarrier.arrive $0xFFFF;
	p0 =	sne.s32 s25, s9  }
.Ltmp4:
0x69: {  	s28 =	sshrl.u32 s6, $0x3;
	s26 =	sor.u32 $0x1C05, s26;
	(pc) =	sbr.rel @p0 .LBB2_1-.Ltmp4, $4  }
0x6a: {  	[hbm:s24], [sflag:s26] =	dma.local [spmem:s28], $0x2800  }
0x6b: {  	_ =	swait.ge [sflag:s11], $0x2800  }
0x6c: {  	[sflag:s11] =	ssyncset.done $0x0  }
0x6d: {  	[sflag:s11] =	ssyncadd.s32 $0xFFFFD800  }
0x6e: {  	_ =	sfence.sel $0x180000  }
0x6f: {  	[bflag:$0x0] =	sbarrier.arrive $0xFFFF  }
0x70: {  	p0 =	sne.s32 s2, $0x0;
	_ =	strace $0x9000004A  }
0x71: {  	s0 =	sadd.s32 @!p0 $0x100000, s0;
	[bflag:$0x2] =	sbarrier.arrive $0xFFFF  }
0x72: {  	[sflag:s0] =	ssyncadd.tile.s32 @!p0 $0x1;
	_ =	shalt  }
.Lfunc_end2:
_tile_overlayer_lowered:
.L_overlay_start_2:
0x73: {  	(tag) =	ssettag $0x2  }
0x74: {  	s0 =	rddreg [dreg:$0x0];
	s2 =	stileid.u32  }
0x75: {  	s1 =	rddreg [dreg:$0x1];
	p0 =	sne.s32 s2, $0x0  }
0x76: {  	s3 =	rddreg [dreg:$0x2];
	[bflag:$0x3] =	sbarrier.arrive $0xFFFF;
	s2 =	simm.s32 @!p0 $0x1C05  }
0x77: {  	[timem:s3], [sflag:s2] =	dma.local @!p0 [hbm:s0], s1  }
0x78: {  	s0 =	simm.s32 @!p0 $0x5  }
0x79: {  	_ =	swait.ge @!p0 [sflag:s0], s1  }
0x7a: {  	s1 =	ssub.s32 @!p0 $0x0, s1;
	[sflag:s0] =	ssyncset.done @!p0 $0x0  }
0x7b: {  	[sflag:s0] =	ssyncadd.s32 @!p0 s1  }
0x7c: {  	[bflag:$0x3] =	sbarrier.arrive $0xFFFF  }
0x7d: {  	_ =	shalt  }

// kernel: kernel.14.cloned.1.call-start
scs
__scs_entry_jumppad:
0x0: {  	(pc) =	sbr.rel $0x88, $3  }
0x1: {  	(tag) =	ssettag $0x0;
	lr =	simm.s32 $0x1  }
0x2: {  	[smem:$0x3F95] =	sst lr;
	_ =	strace $0xD0000000  }
0x3: {  	_ = 	snop  }
0x4: {  	_ = 	snop  }
0x5: {  	_ = 	snop  }
0x6: {  	_ = 	snop  }
0x7: {  	_ = 	snop  }
__scs_overlays_trampoline_lowered:
0x8: {  	[smem:$0x3FA4] =	sst s0  }
0x9: {  	[smem:$0x3FA5] =	sst s1  }
0xa: {  	[smem:$0x3FA6] =	sst s2  }
0xb: {  	[smem:$0x3FA7] =	sst s3  }
0xc: {  	[smem:$0x3FA8] =	sst s4  }
0xd: {  	[smem:$0x3FA9] =	sst s5  }
0xe: {  	[smem:$0x3FAA] =	sst s6  }
0xf: {  	[smem:$0x3FAB] =	sst s7  }
0x10: {  	[smem:$0x3FAC] =	sst s8  }
0x11: {  	[smem:$0x3FAD] =	sst s9;
	s0 =	simm.s32 @!p0 $0x0  }
0x12: {  	s1 =	sld [smem:$0x3F93];
	s0 =	simm.s32 @p0 $0x1  }
0x13: {  	[smem:$0x3FAE] =	sst s0;
	s0 =	simm.s32 @!p1 $0x0  }
0x14: {  	s2 =	sld [smem:$0x3F92];
	s0 =	simm.s32 @p1 $0x1  }
0x15: {  	[smem:$0x3FAF] =	sst s0;
	s0 =	simm.s32 @!p2 $0x0  }
0x16: {  	s3 =	sld [smem:$0x3FDB];
	s0 =	simm.s32 @p2 $0x1  }
0x17: {  	s4 =	simm.s32 $0x1BF5;
	[smem:$0x3FB1] =	sst s0  }
0x18: {  	s0 =	sld [smem:$0x3F94];
	_ =	swait.ge [sflag:s4], $0x0  }
0x19: {  	s7 =	sld [smem:$0x3F95]  }
0x1a: {  	s8 =	sadd.s32 $0xFFFFE003, lr  }
0x1b: {  	s9 =	sadd.s32 $0xFFFFFEF7, lr;
	s5 =	simm.s32 $0xFFFFFFFF;
	p2 =	slt.u32 s8, $0xFFFFF086  }
0x1c: {  	p1 =	slt.u32 s9, $0xF7A;
	s5 =	simm.s32 @!p2 $0x0  }
0x1d: {  	s5 =	simm.s32 @p1 $0x1;
	p0 =	seq.s32 s7, s2  }
0x1e: {  	s7 =	smul.u32 @!p0 $0xF7A, s2;
	p2 =	seq.s32 @!p0 s5, $0x0  }
0x1f: {  	s9 =	smul.u32 $0xF7A, s1;
	s8 =	simm.s32 @!p0 $0x1BF5;
	p2 =	por !p2, p0  }
0x20: {  	[sflag:s8] =	ssyncset.s32 @!p0 $0xFFFFF086;
	s6 =	sadd.s32 @!p0 s3, s7;
	s7 =	simm.s32 @!p0 $0x108  }
0x21: {  	s3 =	sadd.s32 s3, s9;
	s6 =	sadd.s32 @!p0 $0x88, s6;
	s7 =	simm.s32 @p2 $0x1082  }
0x22: {  	[simem:s7], [sflag:s8] =	dma.local @!p0 [hbm:s6], $0xF7A  }
0x23: {  	s9 =	sor.u32 $0xD0000000, s2;
	s6 =	simm.s32 $0x108;
	_ =	swait.ge @!p0 [sflag:s8], $0x0  }
0x24: {  	s3 =	sadd.s32 $0x88, s3;
	s6 =	simm.s32 @!p1 $0x1082;
	[sflag:s4] =	ssyncset.s32 $0xFFFFF086  }
0x25: {  	[simem:s6], [sflag:s4] =	dma.local [hbm:s3], $0xF7A  }
0x26: {  	[smem:$0x3F95] =	sst s1;
	(tag) =	ssettag s2;
	_ =	strace s9  }
0x27: {  	s1 =	sld [smem:$0x3FA5]  }
0x28: {  	s2 =	sld [smem:$0x3FA6]  }
0x29: {  	s4 =	sld [smem:$0x3FA8]  }
0x2a: {  	p0 =	seq.s32 s5, $0x0;
	s5 =	sld [smem:$0x3FA9]  }
0x2b: {  	s6 =	sld [smem:$0x3FAA]  }
0x2c: {  	s7 =	sld [smem:$0x3FAB]  }
0x2d: {  	s3 =	simm.s32 $0x108;
	s8 =	sld [smem:$0x3FAC]  }
0x2e: {  	s3 =	simm.s32 @!p0 $0x1082;
	s9 =	sld [smem:$0x3FAD]  }
0x2f: {  	lr =	sadd.s32 s0, s3;
	s0 =	sld [smem:$0x3FA4]  }
0x30: {  	s3 =	sld [smem:$0x3FA7]  }
0x31: {  	[smem:$0x3FB0] =	sst s10  }
0x32: {  	s10 =	sld [smem:$0x3FAE];
	_ =	sdelay $0x3  }
0x33: {  	p0 =	seq.s32 s10, $0x1;
	s10 =	sld [smem:$0x3FB0];
	_ =	sdelay $0x3  }
0x34: {  	[smem:$0x3FB0] =	sst s10  }
0x35: {  	s10 =	sld [smem:$0x3FAF];
	_ =	sdelay $0x3  }
0x36: {  	p1 =	seq.s32 s10, $0x1;
	s10 =	sld [smem:$0x3FB0];
	_ =	sdelay $0x3  }
0x37: {  	[smem:$0x3FB0] =	sst s10  }
0x38: {  	s10 =	sld [smem:$0x3FB1]  }
0x39: {  	_ = 	snop;
	(pc) =	sbr.ind lr, $3  }
0x3a: {  	_ = 	snop  }
0x3b: {  	_ = 	snop  }
0x3c: {  	p2 =	seq.s32 s10, $0x1;
	s10 =	sld [smem:$0x3FB0]  }
0x3d: {  	_ =	shalt  }
0x3e: {  	_ =	shalt  }
0x3f: {  	_ =	shalt  }
0x40: {  	_ =	shalt  }
0x41: {  	_ =	shalt  }
0x42: {  	_ =	shalt  }
0x43: {  	_ =	shalt  }
0x44: {  	_ =	shalt  }
0x45: {  	_ =	shalt  }
0x46: {  	_ =	shalt  }
0x47: {  	_ =	shalt  }
0x48: {  	_ =	shalt  }
0x49: {  	_ =	shalt  }
0x4a: {  	_ =	shalt  }
0x4b: {  	_ =	shalt  }
0x4c: {  	_ =	shalt  }
0x4d: {  	_ =	shalt  }
0x4e: {  	_ =	shalt  }
0x4f: {  	_ =	shalt  }
0x50: {  	_ =	shalt  }
0x51: {  	_ =	shalt  }
0x52: {  	_ =	shalt  }
0x53: {  	_ =	shalt  }
0x54: {  	_ =	shalt  }
0x55: {  	_ =	shalt  }
0x56: {  	_ =	shalt  }
0x57: {  	_ =	shalt  }
0x58: {  	_ =	shalt  }
0x59: {  	_ =	shalt  }
0x5a: {  	_ =	shalt  }
0x5b: {  	_ =	shalt  }
0x5c: {  	_ =	shalt  }
0x5d: {  	_ =	shalt  }
0x5e: {  	_ =	shalt  }
0x5f: {  	_ =	shalt  }
0x60: {  	_ =	shalt  }
0x61: {  	_ =	shalt  }
0x62: {  	_ =	shalt  }
0x63: {  	_ =	shalt  }
0x64: {  	_ =	shalt  }
0x65: {  	_ =	shalt  }
0x66: {  	_ =	shalt  }
0x67: {  	_ =	shalt  }
0x68: {  	_ =	shalt  }
0x69: {  	_ =	shalt  }
0x6a: {  	_ =	shalt  }
0x6b: {  	_ =	shalt  }
0x6c: {  	_ =	shalt  }
0x6d: {  	_ =	shalt  }
0x6e: {  	_ =	shalt  }
0x6f: {  	_ =	shalt  }
0x70: {  	_ =	shalt  }
0x71: {  	_ =	shalt  }
0x72: {  	_ =	shalt  }
0x73: {  	_ =	shalt  }
0x74: {  	_ =	shalt  }
0x75: {  	_ =	shalt  }
0x76: {  	_ =	shalt  }
0x77: {  	_ =	shalt  }
0x78: {  	_ =	shalt  }
0x79: {  	_ =	shalt  }
0x7a: {  	_ =	shalt  }
0x7b: {  	_ =	shalt  }
0x7c: {  	_ =	shalt  }
0x7d: {  	_ =	shalt  }
0x7e: {  	_ =	shalt  }
0x7f: {  	_ =	shalt  }
0x80: {  	_ =	shalt  }
0x81: {  	_ =	shalt  }
0x82: {  	_ =	shalt  }
0x83: {  	_ =	shalt  }
0x84: {  	_ =	shalt  }
0x85: {  	_ =	shalt  }
0x86: {  	_ =	shalt  }
0x87: {  	_ =	shalt  }
.Lfunc_end0:
.L_simem_size_0:
called_computation.2_lowered:
.L_overlay_start_0:
0x88: {  	s2 =	sld [smem:$0x3FD9]  }
0x89: {  	s3 =	sld [smem:$0x3FFE];
	_ =	sdelay $0x1  }
0x8a: {  	s1 =	srdreg.scid  }
0x8b: {  	s0 =	sand.u32 $0x1, s1  }
0x8c: {  	s17 =	sshll.u32 s0, $0xA;
	s2 =	sadd.s32 s3, s2  }
0x8d: {  	s2 =	sadd.s32 s2, s17  }
0x8e: {  	[smem:$0x3FBC] =	sst s2  }
0x8f: {  	_ = 	snop  }
0x90: {  	s2 =	sld [smem:$0x3FD0];
	(tm) =	ssettm $0x1  }
0x91: {  	s18 =	sld [smem:$0x3FFB];
	_ =	sdelay $0x3  }
0x92: {  	_ =	strace s18  }
0x93: {  	s3 =	sld [smem:$0x3FFC];
	_ =	sdelay $0x3  }
0x94: {  	_ =	strace s3  }
0x95: {  	s3 =	sld [smem:$0x3FFD];
	_ =	sdelay $0x3  }
0x96: {  	_ =	strace s3  }
0x97: {  	_ =	strace $0x8FFFFFFF  }
0x98: {  	s19 =	sld [smem:$0x3FDB];
	_ =	sdelay $0x1  }
0x99: {  	s4 =	simm.s32 $_scs_section_size  }
0x9a: {  	s5 =	simm.s32 $_size__tile_overlayer_lowered;
	s6 =	simm.s32 $_tile_overlayer_lowered  }
0x9b: {  	s22 =	simm.s32 $0x1BFF;
	s21 =	sshll.u32 s6, $0x1;
	s3 =	sadd.s32 s4, s19  }
0x9c: {  	s7 =	simm.s32 $0x0;
	s20 =	sshll.u32 s5, $0x1;
	s5 =	sadd.s32 s21, s3  }
0x9d: {  	[timem:s7], [sflag:s22] =	dma.local [hbm:s5], s20  }
0x9e: {  	_ =	swait.ge [sflag:s22], s20  }
0x9f: {  	s4 =	ssub.s32 $0x0, s20;
	[sflag:s22] =	ssyncset.done $0x0  }
0xa0: {  	[sflag:s22] =	ssyncadd.s32 s4;
	_ =	sdelay $0x1  }
0xa1: {  	s23 =	simm.s32 $0x1B8B  }
0xa2: {  	_ =	swait.ge [sflag:s23], $0x1  }
0xa3: {  	[sflag:s23] =	ssyncset.done $0x0  }
0xa4: {  	s25 =	simm.s32 $0x1B8E;
	s24 =	sld [smem:$0x3FFE];
	[sflag:s23] =	ssyncadd.s32 $0xFFFFFFFF  }
0xa5: {  	s26 =	simm.s32 $execute0_lowered;
	[smem:$0x3FD2] =	sst s25  }
0xa6: {  	s5 =	sshll.u32 s26, $0x1;
	_ =	strace $0x8000004C;
	[dreg:$0x1] =	wrdreg $0xFFFFFFFF  }
0xa7: {  	s28 =	simm.s32 $_size_execute0_lowered;
	s3 =	sadd.s32 s3, s5;
	[dreg:$0x0] =	wrdreg $0x0  }
0xa8: {  	s5 =	sshll.u32 s28, $0x1;
	[dreg:$0x2] =	wrdreg s3  }
0xa9: {  	[dreg:$0x3] =	wrdreg s5  }
0xaa: {  	[dreg:$0x4] =	wrdreg $0xC0  }
0xab: {  	_ =	task [dreg:s7], $0x5FFFF  }
0xac: {  	[dreg:$0x1] =	wrdreg $0xFFFFFFFF  }
0xad: {  	[dreg:$0x0] =	wrdreg $0x60  }
0xae: {  	[dreg:$0x2] =	wrdreg s24  }
0xaf: {  	[dreg:$0x3] =	wrdreg s2  }
0xb0: {  	[dreg:$0x4] =	wrdreg $0x91000  }
0xb1: {  	[dreg:$0x5] =	wrdreg $0x9  }
0xb2: {  	_ =	task.clear_ibuf [dreg:s7], $0x6FFFF;
	_ =	strace $0x9000004C  }
0xb3: {  	s29 =	simm.s32 $0x9;
	_ =	strace $0x8000004E  }
0xb4: {  	_ =	swait.ge [sflag:s29], $0x1  }
0xb5: {  	[sflag:s29] =	ssyncadd.s32 $0xFFFFFFFF  }
0xb6: {  	_ =	strace $0x9000004E  }
0xb7: {  	_ =	sfence  }
0xb8: {  	s30 =	sld [smem:$0x0];
	_ =	sdelay $0x2  }
0xb9: {  	s31 =	sshll.u32 s1, $0xD;
	s1 =	sshrl.u32 s1, $0x2  }
0xba: {  	s3 =	sand.u32 $0x4000, s31;
	s1 =	sadd.s32 s1, s30  }
0xbb: {  	s0 =	sor.u32 s3, s0;
	s1 =	sshll.u32 s1, $0x11  }
0xbc: {  	s0 =	sor.u32 s1, s0  }
0xbd: {  	s0 =	sadd.s32 $0x8F2B, s0  }
0xbe: {  	[sflag:s0] =	ssyncadd.remote.s32 $0x1  }
0xbf: {  	_ =	sfence.sel $0xFFFF  }
0xc0: {  	[dreg:$0x0] =	wrdreg $0xFFFFFFFF;
	(pc) =	sbr.abs _section_cstart, $3  }
0xc1: {  	[dreg:$0x1] =	wrdreg $0xFFFFFFFF  }
0xc2: {  	_ =	task.clear_ibuf [dreg:s7], $0x2FFFF;
	_ =	strace $0x9FFFFFFF  }
0xc3: {  	(tm) =	ssettm $0x7FFFFFFF  }
tec
execute0_lowered:
.L_overlay_start_1:
0x0: {  	(tag) =	ssettag $0x1  }
0x1: {  	s0 =	rddreg [dreg:$0x0]  }
0x2: {  	s4 =	rddreg [dreg:$0x1]  }
0x3: {  	s2 =	srdreg.scid;
	s1 =	rddreg [dreg:$0x2];
	s3 =	simm.s32 $0x0  }
0x4: {  	s26 =	stileid.u32;
	s19 =	simm.s32 $0x8800;
	s20 =	simm.s32 $0x5  }
0x5: {  	s28 =	simm.s32 $0x1;
	s29 =	simm.s32 $0x3;
	s10 =	smul.u32 $0x50000, s26  }
0x6: {  	s30 =	simm.s32 $0x2;
	s31 =	simm.s32 $0x4;
	s18 =	smul.u32 $0x2800, s26  }
0x7: {  	s2 =	sand.u32 $0x1, s2;
	[smem:$0x7FF] =	sst s3;
	s23 =	smul.u32 $0x1400, s26  }
0x8: {  	s7 =	sadd.s32 $0xF400, s0;
	s8 =	sshll.u32 s26, $0x6;
	s5 =	smul.u32 $0x27100, s2  }
0x9: {  	s24 =	sadd.s32 $0x7400, s0;
	_ =	strace $0x8000004D;
	s9 =	smul.u32 $0x28000, s2  }
0xa: {  	[dreg:$0x5] =	wrdreg s8;
	s15 =	sadd.s32 s8, s0;
	s8 =	sadd.s32 $0x1E00, s0  }
0xb: {  	s11 =	smul.u32 $0x14000, s2;
	s12 =	ssub.s32 $0x2, s2;
	[dreg:$0x4] =	wrdreg s7  }
0xc: {  	[dreg:$0x6] =	wrdreg s24;
	s17 =	sshrl.u32 s12, $0x1;
	s10 =	sshrl.u32 s10, $0x2  }
0xd: {  	s22 =	sadd.s32 $0x1A00, s15;
	[dreg:$0x9] =	wrdreg s23;
	s23 =	simm.s32 $0x2000  }
0xe: {  	s15 =	simm.s32 $0x9000;
	s6 =	sadd.s32 s5, s0;
	s13 =	sadd.s32 s9, s0  }
0xf: {  	s0 =	sadd.s32 s11, s0;
	s16 =	ssub.s32 s12, s17;
	s9 =	sadd.s32 s10, s1  }
0x10: {  	s10 =	sshll.u32 s26, $0xB;
	s17 =	smul.u32 $0x28, s26;
	[dreg:$0x8] =	wrdreg s22  }
0x11: {  	s22 =	simm.s32 $0x64;
	s5 =	simm.s32 $0x80;
	s11 =	sadd.s32 $0x17400, s6  }
0x12: {  	s12 =	sadd.s32 $0xB5600, s13;
	s13 =	sadd.s32 $0x65600, s0;
	s14 =	sadd.s32 $0x8D600, s0  }
0x13: {  	s21 =	smax.u32 s16, $0x1;
	s6 =	simm.s32 $0xC00;
	s16 =	simm.s32 $0x0  }
0x14: {  	[dreg:$0x7] =	wrdreg s21;
	s25 =	sadd.s32 s17, s4;
	s21 =	simm.s32 $0x1000  }
0x15: {  	s26 =	sadd.s32 s18, s12;
	s18 =	simm.s32 $0x50;
	[dreg:$0xa] =	wrdreg s25  }
0x16: {  	v0 =	vimm.f32 $0.0e+00;
	[dreg:$0xb] =	wrdreg s26;
	s26 =	simm.s32 $0x5400;
	s25 =	simm.s32 $0x6  }
.LBB2_1:
0x17: {  	[dreg:$0xc] =	wrdreg s16;
	s0 =	simm.s32 $0x0;
	s4 =	simm.s32 $0x0  }
.LBB2_2:
0x18: {  	p0 =	sne.s32 s4, $0x1FC0  }
.Ltmp0:
0x19: {  	_ = 	snop;
	(pc) =	sbr.rel @p0 .LBB2_2-.Ltmp0, $4  }
0x1a: {  	s16 =	sand.u32 $0x1E00, s4  }
0x1b: {  	s17 =	sand.u32 $0x70, s0;
	s16 =	sshrl.u32 s16, $0x2  }
0x1c: {  	s16 =	sor.u32 s17, s16  }
0x1d: {  	s0 =	sadd.s32 $0x10, s0;
	s4 =	sadd.s32 $0x40, s4;
	[tilespmem:s16+$0x8800] =	vst v0  }
0x1e: {  	s0 =	sadd.s32 $0x0, s9  }
0x1f: {  	[spmem:s0] =	stream.linear.scatter [tilespmem:s19], [sflag:$0x5], $0x800, $0x38;
	[tilespmem:$0x1D100] =	vst v63  }
0x20: {  	s0 =	simm.s32 $0x2000;
	_ =	swait.ge [sflag:s20], $0x800  }
.LBB2_4:
0x21: {  	s4 =	sshra.s32 s0, $0x2;
	[sflag:s20] =	ssyncset.done $0x0;
	p0 =	sne.s32 s0, $0x4E000  }
.Ltmp1:
0x22: {  	s4 =	sadd.s32 s4, s9;
	[sflag:s20] =	ssyncadd.s32 $0xFFFFF800;
	(pc) =	sbr.rel @p0 .LBB2_4-.Ltmp1, $3  }
0x23: {  	[spmem:s4] =	stream.linear.scatter [tilespmem:s19], [sflag:$0x5], $0x800, $0x38;
	[tilespmem:$0x1D100] =	vst v63  }
0x24: {  	s0 =	sadd.s32 $0x2000, s0;
	_ =	sdelay $0x1  }
0x25: {  	_ =	swait.ge [sflag:s20], $0x800  }
0x26: {  	[sflag:s20] =	ssyncset.done $0x0  }
0x27: {  	[sflag:s20] =	ssyncadd.s32 $0xFFFFF800  }
0x28: {  	s17 =	simm.s32 $0x0;
	[bflag:$0x0] =	sbarrier.arrive $0xFFFF  }
.LBB2_6:
0x29: {  	s0 =	sshll.u32 s17, $0x9  }
0x2a: {  	s0 =	sadd.s32 s10, s0  }
0x2b: {  	s4 =	sadd.s32 s7, s0  }
0x2c: {  	[tilespmem:s3], [sflag:$0x5] =	stream.linear.gather [hbm4b:s4+s3], $0xC80, $0x38;
	[tilespmem:$0x1D100] =	vst v63  }
0x2d: {  	_ =	swait.ge [sflag:s20], $0xC80  }
0x2e: {  	[sflag:s20] =	ssyncset.done $0x0  }
0x2f: {  	s0 =	sadd.s32 s24, s0;
	[sflag:s20] =	ssyncadd.s32 $0xFFFFF380  }
0x30: {  	[tilespmem:s21], [sflag:$0x5] =	stream.linear.gather [hbm4b:s0+s3], $0xC80, $0x38;
	[tilespmem:$0x1D100] =	vst v63  }
0x31: {  	_ =	swait.ge [sflag:s20], $0xC80  }
0x32: {  	[sflag:s20] =	ssyncset.done $0x0  }
0x33: {  	[sflag:s20] =	ssyncadd.s32 $0xFFFFF380  }
0x34: {  	[tilespmem:s23], [sflag:$0x1] =	stream.indirect.gather [hbm4b:s11+s22], $0x80, s3, s22, $0xb8;
	[tilespmem:$0x1D100] =	vst v63  }
0x35: {  	_ = 	snop  }
0x36: {  	[tilespmem:s26], [sflag:$0x2] =	stream.indirect.gather [hbm4b:s11+s22], $0x80, s5, s22, $0xb8;
	[tilespmem:$0x1D100] =	vst v63  }
0x37: {  	_ =	swait.ge [sflag:s28], $0x3200  }
0x38: {  	[sflag:s28] =	ssyncset.done $0x0  }
0x39: {  	[sflag:s28] =	ssyncadd.s32 $0xFFFFCE00  }
0x3a: {  	[spmem:s1] =	stream.indirect.scatter.add.f32 [tilespmem:s23], [sflag:$0x3], $0x80, s21, s22, $0xb8;
	[tilespmem:$0x1D100] =	vst v63  }
0x3b: {  	_ =	swait.ge [sflag:s29], $0x3200  }
0x3c: {  	[sflag:s29] =	ssyncset.done $0x0  }
0x3d: {  	s16 =	simm.s32 $0x100;
	[sflag:s29] =	ssyncadd.s32 $0xFFFFCE00  }
0x3e: {  	[tilespmem:s23], [sflag:$0x1] =	stream.indirect.gather [hbm4b:s11+s22], $0x80, s16, s22, $0xb8;
	[tilespmem:$0x1D100] =	vst v63  }
0x3f: {  	_ =	swait.ge [sflag:s30], $0x3200  }
0x40: {  	[sflag:s30] =	ssyncset.done $0x0  }
0x41: {  	s4 =	simm.s32 $0x1080;
	[sflag:s30] =	ssyncadd.s32 $0xFFFFCE00  }
0x42: {  	[spmem:s1] =	stream.indirect.scatter.add.f32 [tilespmem:s26], [sflag:$0x4], $0x80, s4, s22, $0xb8;
	[tilespmem:$0x1D100] =	vst v63  }
0x43: {  	_ =	swait.ge [sflag:s31], $0x3200  }
0x44: {  	[sflag:s31] =	ssyncset.done $0x0  }
0x45: {  	s16 =	simm.s32 $0x180;
	[sflag:s31] =	ssyncadd.s32 $0xFFFFCE00  }
0x46: {  	[tilespmem:s26], [sflag:$0x2] =	stream.indirect.gather [hbm4b:s11+s22], $0x80, s16, s22, $0xb8;
	[tilespmem:$0x1D100] =	vst v63  }
0x47: {  	_ =	swait.ge [sflag:s28], $0x3200  }
0x48: {  	[sflag:s28] =	ssyncset.done $0x0  }
0x49: {  	s0 =	simm.s32 $0xFFFFD800;
	s4 =	simm.s32 $0x1100;
	[sflag:s28] =	ssyncadd.s32 $0xFFFFCE00  }
.LBB2_7:
0x4a: {  	[spmem:s1] =	stream.indirect.scatter.add.f32 [tilespmem:s23], [sflag:$0x3], $0x80, s4, s22, $0xb8;
	[tilespmem:$0x1D100] =	vst v63  }
0x4b: {  	s4 =	smov.u32 s0  }
0x4c: {  	p0 =	sne.s32 s0, $0xFFFFFC00;
	s0 =	sadd.s32 $0x400, s0;
	_ =	swait.ge [sflag:s29], $0x3200  }
0x4d: {  	s4 =	sshra.s32 s4, $0x2;
	[sflag:s29] =	ssyncset.done $0x0  }
0x4e: {  	s16 =	sadd.s32 $0xC00, s4;
	[sflag:s29] =	ssyncadd.s32 $0xFFFFCE00  }
0x4f: {  	[tilespmem:s23], [sflag:$0x1] =	stream.indirect.gather [hbm4b:s11+s22], $0x80, s16, s22, $0xb8;
	[tilespmem:$0x1D100] =	vst v63  }
0x50: {  	_ =	swait.ge [sflag:s30], $0x3200  }
0x51: {  	[sflag:s30] =	ssyncset.done $0x0  }
0x52: {  	s16 =	sadd.s32 $0x1B80, s4;
	[sflag:s30] =	ssyncadd.s32 $0xFFFFCE00  }
0x53: {  	[spmem:s1] =	stream.indirect.scatter.add.f32 [tilespmem:s26], [sflag:$0x4], $0x80, s16, s22, $0xb8;
	[tilespmem:$0x1D100] =	vst v63  }
0x54: {  	_ =	swait.ge [sflag:s31], $0x3200  }
0x55: {  	[sflag:s31] =	ssyncset.done $0x0  }
.Ltmp2:
0x56: {  	s16 =	sadd.s32 $0xC80, s4;
	[sflag:s31] =	ssyncadd.s32 $0xFFFFCE00;
	(pc) =	sbr.rel @p0 .LBB2_7-.Ltmp2, $4  }
0x57: {  	[tilespmem:s26], [sflag:$0x2] =	stream.indirect.gather [hbm4b:s11+s22], $0x80, s16, s22, $0xb8;
	[tilespmem:$0x1D100] =	vst v63  }
0x58: {  	_ =	swait.ge [sflag:s28], $0x3200  }
0x59: {  	[sflag:s28] =	ssyncset.done $0x0  }
0x5a: {  	s4 =	sadd.s32 $0x1C00, s4;
	[sflag:s28] =	ssyncadd.s32 $0xFFFFCE00  }
0x5b: {  	[spmem:s1] =	stream.indirect.scatter.add.f32 [tilespmem:s23], [sflag:$0x3], $0x80, s4, s22, $0xb8;
	[tilespmem:$0x1D100] =	vst v63  }
0x5c: {  	_ =	swait.ge [sflag:s29], $0x3200  }
0x5d: {  	[sflag:s29] =	ssyncset.done $0x0  }
0x5e: {  	[sflag:s29] =	ssyncadd.s32 $0xFFFFCE00  }
0x5f: {  	[tilespmem:s23], [sflag:$0x1] =	stream.indirect.gather [hbm4b:s11+s22], $0x80, s6, s22, $0xb8;
	[tilespmem:$0x1D100] =	vst v63  }
0x60: {  	_ =	swait.ge [sflag:s30], $0x3200  }
0x61: {  	[sflag:s30] =	ssyncset.done $0x0  }
0x62: {  	s0 =	simm.s32 $0x1B80;
	[sflag:s30] =	ssyncadd.s32 $0xFFFFCE00  }
0x63: {  	[spmem:s1] =	stream.indirect.scatter.add.f32 [tilespmem:s26], [sflag:$0x4], $0x80, s0, s22, $0xb8;
	[tilespmem:$0x1D100] =	vst v63  }
0x64: {  	_ =	swait.ge [sflag:s28], $0x3200  }
0x65: {  	[sflag:s28] =	ssyncset.done $0x0  }
0x66: {  	s16 =	simm.s32 $0x1C00;
	s17 =	sadd.s32 $0x1, s17;
	[sflag:s28] =	ssyncadd.s32 $0xFFFFCE00  }
0x67: {  	[spmem:s1] =	stream.indirect.scatter.add.f32 [tilespmem:s23], [sflag:$0x3], $0x80, s16, s22, $0xb8;
	[tilespmem:$0x1D100] =	vst v63  }
0x68: {  	p0 =	sne.s32 s17, $0x4;
	_ =	swait.ge [sflag:s31], $0x3200  }
.Ltmp3:
0x69: {  	[sflag:s31] =	ssyncset.done $0x0;
	(pc) =	sbr.rel @p0 .LBB2_6-.Ltmp3, $4  }
0x6a: {  	[sflag:s31] =	ssyncadd.s32 $0xFFFFCE00  }
0x6b: {  	_ =	swait.ge [sflag:s29], $0x3200  }
0x6c: {  	[sflag:s29] =	ssyncset.done $0x0  }
0x6d: {  	[sflag:s29] =	ssyncadd.s32 $0xFFFFCE00  }
0x6e: {  	[bflag:$0x0] =	sbarrier.arrive $0xFFFF  }
0x6f: {  	s0 =	rddreg [dreg:$0x5]  }
0x70: {  	s4 =	sshrl.u32 s9, $0x3;
	s5 =	rddreg [dreg:$0xb];
	s0 =	sor.u32 $0x1C05, s0  }
0x71: {  	[hbm:s5], [sflag:s0] =	dma.local [spmem:s4], $0x2800  }
0x72: {  	_ =	swait.ge [sflag:s20], $0x2800  }
0x73: {  	[sflag:s20] =	ssyncset.done $0x0  }
0x74: {  	[sflag:s20] =	ssyncadd.s32 $0xFFFFD800  }
0x75: {  	[bflag:$0x0] =	sbarrier.arrive $0xFFFF  }
0x76: {  	s5 =	rddreg [dreg:$0x8]  }
0x77: {  	[tilespmem:s15], [sflag:$0x6] =	stream.linear.gather [hbm4b:s5+s3], $0x80, $0x38;
	[tilespmem:$0x1D100] =	vst v63  }
0x78: {  	_ =	swait.ge [sflag:s25], $0x80  }
0x79: {  	[sflag:s25] =	ssyncset.done $0x0  }
0x7a: {  	[sflag:s25] =	ssyncadd.s32 $0xFFFFFF80  }
0x7b: {  	[tilespmem:s23], [sflag:$0x1] =	stream.indirect.gather [hbm4b:s12+s18], $0x80, s15, s18, $0xb8;
	[tilespmem:$0x1D100] =	vst v63  }
0x7c: {  	_ =	swait.ge [sflag:s28], $0x2800  }
0x7d: {  	[sflag:s28] =	ssyncset.done $0x0;
	s6 =	rddreg [dreg:$0x9]  }
0x7e: {  	s16 =	sadd.s32 s6, s13;
	[sflag:s28] =	ssyncadd.s32 $0xFFFFD800  }
0x7f: {  	[hbm4b:s16+s3] =	stream.linear.scatter [tilespmem:s23], [sflag:$0x6], $0x2800, $0x38;
	[tilespmem:$0x1D100] =	vst v63  }
0x80: {  	_ =	swait.ge [sflag:s25], $0x2800  }
0x81: {  	[sflag:s25] =	ssyncset.done $0x0  }
0x82: {  	[sflag:s25] =	ssyncadd.s32 $0xFFFFD800  }
0x83: {  	[tilespmem:s23], [sflag:$0x1] =	stream.indirect.gather [hbm4b:s11+s18], $0x80, s15, s18, $0xb8;
	[tilespmem:$0x1D100] =	vst v63  }
0x84: {  	_ =	swait.ge [sflag:s28], $0x2800  }
0x85: {  	s17 =	simm.s32 $0x0;
	[sflag:s28] =	ssyncset.done $0x0  }
0x86: {  	s0 =	sand.u32 $0x1, s17;
	s24 =	sadd.s32 s6, s14;
	[sflag:s28] =	ssyncadd.s32 $0xFFFFD800  }
0x87: {  	[hbm4b:s24+s3] =	stream.linear.scatter [tilespmem:s23], [sflag:$0x6], $0x2800, $0x38;
	[tilespmem:$0x1D100] =	vst v63  }
0x88: {  	p1 =	sne.s32 s2, s0;
	_ =	swait.ge [sflag:s25], $0x2800  }
0x89: {  	s0 =	simm.s32 @!p1 $0x50;
	s4 =	simm.s32 @!p1 $0x9000;
	[sflag:s25] =	ssyncset.done $0x0  }
0x8a: {  	s17 =	simm.s32 @!p1 $0x2;
	s16 =	simm.s32 @!p1 $0x9080;
	[sflag:s25] =	ssyncadd.s32 $0xFFFFD800  }
0x8b: {  	[tilespmem:s16], [sflag:$0x2] =	stream.indirect.gather @!p1 [hbm4b:s8+s0], $0x1, s4, s0, $0xb8;
	[tilespmem:$0x1D100] =	vst v63  }
0x8c: {  	s0 =	simm.s32 @!p1 $0x0;
	_ =	swait.ge @!p1 [sflag:s17], $0x50  }
0x8d: {  	s4 =	simm.s32 @!p1 $0x5;
	[sflag:s17] =	ssyncset.done @!p1 $0x0;
	s7 =	rddreg [dreg:$0xa]  }
0x8e: {  	[sflag:s17] =	ssyncadd.s32 @!p1 $0xFFFFFFB0;
	s17 =	simm.s32 $0x1;
	s24 =	sadd.s32 $0xA, s7  }
0x8f: {  	[hbm4b:s7+s0] =	stream.linear.scatter @!p1 [tilespmem:s16], [sflag:$0x5], $0x50, $0x38;
	[tilespmem:$0x1D100] =	vst v63  }
0x90: {  	s16 =	sadd.s32 $0x500, s6;
	s0 =	smov.u32 s5;
	_ =	swait.ge @!p1 [sflag:s4], $0x50  }
.LBB2_10:
0x91: {  	[sflag:s4] =	ssyncset.done @!p1 $0x0  }
0x92: {  	s0 =	sadd.s32 $0x10, s0;
	s6 =	smov.u32 s17;
	s17 =	sadd.s32 $0x1, s17  }
0x93: {  	p0 =	sne.s32 s17, $0x4;
	[sflag:s4] =	ssyncadd.s32 @!p1 $0xFFFFFFB0  }
0x94: {  	[tilespmem:s15], [sflag:$0x6] =	stream.linear.gather [hbm4b:s0+s3], $0x80, $0x38;
	[tilespmem:$0x1D100] =	vst v63  }
0x95: {  	_ =	swait.ge [sflag:s25], $0x80  }
0x96: {  	[sflag:s25] =	ssyncset.done $0x0  }
0x97: {  	[sflag:s25] =	ssyncadd.s32 $0xFFFFFF80  }
0x98: {  	[tilespmem:s23], [sflag:$0x1] =	stream.indirect.gather [hbm4b:s12+s18], $0x80, s15, s18, $0xb8;
	[tilespmem:$0x1D100] =	vst v63  }
0x99: {  	_ =	swait.ge [sflag:s28], $0x2800  }
0x9a: {  	s4 =	sadd.s32 s16, s13;
	[sflag:s28] =	ssyncset.done $0x0  }
0x9b: {  	[sflag:s28] =	ssyncadd.s32 $0xFFFFD800  }
0x9c: {  	[hbm4b:s4+s3] =	stream.linear.scatter [tilespmem:s23], [sflag:$0x6], $0x2800, $0x38;
	[tilespmem:$0x1D100] =	vst v63  }
0x9d: {  	_ =	swait.ge [sflag:s25], $0x2800  }
0x9e: {  	[sflag:s25] =	ssyncset.done $0x0  }
0x9f: {  	[sflag:s25] =	ssyncadd.s32 $0xFFFFD800  }
0xa0: {  	[tilespmem:s23], [sflag:$0x1] =	stream.indirect.gather [hbm4b:s11+s18], $0x80, s15, s18, $0xb8;
	[tilespmem:$0x1D100] =	vst v63  }
0xa1: {  	_ =	swait.ge [sflag:s28], $0x2800  }
0xa2: {  	s4 =	sadd.s32 s16, s14;
	[sflag:s28] =	ssyncset.done $0x0  }
0xa3: {  	s6 =	sand.u32 $0x1, s6;
	[sflag:s28] =	ssyncadd.s32 $0xFFFFD800  }
0xa4: {  	[hbm4b:s4+s3] =	stream.linear.scatter [tilespmem:s23], [sflag:$0x6], $0x2800, $0x38;
	[tilespmem:$0x1D100] =	vst v63  }
0xa5: {  	p1 =	sne.s32 s2, s6;
	_ =	swait.ge [sflag:s25], $0x2800  }
0xa6: {  	s6 =	simm.s32 @!p1 $0x9000;
	s4 =	simm.s32 @!p1 $0x50;
	[sflag:s25] =	ssyncset.done $0x0  }
0xa7: {  	s5 =	simm.s32 @!p1 $0x9080;
	s7 =	simm.s32 @!p1 $0x2;
	[sflag:s25] =	ssyncadd.s32 $0xFFFFD800  }
0xa8: {  	[tilespmem:s5], [sflag:$0x2] =	stream.indirect.gather @!p1 [hbm4b:s8+s4], $0x1, s6, s4, $0xb8;
	[tilespmem:$0x1D100] =	vst v63  }
.Ltmp4:
0xa9: {  	_ =	swait.ge @!p1 [sflag:s7], $0x50;
	(pc) =	sbr.rel @p0 .LBB2_10-.Ltmp4, $4  }
0xaa: {  	s6 =	simm.s32 @!p1 $0x0;
	[sflag:s7] =	ssyncset.done @!p1 $0x0  }
0xab: {  	s4 =	simm.s32 @!p1 $0x5;
	[sflag:s7] =	ssyncadd.s32 @!p1 $0xFFFFFFB0  }
0xac: {  	[hbm4b:s24+s6] =	stream.linear.scatter @!p1 [tilespmem:s5], [sflag:$0x5], $0x50, $0x38;
	[tilespmem:$0x1D100] =	vst v63  }
0xad: {  	s16 =	sadd.s32 $0x500, s16;
	s24 =	sadd.s32 $0xA, s24;
	_ =	swait.ge @!p1 [sflag:s4], $0x50  }
0xae: {  	s16 =	rddreg [dreg:$0xc]  }
0xaf: {  	s0 =	rddreg [dreg:$0x7];
	s16 =	sadd.s32 $0x1, s16  }
0xb0: {  	p0 =	sne.s32 s16, s0  }
.Ltmp5:
0xb1: {  	_ = 	snop;
	(pc) =	sbr.rel @p0 .LBB2_1-.Ltmp5, $4  }
0xb2: {  	_ = 	snop  }
0xb3: {  	s7 =	rddreg [dreg:$0x4]  }
0xb4: {  	[sflag:s4] =	ssyncset.done @!p1 $0x0;
	s24 =	rddreg [dreg:$0x6]  }
0xb5: {  	s5 =	simm.s32 $0x80;
	s6 =	simm.s32 $0xC00;
	[sflag:s4] =	ssyncadd.s32 @!p1 $0xFFFFFFB0  }
0xb6: {  	_ =	sfence.sel $0x180000  }
0xb7: {  	[bflag:$0x0] =	sbarrier.arrive $0xFFFF  }
0xb8: {  	_ =	strace $0x9000004D  }
0xb9: {  	s0 =	stileid.u32;
	[bflag:$0x2] =	sbarrier.arrive $0xFFFF  }
0xba: {  	p0 =	sne.s32 s0, $0x0;
	s0 =	rddreg [dreg:$0x3]  }
0xbb: {  	s0 =	sadd.s32 @!p0 $0x100000, s0  }
0xbc: {  	[sflag:s0] =	ssyncadd.tile.s32 @!p0 $0x1;
	_ =	shalt  }
.Lfunc_end2:
_tile_overlayer_lowered:
.L_overlay_start_2:
0xbd: {  	(tag) =	ssettag $0x2  }
0xbe: {  	s0 =	rddreg [dreg:$0x0];
	s2 =	stileid.u32  }
0xbf: {  	s1 =	rddreg [dreg:$0x1];
	p0 =	sne.s32 s2, $0x0  }
0xc0: {  	s3 =	rddreg [dreg:$0x2];
	[bflag:$0x3] =	sbarrier.arrive $0xFFFF;
	s2 =	simm.s32 @!p0 $0x1C05  }
0xc1: {  	[timem:s3], [sflag:s2] =	dma.local @!p0 [hbm:s0], s1  }
0xc2: {  	s0 =	simm.s32 @!p0 $0x5  }
0xc3: {  	_ =	swait.ge @!p0 [sflag:s0], s1  }
0xc4: {  	s1 =	ssub.s32 @!p0 $0x0, s1;
	[sflag:s0] =	ssyncset.done @!p0 $0x0  }
0xc5: {  	[sflag:s0] =	ssyncadd.s32 @!p0 s1  }
0xc6: {  	[bflag:$0x3] =	sbarrier.arrive $0xFFFF  }
0xc7: {  	_ =	shalt  }

// kernel: kernel.8.cloned.1.call-start
scs
__scs_entry_jumppad:
0x0: {  	(pc) =	sbr.rel $0x88, $3  }
0x1: {  	(tag) =	ssettag $0x0;
	lr =	simm.s32 $0x1  }
0x2: {  	[smem:$0x3F95] =	sst lr;
	_ =	strace $0xD0000000  }
0x3: {  	_ = 	snop  }
0x4: {  	_ = 	snop  }
0x5: {  	_ = 	snop  }
0x6: {  	_ = 	snop  }
0x7: {  	_ = 	snop  }
__scs_overlays_trampoline_lowered:
0x8: {  	[smem:$0x3FA4] =	sst s0  }
0x9: {  	[smem:$0x3FA5] =	sst s1  }
0xa: {  	[smem:$0x3FA6] =	sst s2  }
0xb: {  	[smem:$0x3FA7] =	sst s3  }
0xc: {  	[smem:$0x3FA8] =	sst s4  }
0xd: {  	[smem:$0x3FA9] =	sst s5  }
0xe: {  	[smem:$0x3FAA] =	sst s6  }
0xf: {  	[smem:$0x3FAB] =	sst s7  }
0x10: {  	[smem:$0x3FAC] =	sst s8  }
0x11: {  	[smem:$0x3FAD] =	sst s9;
	s0 =	simm.s32 @!p0 $0x0  }
0x12: {  	s1 =	sld [smem:$0x3F93];
	s0 =	simm.s32 @p0 $0x1  }
0x13: {  	[smem:$0x3FAE] =	sst s0;
	s0 =	simm.s32 @!p1 $0x0  }
0x14: {  	s2 =	sld [smem:$0x3F92];
	s0 =	simm.s32 @p1 $0x1  }
0x15: {  	[smem:$0x3FAF] =	sst s0;
	s0 =	simm.s32 @!p2 $0x0  }
0x16: {  	s3 =	sld [smem:$0x3FDB];
	s0 =	simm.s32 @p2 $0x1  }
0x17: {  	s4 =	simm.s32 $0x1BF5;
	[smem:$0x3FB1] =	sst s0  }
0x18: {  	s0 =	sld [smem:$0x3F94];
	_ =	swait.ge [sflag:s4], $0x0  }
0x19: {  	s7 =	sld [smem:$0x3F95]  }
0x1a: {  	s8 =	sadd.s32 $0xFFFFE003, lr  }
0x1b: {  	s9 =	sadd.s32 $0xFFFFFEF7, lr;
	s5 =	simm.s32 $0xFFFFFFFF;
	p2 =	slt.u32 s8, $0xFFFFF086  }
0x1c: {  	p1 =	slt.u32 s9, $0xF7A;
	s5 =	simm.s32 @!p2 $0x0  }
0x1d: {  	s5 =	simm.s32 @p1 $0x1;
	p0 =	seq.s32 s7, s2  }
0x1e: {  	s7 =	smul.u32 @!p0 $0xF7A, s2;
	p2 =	seq.s32 @!p0 s5, $0x0  }
0x1f: {  	s9 =	smul.u32 $0xF7A, s1;
	s8 =	simm.s32 @!p0 $0x1BF5;
	p2 =	por !p2, p0  }
0x20: {  	[sflag:s8] =	ssyncset.s32 @!p0 $0xFFFFF086;
	s6 =	sadd.s32 @!p0 s3, s7;
	s7 =	simm.s32 @!p0 $0x108  }
0x21: {  	s3 =	sadd.s32 s3, s9;
	s6 =	sadd.s32 @!p0 $0x88, s6;
	s7 =	simm.s32 @p2 $0x1082  }
0x22: {  	[simem:s7], [sflag:s8] =	dma.local @!p0 [hbm:s6], $0xF7A  }
0x23: {  	s9 =	sor.u32 $0xD0000000, s2;
	s6 =	simm.s32 $0x108;
	_ =	swait.ge @!p0 [sflag:s8], $0x0  }
0x24: {  	s3 =	sadd.s32 $0x88, s3;
	s6 =	simm.s32 @!p1 $0x1082;
	[sflag:s4] =	ssyncset.s32 $0xFFFFF086  }
0x25: {  	[simem:s6], [sflag:s4] =	dma.local [hbm:s3], $0xF7A  }
0x26: {  	[smem:$0x3F95] =	sst s1;
	(tag) =	ssettag s2;
	_ =	strace s9  }
0x27: {  	s1 =	sld [smem:$0x3FA5]  }
0x28: {  	s2 =	sld [smem:$0x3FA6]  }
0x29: {  	s4 =	sld [smem:$0x3FA8]  }
0x2a: {  	p0 =	seq.s32 s5, $0x0;
	s5 =	sld [smem:$0x3FA9]  }
0x2b: {  	s6 =	sld [smem:$0x3FAA]  }
0x2c: {  	s7 =	sld [smem:$0x3FAB]  }
0x2d: {  	s3 =	simm.s32 $0x108;
	s8 =	sld [smem:$0x3FAC]  }
0x2e: {  	s3 =	simm.s32 @!p0 $0x1082;
	s9 =	sld [smem:$0x3FAD]  }
0x2f: {  	lr =	sadd.s32 s0, s3;
	s0 =	sld [smem:$0x3FA4]  }
0x30: {  	s3 =	sld [smem:$0x3FA7]  }
0x31: {  	[smem:$0x3FB0] =	sst s10  }
0x32: {  	s10 =	sld [smem:$0x3FAE];
	_ =	sdelay $0x3  }
0x33: {  	p0 =	seq.s32 s10, $0x1;
	s10 =	sld [smem:$0x3FB0];
	_ =	sdelay $0x3  }
0x34: {  	[smem:$0x3FB0] =	sst s10  }
0x35: {  	s10 =	sld [smem:$0x3FAF];
	_ =	sdelay $0x3  }
0x36: {  	p1 =	seq.s32 s10, $0x1;
	s10 =	sld [smem:$0x3FB0];
	_ =	sdelay $0x3  }
0x37: {  	[smem:$0x3FB0] =	sst s10  }
0x38: {  	s10 =	sld [smem:$0x3FB1]  }
0x39: {  	_ = 	snop;
	(pc) =	sbr.ind lr, $3  }
0x3a: {  	_ = 	snop  }
0x3b: {  	_ = 	snop  }
0x3c: {  	p2 =	seq.s32 s10, $0x1;
	s10 =	sld [smem:$0x3FB0]  }
0x3d: {  	_ =	shalt  }
0x3e: {  	_ =	shalt  }
0x3f: {  	_ =	shalt  }
0x40: {  	_ =	shalt  }
0x41: {  	_ =	shalt  }
0x42: {  	_ =	shalt  }
0x43: {  	_ =	shalt  }
0x44: {  	_ =	shalt  }
0x45: {  	_ =	shalt  }
0x46: {  	_ =	shalt  }
0x47: {  	_ =	shalt  }
0x48: {  	_ =	shalt  }
0x49: {  	_ =	shalt  }
0x4a: {  	_ =	shalt  }
0x4b: {  	_ =	shalt  }
0x4c: {  	_ =	shalt  }
0x4d: {  	_ =	shalt  }
0x4e: {  	_ =	shalt  }
0x4f: {  	_ =	shalt  }
0x50: {  	_ =	shalt  }
0x51: {  	_ =	shalt  }
0x52: {  	_ =	shalt  }
0x53: {  	_ =	shalt  }
0x54: {  	_ =	shalt  }
0x55: {  	_ =	shalt  }
0x56: {  	_ =	shalt  }
0x57: {  	_ =	shalt  }
0x58: {  	_ =	shalt  }
0x59: {  	_ =	shalt  }
0x5a: {  	_ =	shalt  }
0x5b: {  	_ =	shalt  }
0x5c: {  	_ =	shalt  }
0x5d: {  	_ =	shalt  }
0x5e: {  	_ =	shalt  }
0x5f: {  	_ =	shalt  }
0x60: {  	_ =	shalt  }
0x61: {  	_ =	shalt  }
0x62: {  	_ =	shalt  }
0x63: {  	_ =	shalt  }
0x64: {  	_ =	shalt  }
0x65: {  	_ =	shalt  }
0x66: {  	_ =	shalt  }
0x67: {  	_ =	shalt  }
0x68: {  	_ =	shalt  }
0x69: {  	_ =	shalt  }
0x6a: {  	_ =	shalt  }
0x6b: {  	_ =	shalt  }
0x6c: {  	_ =	shalt  }
0x6d: {  	_ =	shalt  }
0x6e: {  	_ =	shalt  }
0x6f: {  	_ =	shalt  }
0x70: {  	_ =	shalt  }
0x71: {  	_ =	shalt  }
0x72: {  	_ =	shalt  }
0x73: {  	_ =	shalt  }
0x74: {  	_ =	shalt  }
0x75: {  	_ =	shalt  }
0x76: {  	_ =	shalt  }
0x77: {  	_ =	shalt  }
0x78: {  	_ =	shalt  }
0x79: {  	_ =	shalt  }
0x7a: {  	_ =	shalt  }
0x7b: {  	_ =	shalt  }
0x7c: {  	_ =	shalt  }
0x7d: {  	_ =	shalt  }
0x7e: {  	_ =	shalt  }
0x7f: {  	_ =	shalt  }
0x80: {  	_ =	shalt  }
0x81: {  	_ =	shalt  }
0x82: {  	_ =	shalt  }
0x83: {  	_ =	shalt  }
0x84: {  	_ =	shalt  }
0x85: {  	_ =	shalt  }
0x86: {  	_ =	shalt  }
0x87: {  	_ =	shalt  }
.Lfunc_end0:
.L_simem_size_0:
called_computation_lowered:
.L_overlay_start_0:
0x88: {  	s2 =	sld [smem:$0x3FD9]  }
0x89: {  	s3 =	sld [smem:$0x3FFE];
	_ =	sdelay $0x1  }
0x8a: {  	s1 =	srdreg.scid  }
0x8b: {  	s0 =	sand.u32 $0x1, s1  }
0x8c: {  	s16 =	sshll.u32 s0, $0xA;
	s2 =	sadd.s32 s3, s2  }
0x8d: {  	s2 =	sadd.s32 s2, s16  }
0x8e: {  	[smem:$0x3FBC] =	sst s2  }
0x8f: {  	_ = 	snop  }
0x90: {  	(tm) =	ssettm $0x1  }
0x91: {  	s17 =	sld [smem:$0x3FFB];
	_ =	sdelay $0x3  }
0x92: {  	_ =	strace s17  }
0x93: {  	s2 =	sld [smem:$0x3FFC];
	_ =	sdelay $0x3  }
0x94: {  	_ =	strace s2  }
0x95: {  	s2 =	sld [smem:$0x3FFD];
	_ =	sdelay $0x3  }
0x96: {  	_ =	strace s2  }
0x97: {  	_ =	strace $0x8FFFFFFF  }
0x98: {  	s18 =	sld [smem:$0x3FDB];
	_ =	sdelay $0x1  }
0x99: {  	s19 =	simm.s32 $_scs_section_size  }
0x9a: {  	s4 =	simm.s32 $_size__tile_overlayer_lowered;
	s5 =	simm.s32 $_tile_overlayer_lowered  }
0x9b: {  	s22 =	simm.s32 $0x1BFF;
	s21 =	sshll.u32 s5, $0x1;
	s2 =	sadd.s32 s19, s18  }
0x9c: {  	s6 =	simm.s32 $0x0;
	s20 =	sshll.u32 s4, $0x1;
	s4 =	sadd.s32 s21, s2  }
0x9d: {  	[timem:s6], [sflag:s22] =	dma.local [hbm:s4], s20  }
0x9e: {  	_ =	swait.ge [sflag:s22], s20  }
0x9f: {  	s3 =	ssub.s32 $0x0, s20;
	[sflag:s22] =	ssyncset.done $0x0  }
0xa0: {  	[sflag:s22] =	ssyncadd.s32 s3;
	_ =	sdelay $0x1  }
0xa1: {  	s23 =	simm.s32 $0x1B8B  }
0xa2: {  	_ =	swait.ge [sflag:s23], $0x1  }
0xa3: {  	[sflag:s23] =	ssyncset.done $0x0  }
0xa4: {  	s25 =	simm.s32 $0x1B8E;
	s24 =	sld [smem:$0x3FFE];
	[sflag:s23] =	ssyncadd.s32 $0xFFFFFFFF  }
0xa5: {  	s26 =	simm.s32 $execute0_lowered;
	[smem:$0x3FD2] =	sst s25  }
0xa6: {  	s4 =	sshll.u32 s26, $0x1;
	_ =	strace $0x80000046;
	[dreg:$0x1] =	wrdreg $0xFFFFFFFF  }
0xa7: {  	s28 =	simm.s32 $_size_execute0_lowered;
	s2 =	sadd.s32 s2, s4;
	[dreg:$0x0] =	wrdreg $0x0  }
0xa8: {  	s4 =	sshll.u32 s28, $0x1;
	[dreg:$0x2] =	wrdreg s2  }
0xa9: {  	[dreg:$0x3] =	wrdreg s4  }
0xaa: {  	[dreg:$0x4] =	wrdreg $0xC0  }
0xab: {  	_ =	task [dreg:s6], $0x5FFFF  }
0xac: {  	[dreg:$0x1] =	wrdreg $0xFFFFFFFF  }
0xad: {  	[dreg:$0x0] =	wrdreg $0x60  }
0xae: {  	[dreg:$0x2] =	wrdreg s24  }
0xaf: {  	[dreg:$0x3] =	wrdreg $0x17000  }
0xb0: {  	[dreg:$0x4] =	wrdreg $0x9  }
0xb1: {  	_ =	task.clear_ibuf [dreg:s6], $0x5FFFF;
	_ =	strace $0x90000046  }
0xb2: {  	s29 =	simm.s32 $0x9;
	_ =	strace $0x80000048  }
0xb3: {  	_ =	swait.ge [sflag:s29], $0x1  }
0xb4: {  	[sflag:s29] =	ssyncadd.s32 $0xFFFFFFFF  }
0xb5: {  	_ =	strace $0x90000048  }
0xb6: {  	_ =	sfence  }
0xb7: {  	s30 =	sld [smem:$0x0];
	_ =	sdelay $0x2  }
0xb8: {  	s31 =	sshll.u32 s1, $0xD;
	s1 =	sshrl.u32 s1, $0x2  }
0xb9: {  	s3 =	sand.u32 $0x4000, s31;
	s1 =	sadd.s32 s1, s30  }
0xba: {  	s0 =	sor.u32 s3, s0;
	s1 =	sshll.u32 s1, $0x11  }
0xbb: {  	s0 =	sor.u32 s1, s0  }
0xbc: {  	s0 =	sadd.s32 $0x8F2B, s0  }
0xbd: {  	[sflag:s0] =	ssyncadd.remote.s32 $0x1  }
0xbe: {  	_ =	sfence.sel $0xFFFF  }
0xbf: {  	[dreg:$0x0] =	wrdreg $0xFFFFFFFF;
	(pc) =	sbr.abs _section_cstart, $3  }
0xc0: {  	[dreg:$0x1] =	wrdreg $0xFFFFFFFF  }
0xc1: {  	_ =	task.clear_ibuf [dreg:s6], $0x2FFFF;
	_ =	strace $0x9FFFFFFF  }
0xc2: {  	(tm) =	ssettm $0x7FFFFFFF  }
0xc3: {  	_ =	shalt  }
tec
execute0_lowered:
.L_overlay_start_1:
0x0: {  	(tag) =	ssettag $0x1  }
0x1: {  	s4 =	rddreg [dreg:$0x0];
	s0 =	srdreg.scid  }
0x2: {  	s2 =	rddreg [dreg:$0x1];
	s1 =	stileid.u32;
	s3 =	simm.s32 $0x0  }
0x3: {  	s10 =	simm.s32 $0x7D;
	s11 =	simm.s32 $0x1400;
	s7 =	smul.u32 $0x1400, s1  }
0x4: {  	s12 =	simm.s32 $0x80;
	s13 =	simm.s32 $0x100;
	s8 =	smul.u32 $0x500, s1  }
0x5: {  	s5 =	sand.u32 $0x1, s0;
	s0 =	rddreg [dreg:$0x2];
	s30 =	smul.u32 $0xA00, s1  }
0x6: {  	s14 =	simm.s32 $0x0;
	[smem:$0x7FF] =	sst s3;
	s6 =	smul.u32 $0x14000, s5  }
0x7: {  	_ =	strace $0x80000047;
	s29 =	sshll.u32 s5, $0x7;
	s5 =	ssub.s32 $0x2, s5  }
0x8: {  	s31 =	sshrl.u32 s5, $0x1;
	s6 =	sadd.s32 s7, s6;
	s7 =	sor.u32 s29, s8  }
0x9: {  	s8 =	sshrl.u32 s30, $0x2;
	s6 =	sshrl.u32 s6, $0x3;
	s7 =	sshrl.u32 s7, $0x3  }
0xa: {  	s9 =	ssub.s32 s5, s31;
	s6 =	sadd.s32 s6, s4;
	s7 =	sadd.s32 s7, s4  }
0xb: {  	s4 =	sadd.s32 s8, s2;
	s8 =	simm.s32 $0x1480;
	s5 =	sadd.s32 $0x1A00, s6  }
0xc: {  	v0 =	vimm.f32 $0.0e+00;
	v1 =	vimm.f32 $1.000000000e+00;
	s6 =	sadd.s32 $0x6A00, s7;
	s7 =	smax.u32 s9, $0x1;
	s9 =	simm.s32 $0x1  }
.LBB2_1:
0xd: {  	[tilespmem:$0x1480] =	vst v0  }
0xe: {  	[tilespmem:$0x1490] =	vst v0  }
0xf: {  	[tilespmem:$0x14A0] =	vst v0  }
0x10: {  	[tilespmem:$0x14B0] =	vst v0  }
0x11: {  	[tilespmem:$0x14C0] =	vst v0  }
0x12: {  	[tilespmem:$0x14D0] =	vst v0  }
0x13: {  	[tilespmem:$0x14E0] =	vst v0  }
0x14: {  	[tilespmem:$0x14F0] =	vst v0  }
0x15: {  	[tilespmem:$0x1500] =	vst v0  }
0x16: {  	[tilespmem:$0x1510] =	vst v0  }
0x17: {  	[tilespmem:$0x1520] =	vst v0  }
0x18: {  	[tilespmem:$0x1530] =	vst v0  }
0x19: {  	[tilespmem:$0x1540] =	vst v0  }
0x1a: {  	[tilespmem:$0x1550] =	vst v0  }
0x1b: {  	[tilespmem:$0x1560] =	vst v0  }
0x1c: {  	[tilespmem:$0x1570] =	vst v0  }
0x1d: {  	[tilespmem:$0x1580] =	vst v0  }
0x1e: {  	[tilespmem:$0x1590] =	vst v0  }
0x1f: {  	[tilespmem:$0x15A0] =	vst v0  }
0x20: {  	[tilespmem:$0x15B0] =	vst v0  }
0x21: {  	[tilespmem:$0x15C0] =	vst v0  }
0x22: {  	[tilespmem:$0x15D0] =	vst v0  }
0x23: {  	[tilespmem:$0x15E0] =	vst v0  }
0x24: {  	[tilespmem:$0x15F0] =	vst v0  }
0x25: {  	[tilespmem:$0x1600] =	vst v0  }
0x26: {  	[tilespmem:$0x1610] =	vst v0  }
0x27: {  	[tilespmem:$0x1620] =	vst v0  }
0x28: {  	[tilespmem:$0x1630] =	vst v0  }
0x29: {  	[tilespmem:$0x1640] =	vst v0  }
0x2a: {  	[tilespmem:$0x1650] =	vst v0  }
0x2b: {  	[tilespmem:$0x1660] =	vst v0  }
0x2c: {  	[tilespmem:$0x1670] =	vst v0  }
0x2d: {  	[tilespmem:$0x1680] =	vst v0  }
0x2e: {  	[tilespmem:$0x1690] =	vst v0  }
0x2f: {  	[tilespmem:$0x16A0] =	vst v0  }
0x30: {  	[tilespmem:$0x16B0] =	vst v0  }
0x31: {  	[tilespmem:$0x16C0] =	vst v0  }
0x32: {  	[tilespmem:$0x16D0] =	vst v0  }
0x33: {  	[tilespmem:$0x16E0] =	vst v0  }
0x34: {  	[tilespmem:$0x16F0] =	vst v0  }
0x35: {  	[spmem:s4] =	stream.linear.scatter [tilespmem:s8], [sflag:$0x1], $0x280, $0x38;
	[tilespmem:$0x1980] =	vst v63  }
0x36: {  	_ =	swait.ge [sflag:s9], $0x280  }
0x37: {  	[sflag:s9] =	ssyncset.done $0x0  }
0x38: {  	[sflag:s9] =	ssyncadd.s32 $0xFFFFFD80  }
0x39: {  	[tilespmem:s3], [sflag:$0x1] =	stream.linear.gather [hbm4b:s5+s3], $0x1400, $0x38;
	[tilespmem:$0x1980] =	vst v63  }
0x3a: {  	_ =	swait.ge [sflag:s9], $0x1400  }
0x3b: {  	[sflag:s9] =	ssyncset.done $0x0  }
0x3c: {  	[sflag:s9] =	ssyncadd.s32 $0xFFFFEC00  }
0x3d: {  	[tilespmem:$0x1400] =	vst v1  }
0x3e: {  	[tilespmem:$0x1410] =	vst v1  }
0x3f: {  	[tilespmem:$0x1420] =	vst v1  }
0x40: {  	[tilespmem:$0x1430] =	vst v1  }
0x41: {  	[tilespmem:$0x1440] =	vst v1  }
0x42: {  	[tilespmem:$0x1450] =	vst v1  }
0x43: {  	[tilespmem:$0x1460] =	vst v1  }
0x44: {  	[tilespmem:$0x146D] =	vst v1  }
0x45: {  	s15 =	simm.s32 $0x0;
	[bflag:$0x0] =	sbarrier.arrive $0xFFFF  }
0x46: {  	[spmem:s2] =	stream.indirect.scatter.add.f32 [tilespmem:s11], [sflag:$0x1], $0x1, s15, s10, $0xb8;
	[tilespmem:$0x1980] =	vst v63  }
0x47: {  	_ =	swait.ge [sflag:s9], $0x7D  }
0x48: {  	s15 =	simm.s32 $0x200;
	[sflag:s9] =	ssyncset.done $0x0  }
.LBB2_2:
0x49: {  	s16 =	sshra.s32 s15, $0x2;
	[sflag:s9] =	ssyncadd.s32 $0xFFFFFF83;
	p0 =	sne.s32 s15, $0x4E00  }
0x4a: {  	[spmem:s2] =	stream.indirect.scatter.add.f32 [tilespmem:s11], [sflag:$0x1], $0x1, s16, s10, $0xb8;
	[tilespmem:$0x1980] =	vst v63  }
.Ltmp0:
0x4b: {  	_ = 	snop;
	(pc) =	sbr.rel @p0 .LBB2_2-.Ltmp0, $4  }
0x4c: {  	_ = 	snop  }
0x4d: {  	s15 =	sadd.s32 $0x200, s15  }
0x4e: {  	_ =	swait.ge [sflag:s9], $0x7D  }
0x4f: {  	[sflag:s9] =	ssyncset.done $0x0  }
0x50: {  	[sflag:s9] =	ssyncadd.s32 $0xFFFFFF83  }
0x51: {  	[bflag:$0x0] =	sbarrier.arrive $0xFFFF  }
0x52: {  	[tilespmem:s8], [sflag:$0x1] =	stream.linear.gather [spmem:s4], $0x280, $0x38;
	[tilespmem:$0x1980] =	vst v63  }
0x53: {  	s14 =	sadd.s32 $0x1, s14;
	_ =	swait.ge [sflag:s9], $0x280  }
0x54: {  	p0 =	sne.s32 s14, s7;
	[sflag:s9] =	ssyncset.done $0x0  }
.Ltmp1:
0x55: {  	[sflag:s9] =	ssyncadd.s32 $0xFFFFFD80;
	(pc) =	sbr.rel @p0 .LBB2_1-.Ltmp1, $4  }
0x56: {  	[hbm4b:s6+s12] =	stream.strided.scatter [tilespmem:s8], [sflag:$0x1], $0x280, s13, s12, $0x38;
	[tilespmem:$0x1980] =	vst v63  }
0x57: {  	_ =	swait.ge [sflag:s9], $0x280  }
0x58: {  	[sflag:s9] =	ssyncset.done $0x0  }
0x59: {  	[sflag:s9] =	ssyncadd.s32 $0xFFFFFD80  }
0x5a: {  	_ =	sfence.sel $0x180000  }
0x5b: {  	[bflag:$0x0] =	sbarrier.arrive $0xFFFF  }
0x5c: {  	p0 =	sne.s32 s1, $0x0;
	_ =	strace $0x90000047  }
0x5d: {  	s0 =	sadd.s32 @!p0 $0x100000, s0;
	[bflag:$0x2] =	sbarrier.arrive $0xFFFF  }
0x5e: {  	[sflag:s0] =	ssyncadd.tile.s32 @!p0 $0x1;
	_ =	shalt  }
.Lfunc_end2:
_tile_overlayer_lowered:
.L_overlay_start_2:
0x5f: {  	(tag) =	ssettag $0x2  }
0x60: {  	s0 =	rddreg [dreg:$0x0];
	s2 =	stileid.u32  }
0x61: {  	s1 =	rddreg [dreg:$0x1];
	p0 =	sne.s32 s2, $0x0  }
0x62: {  	s3 =	rddreg [dreg:$0x2];
	[bflag:$0x3] =	sbarrier.arrive $0xFFFF;
	s2 =	simm.s32 @!p0 $0x1C01  }
0x63: {  	[timem:s3], [sflag:s2] =	dma.local @!p0 [hbm:s0], s1  }
0x64: {  	s0 =	simm.s32 @!p0 $0x1  }
0x65: {  	_ =	swait.ge @!p0 [sflag:s0], s1  }
0x66: {  	s1 =	ssub.s32 @!p0 $0x0, s1;
	[sflag:s0] =	ssyncset.done @!p0 $0x0  }
0x67: {  	[sflag:s0] =	ssyncadd.s32 @!p0 s1  }
0x68: {  	[bflag:$0x3] =	sbarrier.arrive $0xFFFF  }
0x69: {  	_ =	shalt  }

</sc_bundles>
